<compile_context>
chip_gen: v7x
topology: tpu7x:2x2x1
jax: 0.10.2.dev20260603
libtpu: 0.0.44.dev20260713+nightly
codegen_flags: <defaults>
</compile_context>

<pallas_src>
import functools

import jax
import jax.numpy as jnp
from jax import lax
from jax.experimental import pallas as pl
from jax.experimental.pallas import tpu as pltpu
from jax.experimental.pallas import tpu_sc as plsc

N = 10000
E = 320000
D = 128
NP = 10240
NC = 2
NS = 16
NW = NC * NS
CH = 128
NCHT = E // CH
NCH = NCHT // NW
NXW = NCHT - NCH * NW
SLP = NP // NS

_MESH = plsc.VectorSubcoreMesh(core_axis_name="c", subcore_axis_name="s")
_SC_PARAMS = pltpu.CompilerParams(needs_layout_passes=False)


@functools.partial(
    pl.kernel,
    out_type=jax.ShapeDtypeStruct((NC, NP), jnp.float32),
    mesh=_MESH,
    compiler_params=_SC_PARAMS,
    scratch_types=[
        pltpu.VMEM((NCH, 2, CH), jnp.int32),
        pltpu.VMEM((2, CH), jnp.int32),
        pltpu.VMEM((NP,), jnp.float32),
        pltpu.VMEM((NS, SLP), jnp.float32),
        pltpu.VMEM((SLP,), jnp.float32),
        pltpu.VMEM_SHARED((NS, NP), jnp.float32),
        pltpu.SemaphoreType.DMA,
    ],
)
def _deg_hist(ei_hbm, out_hbm, chunks, xtra, hist, buf, comb, hist_all, sem):
    cid = lax.axis_index("c")
    sid = lax.axis_index("s")
    wid = sid * NC + cid
    z16 = jnp.zeros((16,), jnp.float32)
    ones16 = jnp.ones((16,), jnp.float32)

    def fire_chunk(m, _):
        off = (m * NW + wid) * CH
        pltpu.async_copy(ei_hbm.at[pl.ds(0, 2), pl.ds(off, CH)],
                         chunks.at[m], sem)
        return 0

    lax.fori_loop(0, NCH, fire_chunk, 0)

    def zloop(i, _):
        hist[pl.ds(i * 16, 16)] = z16
        return 0

    lax.fori_loop(0, NP // 16, zloop, 0)

    def drain_chunk(m, _):
        pltpu.make_async_copy(ei_hbm.at[pl.ds(0, 2), pl.ds(wid * CH, CH)],
                              chunks.at[m], sem).wait()
        return 0

    lax.fori_loop(0, NCH, drain_chunk, 0)

    def hloop(i, _):
        idx = chunks[i >> 3, 1, pl.ds((i & 7) * 16, 16)]
        plsc.addupdate_scatter(hist, [idx], ones16)
        return 0

    lax.fori_loop(0, NCH * CH // 16, hloop, 0)

    @pl.when(wid < NXW)
    def _():
        pltpu.sync_copy(
            ei_hbm.at[pl.ds(0, 2), pl.ds((NCH * NW + wid) * CH, CH)], xtra)

        def xloop(i, _):
            idx = xtra[1, pl.ds(i * 16, 16)]
            plsc.addupdate_scatter(hist, [idx], ones16)
            return 0

        lax.fori_loop(0, CH // 16, xloop, 0)
    pltpu.sync_copy(hist, hist_all.at[sid])
    plsc.subcore_barrier()
    pltpu.sync_copy(hist_all.at[pl.ds(0, NS), pl.ds(sid * SLP, SLP)], buf)

    def cloop(k, _):
        v = buf[0, pl.ds(k * 16, 16)]
        for r in range(1, NS):
            v = v + buf[r, pl.ds(k * 16, 16)]
        comb[pl.ds(k * 16, 16)] = v
        return 0

    lax.fori_loop(0, SLP // 16, cloop, 0)
    pltpu.sync_copy(comb, out_hbm.at[cid, pl.ds(sid * SLP, SLP)])


@functools.partial(
    pl.kernel,
    out_type=jax.ShapeDtypeStruct((NC, NP, D), jnp.float32),
    mesh=_MESH,
    compiler_params=_SC_PARAMS,
    scratch_types=[
        pltpu.VMEM((3, 2, CH), jnp.int32),
        pltpu.VMEM((2, CH, D), jnp.float32),
        pltpu.VMEM_SHARED((NP, D), jnp.float32),
        pltpu.SemaphoreType.DMA,
        pltpu.SemaphoreType.DMA,
        pltpu.SemaphoreType.DMA,
        pltpu.SemaphoreType.DMA,
    ],
)
def _edge_scatter(ei_hbm, g_hbm, z_hbm, out_hbm, iblk, rows,
                  acc_sh, gsem, ssem0, ssem1, isem):
    cid = lax.axis_index("c")
    sid = lax.axis_index("s")
    wid = sid * NC + cid
    base = sid * SLP
    ssems = (ssem0, ssem1)

    def fire_g(m, p, buf):
        pltpu.async_copy(g_hbm.at[iblk.at[p, 0]], rows.at[buf], gsem)

    def drain_g(m, p, buf):
        pltpu.make_async_copy(g_hbm.at[iblk.at[p, 0]], rows.at[buf],
                              gsem).wait()

    def fire_s(m, p, buf, r):
        pltpu.async_copy(rows.at[buf], acc_sh.at[iblk.at[p, 1]], ssems[r],
                         add=True)

    def drain_s(m, p, buf, r):
        pltpu.make_async_copy(rows.at[buf], acc_sh.at[iblk.at[p, 1]],
                              ssems[r]).wait()

    def fire_idx(m, p):
        pltpu.async_copy(
            ei_hbm.at[pl.ds(0, 2), pl.ds((m * NW + wid) * CH, CH)],
            iblk.at[p], isem)

    def drain_idx(m, p):
        pltpu.make_async_copy(
            ei_hbm.at[pl.ds(0, 2), pl.ds((m * NW + wid) * CH, CH)],
            iblk.at[p], isem).wait()

    pltpu.sync_copy(ei_hbm.at[pl.ds(0, 2), pl.ds(wid * CH, CH)], iblk.at[0])
    fire_idx(1, 1)
    fire_g(0, 0, 0)
    pltpu.sync_copy(z_hbm, acc_sh.at[pl.ds(base, SLP)])
    plsc.subcore_barrier()

    drain_g(0, 0, 0); fire_s(0, 0, 0, 0)
    drain_idx(1, 1); fire_idx(2, 2); fire_g(1, 1, 1)
    drain_g(1, 1, 1); fire_s(1, 1, 1, 1); drain_s(0, 0, 0, 0)
    drain_idx(2, 2); fire_idx(3, 0); fire_g(2, 2, 0)

    def pair(t, _):
        m0 = 2 * t
        p0 = lax.rem(m0, 3)
        p1 = lax.rem(m0 + 1, 3)
        p2 = lax.rem(m0 + 2, 3)
        p3 = lax.rem(m0 + 3, 3)
        drain_g(m0, p0, 0); fire_s(m0, p0, 0, 0); drain_s(m0 - 1, p2, 1, 1)
        drain_idx(m0 + 1, p1); fire_idx(m0 + 2, p2); fire_g(m0 + 1, p1, 1)
        drain_g(m0 + 1, p1, 1); fire_s(m0 + 1, p1, 1, 1)
        drain_s(m0, p0, 0, 0)
        drain_idx(m0 + 2, p2); fire_idx(m0 + 3, p0); fire_g(m0 + 2, p2, 0)
        return 0

    lax.fori_loop(1, NCH // 2 - 1, pair, 0)

    m = NCH - 2
    p0, p1, p2 = m % 3, (m + 1) % 3, (m + 2) % 3
    drain_g(m, p0, 0); fire_s(m, p0, 0, 0); drain_s(m - 1, p2, 1, 1)
    drain_idx(m + 1, p1); fire_g(m + 1, p1, 1)
    m = NCH - 1
    drain_g(m, p1, 1); fire_s(m, p1, 1, 1); drain_s(m - 1, p0, 0, 0)

    drain_s(NCH - 1, p1, 1, 1)

    @pl.when(wid < NXW)
    def _():
        pltpu.sync_copy(
            ei_hbm.at[pl.ds(0, 2), pl.ds((NCH * NW + wid) * CH, CH)],
            iblk.at[0])
        pltpu.async_copy(g_hbm.at[iblk.at[0, 0]], rows.at[0], gsem).wait()
        pltpu.sync_copy(rows.at[0], acc_sh.at[iblk.at[0, 1]], add=True)

    plsc.subcore_barrier()
    pltpu.sync_copy(
        acc_sh.at[pl.ds(base, SLP)],
        out_hbm.at[cid, pl.ds(base, SLP)],
    )


BR = 2000
GRID = N // BR

_row_spec = pl.BlockSpec((BR, D), lambda i: (i, 0))
_col_spec = pl.BlockSpec((BR, 1), lambda i: (i, 0))
_w_spec = pl.BlockSpec((D, D), lambda i: (0, 0))
_b_spec = pl.BlockSpec((1, D), lambda i: (0, 0))
_a0_spec = pl.BlockSpec((1, BR, D), lambda i: (0, i, 0))
_a1_spec = pl.BlockSpec((1, BR, D), lambda i: (1, i, 0))


def _scale_matmul_body(d0_ref, d1_ref, x_ref, w_ref, g_ref):
    s = lax.rsqrt(d0_ref[...] + d1_ref[...] + 1.0)
    g_ref[...] = jnp.dot(x_ref[...], w_ref[...],
                         preferred_element_type=jnp.float32) * s


def _scale_matmul(d0, d1, x, w):
    return pl.pallas_call(
        _scale_matmul_body,
        out_shape=jax.ShapeDtypeStruct((N, D), jnp.float32),
        grid=(GRID,),
        in_specs=[_col_spec, _col_spec, _row_spec, _w_spec],
        out_specs=_row_spec,
    )(d0, d1, x, w)


def _mid_body(d0_ref, d1_ref, a0_ref, a1_ref, g_ref, b_ref, w_ref, o_ref):
    s = lax.rsqrt(d0_ref[...] + d1_ref[...] + 1.0)
    pre = s * (a0_ref[0] + a1_ref[0] + g_ref[...]) + b_ref[...]
    h = jnp.maximum(pre, 0.0)
    o_ref[...] = jnp.dot(h, w_ref[...], preferred_element_type=jnp.float32) * s


def _mid(d0, d1, acc, g, b, w):
    return pl.pallas_call(
        _mid_body,
        out_shape=jax.ShapeDtypeStruct((N, D), jnp.float32),
        grid=(GRID,),
        in_specs=[_col_spec, _col_spec, _a0_spec, _a1_spec, _row_spec,
                  _b_spec, _w_spec],
        out_specs=_row_spec,
    )(d0, d1, acc, acc, g, b, w)


def _final_body(d0_ref, d1_ref, a0_ref, a1_ref, g_ref, b_ref, o_ref):
    s = lax.rsqrt(d0_ref[...] + d1_ref[...] + 1.0)
    o_ref[...] = s * (a0_ref[0] + a1_ref[0] + g_ref[...]) + b_ref[...]


def _final(d0, d1, acc, g, b):
    return pl.pallas_call(
        _final_body,
        out_shape=jax.ShapeDtypeStruct((N, D), jnp.float32),
        grid=(GRID,),
        in_specs=[_col_spec, _col_spec, _a0_spec, _a1_spec, _row_spec,
                  _b_spec],
        out_specs=_row_spec,
    )(d0, d1, acc, acc, g, b)


def kernel(x, edge_index, W1, b1, W2, b2):
    zrows = jnp.zeros((SLP, D), jnp.float32)
    b1r = b1.reshape(1, D)
    b2r = b2.reshape(1, D)

    deg2 = _deg_hist(edge_index)
    d0 = deg2[0].reshape(NP, 1)
    d1 = deg2[1].reshape(NP, 1)

    g1 = _scale_matmul(d0, d1, x, W1)
    acc1 = _edge_scatter(edge_index, g1, zrows)
    g2 = _mid(d0, d1, acc1, g1, b1r, W2)
    acc2 = _edge_scatter(edge_index, g2, zrows)
    out = _final(d0, d1, acc2, g2, b2r)
    return out

# --- scband reference (transcript-rebuilt; emitter-appended) ---
"""Pipeline reference for scband-dgi-60378650247355 (READ-ONLY COPY).

The authoritative reference and input builder live on the scoring server;
editing this copy changes nothing except your own understanding.
"""

import jax, jax.numpy as jnp
import numpy as np

N = 10000
E = 320000
D_IN = 128
D_HID = 128
D_OUT = 128


def _glorot(key, shape):
    lim = np.sqrt(6.0 / (shape[0] + shape[1]))
    return jax.random.uniform(key, shape, dtype=jnp.float32, minval=-lim, maxval=lim)


def setup_inputs(seed: int = 0):
    key = jax.random.key(seed)
    ks = jax.random.split(key, 4)
    x = jax.random.normal(ks[0], (N, D_IN), dtype=jnp.float32)
    edge_index = jax.random.randint(ks[1], (2, E), 0, N, dtype=jnp.int32)
    W1 = _glorot(ks[2], (D_IN, D_HID))
    b1 = jnp.zeros((D_HID,), dtype=jnp.float32)
    W2 = _glorot(ks[3], (D_HID, D_OUT))
    b2 = jnp.zeros((D_OUT,), dtype=jnp.float32)
    return {"x": x, "edge_index": edge_index, "W1": W1, "b1": b1, "W2": W2, "b2": b2}


def _add_self_loops(edge_index, num_nodes):
    loop = jnp.arange(num_nodes, dtype=edge_index.dtype)
    return jnp.concatenate([edge_index, jnp.stack([loop, loop])], axis=1)


def _gcn_conv(x, edge_index, W, b, num_nodes):
    # GCNConv: X' = D^{-1/2} A D^{-1/2} (X W) + b, with self-loops added by caller
    src = edge_index[0]
    dst = edge_index[1]
    h = x @ W
    deg = jnp.zeros((num_nodes,), dtype=jnp.float32).at[dst].add(1.0)
    deg_inv_sqrt = jnp.where(deg > 0, jnp.where(deg > 0, deg, 1.0) ** -0.5, 0.0)
    norm = deg_inv_sqrt[src] * deg_inv_sqrt[dst]
    msgs = h[src] * norm[:, None]
    out = jnp.zeros((num_nodes, h.shape[1]), dtype=h.dtype).at[dst].add(msgs)
    return out + b


def reference(x, edge_index, W1, b1, W2, b2):
    num_nodes = x.shape[0]
    ei = _add_self_loops(edge_index, num_nodes)
    h = _gcn_conv(x, ei, W1, b1, num_nodes)
    h = jax.nn.relu(h)
    # dropout is a no-op in eval mode
    h = _gcn_conv(h, ei, W2, b2, num_nodes)
    return h

if __name__ == "__main__":
    import jax
    _d = setup_inputs()
    print(jax.jit(kernel)(*tuple(_d.values())))

</pallas_src>

<mosaic_0001>
#map = affine_map<(d0, d1) -> (0, 0)>
module attributes {stable_mosaic.version = 14 : i64} {
  func.func @_deg_hist(%arg0: i32, %arg1: i32, %arg2: memref<2x320000xi32, #tpu.memory_space<hbm>>, %arg3: memref<2x10240xf32, #tpu.memory_space<hbm>>, %arg4: memref<78x2x128xi32, #tpu.memory_space<vmem>>, %arg5: memref<2x128xi32, #tpu.memory_space<vmem>>, %arg6: memref<10240xf32, #tpu.memory_space<vmem>>, %arg7: memref<16x640xf32, #tpu.memory_space<vmem>>, %arg8: memref<640xf32, #tpu.memory_space<vmem>>, %arg9: memref<16x10240xf32, #tpu.memory_space<vmem_shared>>, %arg10: memref<!tpu.dma_semaphore, #tpu.memory_space<semaphore_mem>>) attributes {dimension_semantics = [#tpu.dimension_semantics<core_parallel>, #tpu.dimension_semantics<subcore_parallel>], iteration_bounds = array<i64: 2, 16>, scalar_prefetch = 0 : i64, scratch_operands = 7 : i64, tpu.core_type = #tpu.core_type<sc_vector_subcore>, window_params = [{transform_indices = #map}, {transform_indices = #map}]} {
    %mul3A = arith.constant 2 : i32
    %mul3A_0 = arith.muli %arg1, %mul3A : i32
    %add3A = arith.addi %mul3A_0, %arg0 : i32
    %broadcast_in_dim3A = arith.constant 0.000000e+00 : f32
    %broadcast_in_dim3A_1 = vector.broadcast %broadcast_in_dim3A : f32 to vector<16xf32>
    %broadcast_in_dim3A_2 = arith.constant 1.000000e+00 : f32
    %broadcast_in_dim3A_3 = vector.broadcast %broadcast_in_dim3A_2 : f32 to vector<16xf32>
    %scan3A = arith.constant 0 : i32
    %scan3A_4 = arith.constant 0 : i32
    %scan3A_5 = arith.constant 78 : i32
    %scan3A_6 = arith.addi %scan3A_4, %scan3A_5 : i32
    %scan3A_7 = arith.constant 1 : i32
    %scan3A_8 = scf.for %scan3A_44 = %scan3A_4 to %scan3A_6 step %scan3A_7 iter_args(%scan3A_45 = %scan3A) -> (i32)  : i32 {
      %mul3A_46 = arith.constant 32 : i32
      %mul3A_47 = arith.muli %scan3A_44, %mul3A_46 : i32
      %add3A_48 = arith.addi %mul3A_47, %add3A : i32
      %mul3A_49 = arith.constant 128 : i32
      %mul3A_50 = arith.muli %add3A_48, %mul3A_49 : i32
      %dma_start3A = arith.constant 0 : i32
      %dma_start3A_51 = arith.constant 0 : i32
      %dma_start3A_52 = tpu.memref_slice %arg4[%scan3A_44, %dma_start3A, %dma_start3A_51] : memref<78x2x128xi32, #tpu.memory_space<vmem>> -> memref<1x2x128xi32, #tpu.memory_space<vmem>>
      %dma_start3A_53 = tpu.memref_squeeze %dma_start3A_52 : memref<1x2x128xi32, #tpu.memory_space<vmem>> -> memref<2x128xi32, #tpu.memory_space<vmem>>
      %dma_start3A_54 = arith.constant 0 : i32
      %dma_start3A_55 = tpu.memref_slice %arg2[%dma_start3A_54, %mul3A_50] : memref<2x320000xi32, #tpu.memory_space<hbm>> -> memref<2x128xi32, #tpu.memory_space<hbm>>
      %dma_start3A_56 = arith.constant 0 : i32
      %dma_start3A_57 = arith.constant 0 : i32
      %dma_start3A_58 = tpu.memref_slice %arg4[%scan3A_44, %dma_start3A_56, %dma_start3A_57] : memref<78x2x128xi32, #tpu.memory_space<vmem>> -> memref<1x2x128xi32, #tpu.memory_space<vmem>>
      %dma_start3A_59 = tpu.memref_squeeze %dma_start3A_58 : memref<1x2x128xi32, #tpu.memory_space<vmem>> -> memref<2x128xi32, #tpu.memory_space<vmem>>
      %dma_start3A_60 = arith.constant 0 : i32
      %dma_start3A_61 = tpu.memref_slice %arg2[%dma_start3A_60, %mul3A_50] : memref<2x320000xi32, #tpu.memory_space<hbm>> -> memref<2x128xi32, #tpu.memory_space<hbm>>
      tpu.enqueue_dma source(%dma_start3A_61 : memref<2x128xi32, #tpu.memory_space<hbm>>) target(%dma_start3A_59 : memref<2x128xi32, #tpu.memory_space<vmem>>) target_semaphore(%arg10 : memref<!tpu.dma_semaphore, #tpu.memory_space<semaphore_mem>>)
      %scan3A_62 = arith.constant 0 : i32
      scf.yield %scan3A_62 : i32
    }
    %scan3A_9 = arith.constant 78 : i32
    %scan3A_10 = arith.constant 0 : i32
    %scan3A_11 = arith.constant 0 : i32
    %scan3A_12 = arith.constant 640 : i32
    %scan3A_13 = arith.addi %scan3A_11, %scan3A_12 : i32
    %scan3A_14 = arith.constant 1 : i32
    %scan3A_15 = scf.for %scan3A_44 = %scan3A_11 to %scan3A_13 step %scan3A_14 iter_args(%scan3A_45 = %scan3A_10) -> (i32)  : i32 {
      %mul3A_46 = arith.constant 16 : i32
      %mul3A_47 = arith.muli %scan3A_44, %mul3A_46 : i32
      %swap3A = arith.index_cast %mul3A_47 : i32 to index
      %swap3A_48 = tpu.vector_load %arg6[%swap3A] {strides = array<i32>} : memref<10240xf32, #tpu.memory_space<vmem>>, vector<16xf32>,
      tpu.vector_store %arg6[%swap3A], %broadcast_in_dim3A_1 {strides = array<i32>} : memref<10240xf32, #tpu.memory_space<vmem>>, vector<16xf32>,
      %scan3A_49 = arith.constant 0 : i32
      scf.yield %scan3A_49 : i32
    }
    %scan3A_16 = arith.constant 640 : i32
    %scan3A_17 = arith.constant 0 : i32
    %scan3A_18 = arith.constant 0 : i32
    %scan3A_19 = arith.constant 78 : i32
    %scan3A_20 = arith.addi %scan3A_18, %scan3A_19 : i32
    %scan3A_21 = arith.constant 1 : i32
    %scan3A_22 = scf.for %scan3A_44 = %scan3A_18 to %scan3A_20 step %scan3A_21 iter_args(%scan3A_45 = %scan3A_17) -> (i32)  : i32 {
      %mul3A_46 = arith.constant 128 : i32
      %mul3A_47 = arith.muli %add3A, %mul3A_46 : i32
      %dma_wait3A = arith.constant 0 : i32
      %dma_wait3A_48 = arith.constant 0 : i32
      %dma_wait3A_49 = tpu.memref_slice %arg4[%scan3A_44, %dma_wait3A, %dma_wait3A_48] : memref<78x2x128xi32, #tpu.memory_space<vmem>> -> memref<1x2x128xi32, #tpu.memory_space<vmem>>
      %dma_wait3A_50 = tpu.memref_squeeze %dma_wait3A_49 : memref<1x2x128xi32, #tpu.memory_space<vmem>> -> memref<2x128xi32, #tpu.memory_space<vmem>>
      %dma_wait3A_51 = arith.constant 0 : i32
      %dma_wait3A_52 = tpu.memref_slice %arg2[%dma_wait3A_51, %mul3A_47] : memref<2x320000xi32, #tpu.memory_space<hbm>> -> memref<2x128xi32, #tpu.memory_space<hbm>>
      %dma_wait3A_53 = arith.constant 0 : i32
      %dma_wait3A_54 = arith.constant 0 : i32
      %dma_wait3A_55 = tpu.memref_slice %arg4[%scan3A_44, %dma_wait3A_53, %dma_wait3A_54] : memref<78x2x128xi32, #tpu.memory_space<vmem>> -> memref<1x2x128xi32, #tpu.memory_space<vmem>>
      %dma_wait3A_56 = tpu.memref_squeeze %dma_wait3A_55 : memref<1x2x128xi32, #tpu.memory_space<vmem>> -> memref<2x128xi32, #tpu.memory_space<vmem>>
      %dma_wait3A_57 = arith.constant 0 : i32
      %dma_wait3A_58 = tpu.memref_slice %arg2[%dma_wait3A_57, %mul3A_47] : memref<2x320000xi32, #tpu.memory_space<hbm>> -> memref<2x128xi32, #tpu.memory_space<hbm>>
      tpu.wait_dma2 semaphore(%arg10 : memref<!tpu.dma_semaphore, #tpu.memory_space<semaphore_mem>>) src(%dma_wait3A_58 : memref<2x128xi32, #tpu.memory_space<hbm>>) dst(%dma_wait3A_56 : memref<2x128xi32, #tpu.memory_space<vmem>>)
      %scan3A_59 = arith.constant 0 : i32
      scf.yield %scan3A_59 : i32
    }
    %scan3A_23 = arith.constant 78 : i32
    %scan3A_24 = arith.constant 0 : i32
    %scan3A_25 = arith.constant 0 : i32
    %scan3A_26 = arith.constant 624 : i32
    %scan3A_27 = arith.addi %scan3A_25, %scan3A_26 : i32
    %scan3A_28 = arith.constant 1 : i32
    %scan3A_29 = scf.for %scan3A_44 = %scan3A_25 to %scan3A_27 step %scan3A_28 iter_args(%scan3A_45 = %scan3A_24) -> (i32)  : i32 {
      %shift_right_arithmetic3A = arith.constant 3 : i32
      %shift_right_arithmetic3A_46 = arith.shrsi %scan3A_44, %shift_right_arithmetic3A : i32
      %and3A = arith.constant 7 : i32
      %and3A_47 = arith.andi %scan3A_44, %and3A : i32
      %mul3A_48 = arith.constant 16 : i32
      %mul3A_49 = arith.muli %and3A_47, %mul3A_48 : i32
      %get3A = arith.constant 1 : i32
      %get3A_50 = arith.index_cast %shift_right_arithmetic3A_46 : i32 to index
      %get3A_51 = arith.index_cast %get3A : i32 to index
      %get3A_52 = arith.index_cast %mul3A_49 : i32 to index
      %get3A_53 = tpu.vector_load %arg4[%get3A_50, %get3A_51, %get3A_52] {strides = array<i32>} : memref<78x2x128xi32, #tpu.memory_space<vmem>>, vector<16xi32>,
      tpu.vector_store_idx %arg6[%get3A_53], %broadcast_in_dim3A_3 {add = true} : memref<10240xf32, #tpu.memory_space<vmem>>[vector<16xi32>], vector<16xf32>,
      %scan3A_54 = arith.constant 0 : i32
      scf.yield %scan3A_54 : i32
    }
    %scan3A_30 = arith.constant 624 : i32
    %lt3A = arith.constant 4 : i32
    %lt3A_31 = arith.cmpi slt, %add3A, %lt3A : i32
    %convert_element_type3A = arith.extui %lt3A_31 : i1 to i32
    %cond3A = arith.constant 0 : i32
    %cond3A_32 = arith.cmpi ne, %convert_element_type3A, %cond3A : i32
    scf.if %cond3A_32 {
      %add3A_44 = arith.constant 2496 : i32
      %add3A_45 = arith.addi %add3A_44, %add3A : i32
      %mul3A_46 = arith.constant 128 : i32
      %mul3A_47 = arith.muli %add3A_45, %mul3A_46 : i32
      "tpu.region"() ({
        %run_scoped3A = tpu.sem_alloc : memref<!tpu.dma_semaphore, #tpu.memory_space<semaphore_mem>>
        %dma_start3A = arith.constant 0 : i32
        %dma_start3A_55 = tpu.memref_slice %arg2[%dma_start3A, %mul3A_47] : memref<2x320000xi32, #tpu.memory_space<hbm>> -> memref<2x128xi32, #tpu.memory_space<hbm>>
        %dma_start3A_56 = arith.constant 0 : i32
        %dma_start3A_57 = tpu.memref_slice %arg2[%dma_start3A_56, %mul3A_47] : memref<2x320000xi32, #tpu.memory_space<hbm>> -> memref<2x128xi32, #tpu.memory_space<hbm>>
        tpu.enqueue_dma source(%dma_start3A_57 : memref<2x128xi32, #tpu.memory_space<hbm>>) target(%arg5 : memref<2x128xi32, #tpu.memory_space<vmem>>) target_semaphore(%run_scoped3A : memref<!tpu.dma_semaphore, #tpu.memory_space<semaphore_mem>>)
        %dma_wait3A = arith.constant 0 : i32
        %dma_wait3A_58 = tpu.memref_slice %arg2[%dma_wait3A, %mul3A_47] : memref<2x320000xi32, #tpu.memory_space<hbm>> -> memref<2x128xi32, #tpu.memory_space<hbm>>
        %dma_wait3A_59 = arith.constant 0 : i32
        %dma_wait3A_60 = tpu.memref_slice %arg2[%dma_wait3A_59, %mul3A_47] : memref<2x320000xi32, #tpu.memory_space<hbm>> -> memref<2x128xi32, #tpu.memory_space<hbm>>
        tpu.wait_dma2 semaphore(%run_scoped3A : memref<!tpu.dma_semaphore, #tpu.memory_space<semaphore_mem>>) src(%dma_wait3A_60 : memref<2x128xi32, #tpu.memory_space<hbm>>) dst(%arg5 : memref<2x128xi32, #tpu.memory_space<vmem>>)
        tpu.yield
      }) : () -> ()
      %scan3A_48 = arith.constant 0 : i32
      %scan3A_49 = arith.constant 0 : i32
      %scan3A_50 = arith.constant 8 : i32
      %scan3A_51 = arith.addi %scan3A_49, %scan3A_50 : i32
      %scan3A_52 = arith.constant 1 : i32
      %scan3A_53 = scf.for %scan3A_55 = %scan3A_49 to %scan3A_51 step %scan3A_52 iter_args(%scan3A_56 = %scan3A_48) -> (i32)  : i32 {
        %mul3A_57 = arith.constant 16 : i32
        %mul3A_58 = arith.muli %scan3A_55, %mul3A_57 : i32
        %get3A = arith.constant 1 : i32
        %get3A_59 = arith.index_cast %get3A : i32 to index
        %get3A_60 = arith.index_cast %mul3A_58 : i32 to index
        %get3A_61 = tpu.vector_load %arg5[%get3A_59, %get3A_60] {strides = array<i32>} : memref<2x128xi32, #tpu.memory_space<vmem>>, vector<16xi32>,
        tpu.vector_store_idx %arg6[%get3A_61], %broadcast_in_dim3A_3 {add = true} : memref<10240xf32, #tpu.memory_space<vmem>>[vector<16xi32>], vector<16xf32>,
        %scan3A_62 = arith.constant 0 : i32
        scf.yield %scan3A_62 : i32
      }
      %scan3A_54 = arith.constant 8 : i32
    } else {
    }
    "tpu.region"() ({
      %run_scoped3A = tpu.sem_alloc : memref<!tpu.dma_semaphore, #tpu.memory_space<semaphore_mem>>
      %dma_start3A = arith.constant 0 : i32
      %dma_start3A_44 = tpu.memref_slice %arg9[%arg1, %dma_start3A] : memref<16x10240xf32, #tpu.memory_space<vmem_shared>> -> memref<1x10240xf32, #tpu.memory_space<vmem_shared>>
      %dma_start3A_45 = tpu.memref_squeeze %dma_start3A_44 : memref<1x10240xf32, #tpu.memory_space<vmem_shared>> -> memref<10240xf32, #tpu.memory_space<vmem_shared>>
      %dma_start3A_46 = arith.constant 0 : i32
      %dma_start3A_47 = tpu.memref_slice %arg9[%arg1, %dma_start3A_46] : memref<16x10240xf32, #tpu.memory_space<vmem_shared>> -> memref<1x10240xf32, #tpu.memory_space<vmem_shared>>
      %dma_start3A_48 = tpu.memref_squeeze %dma_start3A_47 : memref<1x10240xf32, #tpu.memory_space<vmem_shared>> -> memref<10240xf32, #tpu.memory_space<vmem_shared>>
      tpu.enqueue_dma source(%arg6 : memref<10240xf32, #tpu.memory_space<vmem>>) target(%dma_start3A_48 : memref<10240xf32, #tpu.memory_space<vmem_shared>>) target_semaphore(%run_scoped3A : memref<!tpu.dma_semaphore, #tpu.memory_space<semaphore_mem>>)
      %dma_wait3A = arith.constant 0 : i32
      %dma_wait3A_49 = tpu.memref_slice %arg9[%arg1, %dma_wait3A] : memref<16x10240xf32, #tpu.memory_space<vmem_shared>> -> memref<1x10240xf32, #tpu.memory_space<vmem_shared>>
      %dma_wait3A_50 = tpu.memref_squeeze %dma_wait3A_49 : memref<1x10240xf32, #tpu.memory_space<vmem_shared>> -> memref<10240xf32, #tpu.memory_space<vmem_shared>>
      %dma_wait3A_51 = arith.constant 0 : i32
      %dma_wait3A_52 = tpu.memref_slice %arg9[%arg1, %dma_wait3A_51] : memref<16x10240xf32, #tpu.memory_space<vmem_shared>> -> memref<1x10240xf32, #tpu.memory_space<vmem_shared>>
      %dma_wait3A_53 = tpu.memref_squeeze %dma_wait3A_52 : memref<1x10240xf32, #tpu.memory_space<vmem_shared>> -> memref<10240xf32, #tpu.memory_space<vmem_shared>>
      tpu.wait_dma2 semaphore(%run_scoped3A : memref<!tpu.dma_semaphore, #tpu.memory_space<semaphore_mem>>) src(%arg6 : memref<10240xf32, #tpu.memory_space<vmem>>) dst(%dma_wait3A_53 : memref<10240xf32, #tpu.memory_space<vmem_shared>>)
      tpu.yield
    }) : () -> ()
    %barrier3A = arith.constant 0 : index
    tpu.barrier barrier_id(%barrier3A)
    %mul3A_33 = arith.constant 640 : i32
    %mul3A_34 = arith.muli %arg1, %mul3A_33 : i32
    "tpu.region"() ({
      %run_scoped3A = tpu.sem_alloc : memref<!tpu.dma_semaphore, #tpu.memory_space<semaphore_mem>>
      %dma_start3A = arith.constant 0 : i32
      %dma_start3A_44 = tpu.memref_slice %arg9[%dma_start3A, %mul3A_34] : memref<16x10240xf32, #tpu.memory_space<vmem_shared>> -> memref<16x640xf32, #tpu.memory_space<vmem_shared>>
      %dma_start3A_45 = arith.constant 0 : i32
      %dma_start3A_46 = tpu.memref_slice %arg9[%dma_start3A_45, %mul3A_34] : memref<16x10240xf32, #tpu.memory_space<vmem_shared>> -> memref<16x640xf32, #tpu.memory_space<vmem_shared>>
      tpu.enqueue_dma source(%dma_start3A_46 : memref<16x640xf32, #tpu.memory_space<vmem_shared>>) target(%arg7 : memref<16x640xf32, #tpu.memory_space<vmem>>) target_semaphore(%run_scoped3A : memref<!tpu.dma_semaphore, #tpu.memory_space<semaphore_mem>>)
      %dma_wait3A = arith.constant 0 : i32
      %dma_wait3A_47 = tpu.memref_slice %arg9[%dma_wait3A, %mul3A_34] : memref<16x10240xf32, #tpu.memory_space<vmem_shared>> -> memref<16x640xf32, #tpu.memory_space<vmem_shared>>
      %dma_wait3A_48 = arith.constant 0 : i32
      %dma_wait3A_49 = tpu.memref_slice %arg9[%dma_wait3A_48, %mul3A_34] : memref<16x10240xf32, #tpu.memory_space<vmem_shared>> -> memref<16x640xf32, #tpu.memory_space<vmem_shared>>
      tpu.wait_dma2 semaphore(%run_scoped3A : memref<!tpu.dma_semaphore, #tpu.memory_space<semaphore_mem>>) src(%dma_wait3A_49 : memref<16x640xf32, #tpu.memory_space<vmem_shared>>) dst(%arg7 : memref<16x640xf32, #tpu.memory_space<vmem>>)
      tpu.yield
    }) : () -> ()
    %scan3A_35 = arith.constant 0 : i32
    %scan3A_36 = arith.constant 0 : i32
    %scan3A_37 = arith.constant 40 : i32
    %scan3A_38 = arith.addi %scan3A_36, %scan3A_37 : i32
    %scan3A_39 = arith.constant 1 : i32
    %scan3A_40 = scf.for %scan3A_44 = %scan3A_36 to %scan3A_38 step %scan3A_39 iter_args(%scan3A_45 = %scan3A_35) -> (i32)  : i32 {
      %mul3A_46 = arith.constant 16 : i32
      %mul3A_47 = arith.muli %scan3A_44, %mul3A_46 : i32
      %get3A = arith.constant 0 : i32
      %get3A_48 = arith.index_cast %get3A : i32 to index
      %get3A_49 = arith.index_cast %mul3A_47 : i32 to index
      %get3A_50 = tpu.vector_load %arg7[%get3A_48, %get3A_49] {strides = array<i32>} : memref<16x640xf32, #tpu.memory_space<vmem>>, vector<16xf32>,
      %mul3A_51 = arith.constant 16 : i32
      %mul3A_52 = arith.muli %scan3A_44, %mul3A_51 : i32
      %get3A_53 = arith.constant 1 : i32
      %get3A_54 = arith.index_cast %get3A_53 : i32 to index
      %get3A_55 = arith.index_cast %mul3A_52 : i32 to index
      %get3A_56 = tpu.vector_load %arg7[%get3A_54, %get3A_55] {strides = array<i32>} : memref<16x640xf32, #tpu.memory_space<vmem>>, vector<16xf32>,
      %add3A_57 = arith.addf %get3A_50, %get3A_56 : vector<16xf32>
      %mul3A_58 = arith.constant 16 : i32
      %mul3A_59 = arith.muli %scan3A_44, %mul3A_58 : i32
      %get3A_60 = arith.constant 2 : i32
      %get3A_61 = arith.index_cast %get3A_60 : i32 to index
      %get3A_62 = arith.index_cast %mul3A_59 : i32 to index
      %get3A_63 = tpu.vector_load %arg7[%get3A_61, %get3A_62] {strides = array<i32>} : memref<16x640xf32, #tpu.memory_space<vmem>>, vector<16xf32>,
      %add3A_64 = arith.addf %add3A_57, %get3A_63 : vector<16xf32>
      %mul3A_65 = arith.constant 16 : i32
      %mul3A_66 = arith.muli %scan3A_44, %mul3A_65 : i32
      %get3A_67 = arith.constant 3 : i32
      %get3A_68 = arith.index_cast %get3A_67 : i32 to index
      %get3A_69 = arith.index_cast %mul3A_66 : i32 to index
      %get3A_70 = tpu.vector_load %arg7[%get3A_68, %get3A_69] {strides = array<i32>} : memref<16x640xf32, #tpu.memory_space<vmem>>, vector<16xf32>,
      %add3A_71 = arith.addf %add3A_64, %get3A_70 : vector<16xf32>
      %mul3A_72 = arith.constant 16 : i32
      %mul3A_73 = arith.muli %scan3A_44, %mul3A_72 : i32
      %get3A_74 = arith.constant 4 : i32
      %get3A_75 = arith.index_cast %get3A_74 : i32 to index
      %get3A_76 = arith.index_cast %mul3A_73 : i32 to index
      %get3A_77 = tpu.vector_load %arg7[%get3A_75, %get3A_76] {strides = array<i32>} : memref<16x640xf32, #tpu.memory_space<vmem>>, vector<16xf32>,
      %add3A_78 = arith.addf %add3A_71, %get3A_77 : vector<16xf32>
      %mul3A_79 = arith.constant 16 : i32
      %mul3A_80 = arith.muli %scan3A_44, %mul3A_79 : i32
      %get3A_81 = arith.constant 5 : i32
      %get3A_82 = arith.index_cast %get3A_81 : i32 to index
      %get3A_83 = arith.index_cast %mul3A_80 : i32 to index
      %get3A_84 = tpu.vector_load %arg7[%get3A_82, %get3A_83] {strides = array<i32>} : memref<16x640xf32, #tpu.memory_space<vmem>>, vector<16xf32>,
      %add3A_85 = arith.addf %add3A_78, %get3A_84 : vector<16xf32>
      %mul3A_86 = arith.constant 16 : i32
      %mul3A_87 = arith.muli %scan3A_44, %mul3A_86 : i32
      %get3A_88 = arith.constant 6 : i32
      %get3A_89 = arith.index_cast %get3A_88 : i32 to index
      %get3A_90 = arith.index_cast %mul3A_87 : i32 to index
      %get3A_91 = tpu.vector_load %arg7[%get3A_89, %get3A_90] {strides = array<i32>} : memref<16x640xf32, #tpu.memory_space<vmem>>, vector<16xf32>,
      %add3A_92 = arith.addf %add3A_85, %get3A_91 : vector<16xf32>
      %mul3A_93 = arith.constant 16 : i32
      %mul3A_94 = arith.muli %scan3A_44, %mul3A_93 : i32
      %get3A_95 = arith.constant 7 : i32
      %get3A_96 = arith.index_cast %get3A_95 : i32 to index
      %get3A_97 = arith.index_cast %mul3A_94 : i32 to index
      %get3A_98 = tpu.vector_load %arg7[%get3A_96, %get3A_97] {strides = array<i32>} : memref<16x640xf32, #tpu.memory_space<vmem>>, vector<16xf32>,
      %add3A_99 = arith.addf %add3A_92, %get3A_98 : vector<16xf32>
      %mul3A_100 = arith.constant 16 : i32
      %mul3A_101 = arith.muli %scan3A_44, %mul3A_100 : i32
      %get3A_102 = arith.constant 8 : i32
      %get3A_103 = arith.index_cast %get3A_102 : i32 to index
      %get3A_104 = arith.index_cast %mul3A_101 : i32 to index
      %get3A_105 = tpu.vector_load %arg7[%get3A_103, %get3A_104] {strides = array<i32>} : memref<16x640xf32, #tpu.memory_space<vmem>>, vector<16xf32>,
      %add3A_106 = arith.addf %add3A_99, %get3A_105 : vector<16xf32>
      %mul3A_107 = arith.constant 16 : i32
      %mul3A_108 = arith.muli %scan3A_44, %mul3A_107 : i32
      %get3A_109 = arith.constant 9 : i32
      %get3A_110 = arith.index_cast %get3A_109 : i32 to index
      %get3A_111 = arith.index_cast %mul3A_108 : i32 to index
      %get3A_112 = tpu.vector_load %arg7[%get3A_110, %get3A_111] {strides = array<i32>} : memref<16x640xf32, #tpu.memory_space<vmem>>, vector<16xf32>,
      %add3A_113 = arith.addf %add3A_106, %get3A_112 : vector<16xf32>
      %mul3A_114 = arith.constant 16 : i32
      %mul3A_115 = arith.muli %scan3A_44, %mul3A_114 : i32
      %get3A_116 = arith.constant 10 : i32
      %get3A_117 = arith.index_cast %get3A_116 : i32 to index
      %get3A_118 = arith.index_cast %mul3A_115 : i32 to index
      %get3A_119 = tpu.vector_load %arg7[%get3A_117, %get3A_118] {strides = array<i32>} : memref<16x640xf32, #tpu.memory_space<vmem>>, vector<16xf32>,
      %add3A_120 = arith.addf %add3A_113, %get3A_119 : vector<16xf32>
      %mul3A_121 = arith.constant 16 : i32
      %mul3A_122 = arith.muli %scan3A_44, %mul3A_121 : i32
      %get3A_123 = arith.constant 11 : i32
      %get3A_124 = arith.index_cast %get3A_123 : i32 to index
      %get3A_125 = arith.index_cast %mul3A_122 : i32 to index
      %get3A_126 = tpu.vector_load %arg7[%get3A_124, %get3A_125] {strides = array<i32>} : memref<16x640xf32, #tpu.memory_space<vmem>>, vector<16xf32>,
      %add3A_127 = arith.addf %add3A_120, %get3A_126 : vector<16xf32>
      %mul3A_128 = arith.constant 16 : i32
      %mul3A_129 = arith.muli %scan3A_44, %mul3A_128 : i32
      %get3A_130 = arith.constant 12 : i32
      %get3A_131 = arith.index_cast %get3A_130 : i32 to index
      %get3A_132 = arith.index_cast %mul3A_129 : i32 to index
      %get3A_133 = tpu.vector_load %arg7[%get3A_131, %get3A_132] {strides = array<i32>} : memref<16x640xf32, #tpu.memory_space<vmem>>, vector<16xf32>,
      %add3A_134 = arith.addf %add3A_127, %get3A_133 : vector<16xf32>
      %mul3A_135 = arith.constant 16 : i32
      %mul3A_136 = arith.muli %scan3A_44, %mul3A_135 : i32
      %get3A_137 = arith.constant 13 : i32
      %get3A_138 = arith.index_cast %get3A_137 : i32 to index
      %get3A_139 = arith.index_cast %mul3A_136 : i32 to index
      %get3A_140 = tpu.vector_load %arg7[%get3A_138, %get3A_139] {strides = array<i32>} : memref<16x640xf32, #tpu.memory_space<vmem>>, vector<16xf32>,
      %add3A_141 = arith.addf %add3A_134, %get3A_140 : vector<16xf32>
      %mul3A_142 = arith.constant 16 : i32
      %mul3A_143 = arith.muli %scan3A_44, %mul3A_142 : i32
      %get3A_144 = arith.constant 14 : i32
      %get3A_145 = arith.index_cast %get3A_144 : i32 to index
      %get3A_146 = arith.index_cast %mul3A_143 : i32 to index
      %get3A_147 = tpu.vector_load %arg7[%get3A_145, %get3A_146] {strides = array<i32>} : memref<16x640xf32, #tpu.memory_space<vmem>>, vector<16xf32>,
      %add3A_148 = arith.addf %add3A_141, %get3A_147 : vector<16xf32>
      %mul3A_149 = arith.constant 16 : i32
      %mul3A_150 = arith.muli %scan3A_44, %mul3A_149 : i32
      %get3A_151 = arith.constant 15 : i32
      %get3A_152 = arith.index_cast %get3A_151 : i32 to index
      %get3A_153 = arith.index_cast %mul3A_150 : i32 to index
      %get3A_154 = tpu.vector_load %arg7[%get3A_152, %get3A_153] {strides = array<i32>} : memref<16x640xf32, #tpu.memory_space<vmem>>, vector<16xf32>,
      %add3A_155 = arith.addf %add3A_148, %get3A_154 : vector<16xf32>
      %mul3A_156 = arith.constant 16 : i32
      %mul3A_157 = arith.muli %scan3A_44, %mul3A_156 : i32
      %swap3A = arith.index_cast %mul3A_157 : i32 to index
      %swap3A_158 = tpu.vector_load %arg8[%swap3A] {strides = array<i32>} : memref<640xf32, #tpu.memory_space<vmem>>, vector<16xf32>,
      tpu.vector_store %arg8[%swap3A], %add3A_155 {strides = array<i32>} : memref<640xf32, #tpu.memory_space<vmem>>, vector<16xf32>,
      %scan3A_159 = arith.constant 0 : i32
      scf.yield %scan3A_159 : i32
    }
    %scan3A_41 = arith.constant 40 : i32
    %mul3A_42 = arith.constant 640 : i32
    %mul3A_43 = arith.muli %arg1, %mul3A_42 : i32
    "tpu.region"() ({
      %run_scoped3A = tpu.sem_alloc : memref<!tpu.dma_semaphore, #tpu.memory_space<semaphore_mem>>
      %dma_start3A = tpu.memref_slice %arg3[%arg0, %mul3A_43] : memref<2x10240xf32, #tpu.memory_space<hbm>> -> memref<1x640xf32, #tpu.memory_space<hbm>>
      %dma_start3A_44 = tpu.memref_squeeze %dma_start3A : memref<1x640xf32, #tpu.memory_space<hbm>> -> memref<640xf32, #tpu.memory_space<hbm>>
      %dma_start3A_45 = tpu.memref_slice %arg3[%arg0, %mul3A_43] : memref<2x10240xf32, #tpu.memory_space<hbm>> -> memref<1x640xf32, #tpu.memory_space<hbm>>
      %dma_start3A_46 = tpu.memref_squeeze %dma_start3A_45 : memref<1x640xf32, #tpu.memory_space<hbm>> -> memref<640xf32, #tpu.memory_space<hbm>>
      tpu.enqueue_dma source(%arg8 : memref<640xf32, #tpu.memory_space<vmem>>) target(%dma_start3A_46 : memref<640xf32, #tpu.memory_space<hbm>>) target_semaphore(%run_scoped3A : memref<!tpu.dma_semaphore, #tpu.memory_space<semaphore_mem>>)
      %dma_wait3A = tpu.memref_slice %arg3[%arg0, %mul3A_43] : memref<2x10240xf32, #tpu.memory_space<hbm>> -> memref<1x640xf32, #tpu.memory_space<hbm>>
      %dma_wait3A_47 = tpu.memref_squeeze %dma_wait3A : memref<1x640xf32, #tpu.memory_space<hbm>> -> memref<640xf32, #tpu.memory_space<hbm>>
      %dma_wait3A_48 = tpu.memref_slice %arg3[%arg0, %mul3A_43] : memref<2x10240xf32, #tpu.memory_space<hbm>> -> memref<1x640xf32, #tpu.memory_space<hbm>>
      %dma_wait3A_49 = tpu.memref_squeeze %dma_wait3A_48 : memref<1x640xf32, #tpu.memory_space<hbm>> -> memref<640xf32, #tpu.memory_space<hbm>>
      tpu.wait_dma2 semaphore(%run_scoped3A : memref<!tpu.dma_semaphore, #tpu.memory_space<semaphore_mem>>) src(%arg8 : memref<640xf32, #tpu.memory_space<vmem>>) dst(%dma_wait3A_49 : memref<640xf32, #tpu.memory_space<hbm>>)
      tpu.yield
    }) : () -> ()
    return
  }
}

#map = affine_map<(d0, d1) -> (0, 0)>
#map1 = affine_map<(d0, d1) -> (0, 0, 0)>
module attributes {stable_mosaic.version = 14 : i64} {
  func.func @_edge_scatter(%arg0: i32, %arg1: i32, %arg2: memref<2x320000xi32, #tpu.memory_space<hbm>>, %arg3: memref<10000x128xf32, #tpu.memory_space<hbm>>, %arg4: memref<640x128xf32, #tpu.memory_space<hbm>>, %arg5: memref<2x10240x128xf32, #tpu.memory_space<hbm>>, %arg6: memref<3x2x128xi32, #tpu.memory_space<vmem>>, %arg7: memref<2x128x128xf32, #tpu.memory_space<vmem>>, %arg8: memref<10240x128xf32, #tpu.memory_space<vmem_shared>>, %arg9: memref<!tpu.dma_semaphore, #tpu.memory_space<semaphore_mem>>, %arg10: memref<!tpu.dma_semaphore, #tpu.memory_space<semaphore_mem>>, %arg11: memref<!tpu.dma_semaphore, #tpu.memory_space<semaphore_mem>>, %arg12: memref<!tpu.dma_semaphore, #tpu.memory_space<semaphore_mem>>) attributes {dimension_semantics = [#tpu.dimension_semantics<core_parallel>, #tpu.dimension_semantics<subcore_parallel>], iteration_bounds = array<i64: 2, 16>, scalar_prefetch = 0 : i64, scratch_operands = 7 : i64, tpu.core_type = #tpu.core_type<sc_vector_subcore>, window_params = [{transform_indices = #map}, {transform_indices = #map}, {transform_indices = #map}, {transform_indices = #map1}]} {
    %mul3A = arith.constant 2 : i32
    %mul3A_0 = arith.muli %arg1, %mul3A : i32
    %add3A = arith.addi %mul3A_0, %arg0 : i32
    %mul3A_1 = arith.constant 640 : i32
    %mul3A_2 = arith.muli %arg1, %mul3A_1 : i32
    %mul3A_3 = arith.constant 128 : i32
    %mul3A_4 = arith.muli %add3A, %mul3A_3 : i32
    %run_scoped3A = arith.constant 0 : i32
    "tpu.region"() ({
      %run_scoped3A_322 = tpu.sem_alloc : memref<!tpu.dma_semaphore, #tpu.memory_space<semaphore_mem>>
      %dma_start3A_323 = arith.constant 0 : i32
      %dma_start3A_324 = arith.constant 0 : i32
      %dma_start3A_325 = tpu.memref_slice %arg6[%run_scoped3A, %dma_start3A_323, %dma_start3A_324] : memref<3x2x128xi32, #tpu.memory_space<vmem>> -> memref<1x2x128xi32, #tpu.memory_space<vmem>>
      %dma_start3A_326 = tpu.memref_squeeze %dma_start3A_325 : memref<1x2x128xi32, #tpu.memory_space<vmem>> -> memref<2x128xi32, #tpu.memory_space<vmem>>
      %dma_start3A_327 = arith.constant 0 : i32
      %dma_start3A_328 = tpu.memref_slice %arg2[%dma_start3A_327, %mul3A_4] : memref<2x320000xi32, #tpu.memory_space<hbm>> -> memref<2x128xi32, #tpu.memory_space<hbm>>
      %dma_start3A_329 = arith.constant 0 : i32
      %dma_start3A_330 = arith.constant 0 : i32
      %dma_start3A_331 = tpu.memref_slice %arg6[%run_scoped3A, %dma_start3A_329, %dma_start3A_330] : memref<3x2x128xi32, #tpu.memory_space<vmem>> -> memref<1x2x128xi32, #tpu.memory_space<vmem>>
      %dma_start3A_332 = tpu.memref_squeeze %dma_start3A_331 : memref<1x2x128xi32, #tpu.memory_space<vmem>> -> memref<2x128xi32, #tpu.memory_space<vmem>>
      %dma_start3A_333 = arith.constant 0 : i32
      %dma_start3A_334 = tpu.memref_slice %arg2[%dma_start3A_333, %mul3A_4] : memref<2x320000xi32, #tpu.memory_space<hbm>> -> memref<2x128xi32, #tpu.memory_space<hbm>>
      tpu.enqueue_dma source(%dma_start3A_334 : memref<2x128xi32, #tpu.memory_space<hbm>>) target(%dma_start3A_332 : memref<2x128xi32, #tpu.memory_space<vmem>>) target_semaphore(%run_scoped3A_322 : memref<!tpu.dma_semaphore, #tpu.memory_space<semaphore_mem>>)
      %dma_wait3A_335 = arith.constant 0 : i32
      %dma_wait3A_336 = arith.constant 0 : i32
      %dma_wait3A_337 = tpu.memref_slice %arg6[%run_scoped3A, %dma_wait3A_335, %dma_wait3A_336] : memref<3x2x128xi32, #tpu.memory_space<vmem>> -> memref<1x2x128xi32, #tpu.memory_space<vmem>>
      %dma_wait3A_338 = tpu.memref_squeeze %dma_wait3A_337 : memref<1x2x128xi32, #tpu.memory_space<vmem>> -> memref<2x128xi32, #tpu.memory_space<vmem>>
      %dma_wait3A_339 = arith.constant 0 : i32
      %dma_wait3A_340 = tpu.memref_slice %arg2[%dma_wait3A_339, %mul3A_4] : memref<2x320000xi32, #tpu.memory_space<hbm>> -> memref<2x128xi32, #tpu.memory_space<hbm>>
      %dma_wait3A_341 = arith.constant 0 : i32
      %dma_wait3A_342 = arith.constant 0 : i32
      %dma_wait3A_343 = tpu.memref_slice %arg6[%run_scoped3A, %dma_wait3A_341, %dma_wait3A_342] : memref<3x2x128xi32, #tpu.memory_space<vmem>> -> memref<1x2x128xi32, #tpu.memory_space<vmem>>
      %dma_wait3A_344 = tpu.memref_squeeze %dma_wait3A_343 : memref<1x2x128xi32, #tpu.memory_space<vmem>> -> memref<2x128xi32, #tpu.memory_space<vmem>>
      %dma_wait3A_345 = arith.constant 0 : i32
      %dma_wait3A_346 = tpu.memref_slice %arg2[%dma_wait3A_345, %mul3A_4] : memref<2x320000xi32, #tpu.memory_space<hbm>> -> memref<2x128xi32, #tpu.memory_space<hbm>>
      tpu.wait_dma2 semaphore(%run_scoped3A_322 : memref<!tpu.dma_semaphore, #tpu.memory_space<semaphore_mem>>) src(%dma_wait3A_346 : memref<2x128xi32, #tpu.memory_space<hbm>>) dst(%dma_wait3A_344 : memref<2x128xi32, #tpu.memory_space<vmem>>)
      tpu.yield
    }) : () -> ()
    %add3A_5 = arith.constant 32 : i32
    %add3A_6 = arith.addi %add3A_5, %add3A : i32
    %mul3A_7 = arith.constant 128 : i32
    %mul3A_8 = arith.muli %add3A_6, %mul3A_7 : i32
    %dma_start3A = arith.constant 1 : i32
    %dma_start3A_9 = arith.constant 0 : i32
    %dma_start3A_10 = arith.constant 0 : i32
    %dma_start3A_11 = tpu.memref_slice %arg6[%dma_start3A, %dma_start3A_9, %dma_start3A_10] : memref<3x2x128xi32, #tpu.memory_space<vmem>> -> memref<1x2x128xi32, #tpu.memory_space<vmem>>
    %dma_start3A_12 = tpu.memref_squeeze %dma_start3A_11 : memref<1x2x128xi32, #tpu.memory_space<vmem>> -> memref<2x128xi32, #tpu.memory_space<vmem>>
    %dma_start3A_13 = arith.constant 0 : i32
    %dma_start3A_14 = tpu.memref_slice %arg2[%dma_start3A_13, %mul3A_8] : memref<2x320000xi32, #tpu.memory_space<hbm>> -> memref<2x128xi32, #tpu.memory_space<hbm>>
    %dma_start3A_15 = arith.constant 0 : i32
    %dma_start3A_16 = arith.constant 0 : i32
    %dma_start3A_17 = tpu.memref_slice %arg6[%dma_start3A, %dma_start3A_15, %dma_start3A_16] : memref<3x2x128xi32, #tpu.memory_space<vmem>> -> memref<1x2x128xi32, #tpu.memory_space<vmem>>
    %dma_start3A_18 = tpu.memref_squeeze %dma_start3A_17 : memref<1x2x128xi32, #tpu.memory_space<vmem>> -> memref<2x128xi32, #tpu.memory_space<vmem>>
    %dma_start3A_19 = arith.constant 0 : i32
    %dma_start3A_20 = tpu.memref_slice %arg2[%dma_start3A_19, %mul3A_8] : memref<2x320000xi32, #tpu.memory_space<hbm>> -> memref<2x128xi32, #tpu.memory_space<hbm>>
    tpu.enqueue_dma source(%dma_start3A_20 : memref<2x128xi32, #tpu.memory_space<hbm>>) target(%dma_start3A_18 : memref<2x128xi32, #tpu.memory_space<vmem>>) target_semaphore(%arg12 : memref<!tpu.dma_semaphore, #tpu.memory_space<semaphore_mem>>)
    %dma_start3A_21 = arith.constant 0 : i32
    %dma_start3A_22 = arith.constant 0 : i32
    %dma_start3A_23 = arith.constant 0 : i32
    %dma_start3A_24 = arith.constant 0 : i32
    %dma_start3A_25 = arith.constant 0 : i32
    %dma_start3A_26 = tpu.memref_slice %arg7[%dma_start3A_23, %dma_start3A_24, %dma_start3A_25] : memref<2x128x128xf32, #tpu.memory_space<vmem>> -> memref<1x128x128xf32, #tpu.memory_space<vmem>>
    %dma_start3A_27 = tpu.memref_squeeze %dma_start3A_26 : memref<1x128x128xf32, #tpu.memory_space<vmem>> -> memref<128x128xf32, #tpu.memory_space<vmem>>
    %dma_start3A_28 = arith.constant 0 : i32
    %dma_start3A_29 = tpu.memref_slice %arg6[%dma_start3A_21, %dma_start3A_22, %dma_start3A_28] : memref<3x2x128xi32, #tpu.memory_space<vmem>> -> memref<1x1x128xi32, #tpu.memory_space<vmem>>
    %dma_start3A_30 = tpu.memref_squeeze %dma_start3A_29 : memref<1x1x128xi32, #tpu.memory_space<vmem>> -> memref<128xi32, #tpu.memory_space<vmem>>
    %dma_start3A_31 = arith.constant 0 : i32
    %dma_start3A_32 = arith.constant 0 : i32
    %dma_start3A_33 = tpu.memref_slice %arg3[%dma_start3A_31, %dma_start3A_32] : memref<10000x128xf32, #tpu.memory_space<hbm>> -> memref<10000x128xf32, #tpu.memory_space<hbm>>
    tpu.enqueue_indirect_dma source(%dma_start3A_33 : memref<10000x128xf32, #tpu.memory_space<hbm>>) target(%dma_start3A_27 : memref<128x128xf32, #tpu.memory_space<vmem>>) offsets(%dma_start3A_30 : memref<128xi32, #tpu.memory_space<vmem>>) semaphore(%arg9 : memref<!tpu.dma_semaphore, #tpu.memory_space<semaphore_mem>>)
    "tpu.region"() ({
      %run_scoped3A_322 = tpu.sem_alloc : memref<!tpu.dma_semaphore, #tpu.memory_space<semaphore_mem>>
      %dma_start3A_323 = arith.constant 0 : i32
      %dma_start3A_324 = tpu.memref_slice %arg8[%mul3A_2, %dma_start3A_323] : memref<10240x128xf32, #tpu.memory_space<vmem_shared>> -> memref<640x128xf32, #tpu.memory_space<vmem_shared>>
      tpu.enqueue_dma source(%arg4 : memref<640x128xf32, #tpu.memory_space<hbm>>) target(%dma_start3A_324 : memref<640x128xf32, #tpu.memory_space<vmem_shared>>) target_semaphore(%run_scoped3A_322 : memref<!tpu.dma_semaphore, #tpu.memory_space<semaphore_mem>>)
      %dma_wait3A_325 = arith.constant 0 : i32
      %dma_wait3A_326 = tpu.memref_slice %arg8[%mul3A_2, %dma_wait3A_325] : memref<10240x128xf32, #tpu.memory_space<vmem_shared>> -> memref<640x128xf32, #tpu.memory_space<vmem_shared>>
      tpu.wait_dma2 semaphore(%run_scoped3A_322 : memref<!tpu.dma_semaphore, #tpu.memory_space<semaphore_mem>>) src(%arg4 : memref<640x128xf32, #tpu.memory_space<hbm>>) dst(%dma_wait3A_326 : memref<640x128xf32, #tpu.memory_space<vmem_shared>>)
      tpu.yield
    }) : () -> ()
    %barrier3A = arith.constant 0 : index
    tpu.barrier barrier_id(%barrier3A)
    %dma_wait3A = arith.constant 0 : i32
    %dma_wait3A_34 = arith.constant 0 : i32
    %dma_wait3A_35 = arith.constant 0 : i32
    %dma_wait3A_36 = arith.constant 0 : i32
    %dma_wait3A_37 = arith.constant 0 : i32
    %dma_wait3A_38 = tpu.memref_slice %arg7[%dma_wait3A_35, %dma_wait3A_36, %dma_wait3A_37] : memref<2x128x128xf32, #tpu.memory_space<vmem>> -> memref<1x128x128xf32, #tpu.memory_space<vmem>>
    %dma_wait3A_39 = tpu.memref_squeeze %dma_wait3A_38 : memref<1x128x128xf32, #tpu.memory_space<vmem>> -> memref<128x128xf32, #tpu.memory_space<vmem>>
    %dma_wait3A_40 = arith.constant 0 : i32
    %dma_wait3A_41 = tpu.memref_slice %arg6[%dma_wait3A, %dma_wait3A_34, %dma_wait3A_40] : memref<3x2x128xi32, #tpu.memory_space<vmem>> -> memref<1x1x128xi32, #tpu.memory_space<vmem>>
    %dma_wait3A_42 = tpu.memref_squeeze %dma_wait3A_41 : memref<1x1x128xi32, #tpu.memory_space<vmem>> -> memref<128xi32, #tpu.memory_space<vmem>>
    %dma_wait3A_43 = arith.constant 0 : i32
    %dma_wait3A_44 = arith.constant 0 : i32
    %dma_wait3A_45 = tpu.memref_slice %arg3[%dma_wait3A_43, %dma_wait3A_44] : memref<10000x128xf32, #tpu.memory_space<hbm>> -> memref<10000x128xf32, #tpu.memory_space<hbm>>
    tpu.wait_indirect_dma semaphore(%arg9 : memref<!tpu.dma_semaphore, #tpu.memory_space<semaphore_mem>>) src(%dma_wait3A_45 : memref<10000x128xf32, #tpu.memory_space<hbm>>) dst(%dma_wait3A_39 : memref<128x128xf32, #tpu.memory_space<vmem>>)
    %dma_start3A_46 = arith.constant 0 : i32
    %dma_start3A_47 = arith.constant 0 : i32
    %dma_start3A_48 = arith.constant 1 : i32
    %dma_start3A_49 = arith.constant 0 : i32
    %dma_start3A_50 = arith.constant 0 : i32
    %dma_start3A_51 = tpu.memref_slice %arg7[%dma_start3A_46, %dma_start3A_49, %dma_start3A_50] : memref<2x128x128xf32, #tpu.memory_space<vmem>> -> memref<1x128x128xf32, #tpu.memory_space<vmem>>
    %dma_start3A_52 = tpu.memref_squeeze %dma_start3A_51 : memref<1x128x128xf32, #tpu.memory_space<vmem>> -> memref<128x128xf32, #tpu.memory_space<vmem>>
    %dma_start3A_53 = arith.constant 0 : i32
    %dma_start3A_54 = tpu.memref_slice %arg6[%dma_start3A_47, %dma_start3A_48, %dma_start3A_53] : memref<3x2x128xi32, #tpu.memory_space<vmem>> -> memref<1x1x128xi32, #tpu.memory_space<vmem>>
    %dma_start3A_55 = tpu.memref_squeeze %dma_start3A_54 : memref<1x1x128xi32, #tpu.memory_space<vmem>> -> memref<128xi32, #tpu.memory_space<vmem>>
    %dma_start3A_56 = arith.constant 0 : i32
    %dma_start3A_57 = arith.constant 0 : i32
    %dma_start3A_58 = tpu.memref_slice %arg8[%dma_start3A_56, %dma_start3A_57] : memref<10240x128xf32, #tpu.memory_space<vmem_shared>> -> memref<10240x128xf32, #tpu.memory_space<vmem_shared>>
    tpu.enqueue_indirect_dma source(%dma_start3A_52 : memref<128x128xf32, #tpu.memory_space<vmem>>) target(%dma_start3A_58 : memref<10240x128xf32, #tpu.memory_space<vmem_shared>>) offsets(%dma_start3A_55 : memref<128xi32, #tpu.memory_space<vmem>>) semaphore(%arg10 : memref<!tpu.dma_semaphore, #tpu.memory_space<semaphore_mem>>) {add = true}
    %add3A_59 = arith.constant 32 : i32
    %add3A_60 = arith.addi %add3A_59, %add3A : i32
    %mul3A_61 = arith.constant 128 : i32
    %mul3A_62 = arith.muli %add3A_60, %mul3A_61 : i32
    %dma_wait3A_63 = arith.constant 1 : i32
    %dma_wait3A_64 = arith.constant 0 : i32
    %dma_wait3A_65 = arith.constant 0 : i32
    %dma_wait3A_66 = tpu.memref_slice %arg6[%dma_wait3A_63, %dma_wait3A_64, %dma_wait3A_65] : memref<3x2x128xi32, #tpu.memory_space<vmem>> -> memref<1x2x128xi32, #tpu.memory_space<vmem>>
    %dma_wait3A_67 = tpu.memref_squeeze %dma_wait3A_66 : memref<1x2x128xi32, #tpu.memory_space<vmem>> -> memref<2x128xi32, #tpu.memory_space<vmem>>
    %dma_wait3A_68 = arith.constant 0 : i32
    %dma_wait3A_69 = tpu.memref_slice %arg2[%dma_wait3A_68, %mul3A_62] : memref<2x320000xi32, #tpu.memory_space<hbm>> -> memref<2x128xi32, #tpu.memory_space<hbm>>
    %dma_wait3A_70 = arith.constant 0 : i32
    %dma_wait3A_71 = arith.constant 0 : i32
    %dma_wait3A_72 = tpu.memref_slice %arg6[%dma_wait3A_63, %dma_wait3A_70, %dma_wait3A_71] : memref<3x2x128xi32, #tpu.memory_space<vmem>> -> memref<1x2x128xi32, #tpu.memory_space<vmem>>
    %dma_wait3A_73 = tpu.memref_squeeze %dma_wait3A_72 : memref<1x2x128xi32, #tpu.memory_space<vmem>> -> memref<2x128xi32, #tpu.memory_space<vmem>>
    %dma_wait3A_74 = arith.constant 0 : i32
    %dma_wait3A_75 = tpu.memref_slice %arg2[%dma_wait3A_74, %mul3A_62] : memref<2x320000xi32, #tpu.memory_space<hbm>> -> memref<2x128xi32, #tpu.memory_space<hbm>>
    tpu.wait_dma2 semaphore(%arg12 : memref<!tpu.dma_semaphore, #tpu.memory_space<semaphore_mem>>) src(%dma_wait3A_75 : memref<2x128xi32, #tpu.memory_space<hbm>>) dst(%dma_wait3A_73 : memref<2x128xi32, #tpu.memory_space<vmem>>)
    %add3A_76 = arith.constant 64 : i32
    %add3A_77 = arith.addi %add3A_76, %add3A : i32
    %mul3A_78 = arith.constant 128 : i32
    %mul3A_79 = arith.muli %add3A_77, %mul3A_78 : i32
    %dma_start3A_80 = arith.constant 2 : i32
    %dma_start3A_81 = arith.constant 0 : i32
    %dma_start3A_82 = arith.constant 0 : i32
    %dma_start3A_83 = tpu.memref_slice %arg6[%dma_start3A_80, %dma_start3A_81, %dma_start3A_82] : memref<3x2x128xi32, #tpu.memory_space<vmem>> -> memref<1x2x128xi32, #tpu.memory_space<vmem>>
    %dma_start3A_84 = tpu.memref_squeeze %dma_start3A_83 : memref<1x2x128xi32, #tpu.memory_space<vmem>> -> memref<2x128xi32, #tpu.memory_space<vmem>>
    %dma_start3A_85 = arith.constant 0 : i32
    %dma_start3A_86 = tpu.memref_slice %arg2[%dma_start3A_85, %mul3A_79] : memref<2x320000xi32, #tpu.memory_space<hbm>> -> memref<2x128xi32, #tpu.memory_space<hbm>>
    %dma_start3A_87 = arith.constant 0 : i32
    %dma_start3A_88 = arith.constant 0 : i32
    %dma_start3A_89 = tpu.memref_slice %arg6[%dma_start3A_80, %dma_start3A_87, %dma_start3A_88] : memref<3x2x128xi32, #tpu.memory_space<vmem>> -> memref<1x2x128xi32, #tpu.memory_space<vmem>>
    %dma_start3A_90 = tpu.memref_squeeze %dma_start3A_89 : memref<1x2x128xi32, #tpu.memory_space<vmem>> -> memref<2x128xi32, #tpu.memory_space<vmem>>
    %dma_start3A_91 = arith.constant 0 : i32
    %dma_start3A_92 = tpu.memref_slice %arg2[%dma_start3A_91, %mul3A_79] : memref<2x320000xi32, #tpu.memory_space<hbm>> -> memref<2x128xi32, #tpu.memory_space<hbm>>
    tpu.enqueue_dma source(%dma_start3A_92 : memref<2x128xi32, #tpu.memory_space<hbm>>) target(%dma_start3A_90 : memref<2x128xi32, #tpu.memory_space<vmem>>) target_semaphore(%arg12 : memref<!tpu.dma_semaphore, #tpu.memory_space<semaphore_mem>>)
    %dma_start3A_93 = arith.constant 1 : i32
    %dma_start3A_94 = arith.constant 0 : i32
    %dma_start3A_95 = arith.constant 1 : i32
    %dma_start3A_96 = arith.constant 0 : i32
    %dma_start3A_97 = arith.constant 0 : i32
    %dma_start3A_98 = tpu.memref_slice %arg7[%dma_start3A_95, %dma_start3A_96, %dma_start3A_97] : memref<2x128x128xf32, #tpu.memory_space<vmem>> -> memref<1x128x128xf32, #tpu.memory_space<vmem>>
    %dma_start3A_99 = tpu.memref_squeeze %dma_start3A_98 : memref<1x128x128xf32, #tpu.memory_space<vmem>> -> memref<128x128xf32, #tpu.memory_space<vmem>>
    %dma_start3A_100 = arith.constant 0 : i32
    %dma_start3A_101 = tpu.memref_slice %arg6[%dma_start3A_93, %dma_start3A_94, %dma_start3A_100] : memref<3x2x128xi32, #tpu.memory_space<vmem>> -> memref<1x1x128xi32, #tpu.memory_space<vmem>>
    %dma_start3A_102 = tpu.memref_squeeze %dma_start3A_101 : memref<1x1x128xi32, #tpu.memory_space<vmem>> -> memref<128xi32, #tpu.memory_space<vmem>>
    %dma_start3A_103 = arith.constant 0 : i32
    %dma_start3A_104 = arith.constant 0 : i32
    %dma_start3A_105 = tpu.memref_slice %arg3[%dma_start3A_103, %dma_start3A_104] : memref<10000x128xf32, #tpu.memory_space<hbm>> -> memref<10000x128xf32, #tpu.memory_space<hbm>>
    tpu.enqueue_indirect_dma source(%dma_start3A_105 : memref<10000x128xf32, #tpu.memory_space<hbm>>) target(%dma_start3A_99 : memref<128x128xf32, #tpu.memory_space<vmem>>) offsets(%dma_start3A_102 : memref<128xi32, #tpu.memory_space<vmem>>) semaphore(%arg9 : memref<!tpu.dma_semaphore, #tpu.memory_space<semaphore_mem>>)
    %dma_wait3A_106 = arith.constant 1 : i32
    %dma_wait3A_107 = arith.constant 0 : i32
    %dma_wait3A_108 = arith.constant 1 : i32
    %dma_wait3A_109 = arith.constant 0 : i32
    %dma_wait3A_110 = arith.constant 0 : i32
    %dma_wait3A_111 = tpu.memref_slice %arg7[%dma_wait3A_108, %dma_wait3A_109, %dma_wait3A_110] : memref<2x128x128xf32, #tpu.memory_space<vmem>> -> memref<1x128x128xf32, #tpu.memory_space<vmem>>
    %dma_wait3A_112 = tpu.memref_squeeze %dma_wait3A_111 : memref<1x128x128xf32, #tpu.memory_space<vmem>> -> memref<128x128xf32, #tpu.memory_space<vmem>>
    %dma_wait3A_113 = arith.constant 0 : i32
    %dma_wait3A_114 = tpu.memref_slice %arg6[%dma_wait3A_106, %dma_wait3A_107, %dma_wait3A_113] : memref<3x2x128xi32, #tpu.memory_space<vmem>> -> memref<1x1x128xi32, #tpu.memory_space<vmem>>
    %dma_wait3A_115 = tpu.memref_squeeze %dma_wait3A_114 : memref<1x1x128xi32, #tpu.memory_space<vmem>> -> memref<128xi32, #tpu.memory_space<vmem>>
    %dma_wait3A_116 = arith.constant 0 : i32
    %dma_wait3A_117 = arith.constant 0 : i32
    %dma_wait3A_118 = tpu.memref_slice %arg3[%dma_wait3A_116, %dma_wait3A_117] : memref<10000x128xf32, #tpu.memory_space<hbm>> -> memref<10000x128xf32, #tpu.memory_space<hbm>>
    tpu.wait_indirect_dma semaphore(%arg9 : memref<!tpu.dma_semaphore, #tpu.memory_space<semaphore_mem>>) src(%dma_wait3A_118 : memref<10000x128xf32, #tpu.memory_space<hbm>>) dst(%dma_wait3A_112 : memref<128x128xf32, #tpu.memory_space<vmem>>)
    %dma_start3A_119 = arith.constant 1 : i32
    %dma_start3A_120 = arith.constant 1 : i32
    %dma_start3A_121 = arith.constant 1 : i32
    %dma_start3A_122 = arith.constant 0 : i32
    %dma_start3A_123 = arith.constant 0 : i32
    %dma_start3A_124 = tpu.memref_slice %arg7[%dma_start3A_119, %dma_start3A_122, %dma_start3A_123] : memref<2x128x128xf32, #tpu.memory_space<vmem>> -> memref<1x128x128xf32, #tpu.memory_space<vmem>>
    %dma_start3A_125 = tpu.memref_squeeze %dma_start3A_124 : memref<1x128x128xf32, #tpu.memory_space<vmem>> -> memref<128x128xf32, #tpu.memory_space<vmem>>
    %dma_start3A_126 = arith.constant 0 : i32
    %dma_start3A_127 = tpu.memref_slice %arg6[%dma_start3A_120, %dma_start3A_121, %dma_start3A_126] : memref<3x2x128xi32, #tpu.memory_space<vmem>> -> memref<1x1x128xi32, #tpu.memory_space<vmem>>
    %dma_start3A_128 = tpu.memref_squeeze %dma_start3A_127 : memref<1x1x128xi32, #tpu.memory_space<vmem>> -> memref<128xi32, #tpu.memory_space<vmem>>
    %dma_start3A_129 = arith.constant 0 : i32
    %dma_start3A_130 = arith.constant 0 : i32
    %dma_start3A_131 = tpu.memref_slice %arg8[%dma_start3A_129, %dma_start3A_130] : memref<10240x128xf32, #tpu.memory_space<vmem_shared>> -> memref<10240x128xf32, #tpu.memory_space<vmem_shared>>
    tpu.enqueue_indirect_dma source(%dma_start3A_125 : memref<128x128xf32, #tpu.memory_space<vmem>>) target(%dma_start3A_131 : memref<10240x128xf32, #tpu.memory_space<vmem_shared>>) offsets(%dma_start3A_128 : memref<128xi32, #tpu.memory_space<vmem>>) semaphore(%arg11 : memref<!tpu.dma_semaphore, #tpu.memory_space<semaphore_mem>>) {add = true}
    %dma_wait3A_132 = arith.constant 0 : i32
    %dma_wait3A_133 = arith.constant 0 : i32
    %dma_wait3A_134 = arith.constant 1 : i32
    %dma_wait3A_135 = arith.constant 0 : i32
    %dma_wait3A_136 = arith.constant 0 : i32
    %dma_wait3A_137 = tpu.memref_slice %arg7[%dma_wait3A_132, %dma_wait3A_135, %dma_wait3A_136] : memref<2x128x128xf32, #tpu.memory_space<vmem>> -> memref<1x128x128xf32, #tpu.memory_space<vmem>>
    %dma_wait3A_138 = tpu.memref_squeeze %dma_wait3A_137 : memref<1x128x128xf32, #tpu.memory_space<vmem>> -> memref<128x128xf32, #tpu.memory_space<vmem>>
    %dma_wait3A_139 = arith.constant 0 : i32
    %dma_wait3A_140 = tpu.memref_slice %arg6[%dma_wait3A_133, %dma_wait3A_134, %dma_wait3A_139] : memref<3x2x128xi32, #tpu.memory_space<vmem>> -> memref<1x1x128xi32, #tpu.memory_space<vmem>>
    %dma_wait3A_141 = tpu.memref_squeeze %dma_wait3A_140 : memref<1x1x128xi32, #tpu.memory_space<vmem>> -> memref<128xi32, #tpu.memory_space<vmem>>
    %dma_wait3A_142 = arith.constant 0 : i32
    %dma_wait3A_143 = arith.constant 0 : i32
    %dma_wait3A_144 = tpu.memref_slice %arg8[%dma_wait3A_142, %dma_wait3A_143] : memref<10240x128xf32, #tpu.memory_space<vmem_shared>> -> memref<10240x128xf32, #tpu.memory_space<vmem_shared>>
    tpu.wait_indirect_dma semaphore(%arg10 : memref<!tpu.dma_semaphore, #tpu.memory_space<semaphore_mem>>) src(%dma_wait3A_138 : memref<128x128xf32, #tpu.memory_space<vmem>>) dst(%dma_wait3A_144 : memref<10240x128xf32, #tpu.memory_space<vmem_shared>>)
    %add3A_145 = arith.constant 64 : i32
    %add3A_146 = arith.addi %add3A_145, %add3A : i32
    %mul3A_147 = arith.constant 128 : i32
    %mul3A_148 = arith.muli %add3A_146, %mul3A_147 : i32
    %dma_wait3A_149 = arith.constant 2 : i32
    %dma_wait3A_150 = arith.constant 0 : i32
    %dma_wait3A_151 = arith.constant 0 : i32
    %dma_wait3A_152 = tpu.memref_slice %arg6[%dma_wait3A_149, %dma_wait3A_150, %dma_wait3A_151] : memref<3x2x128xi32, #tpu.memory_space<vmem>> -> memref<1x2x128xi32, #tpu.memory_space<vmem>>
    %dma_wait3A_153 = tpu.memref_squeeze %dma_wait3A_152 : memref<1x2x128xi32, #tpu.memory_space<vmem>> -> memref<2x128xi32, #tpu.memory_space<vmem>>
    %dma_wait3A_154 = arith.constant 0 : i32
    %dma_wait3A_155 = tpu.memref_slice %arg2[%dma_wait3A_154, %mul3A_148] : memref<2x320000xi32, #tpu.memory_space<hbm>> -> memref<2x128xi32, #tpu.memory_space<hbm>>
    %dma_wait3A_156 = arith.constant 0 : i32
    %dma_wait3A_157 = arith.constant 0 : i32
    %dma_wait3A_158 = tpu.memref_slice %arg6[%dma_wait3A_149, %dma_wait3A_156, %dma_wait3A_157] : memref<3x2x128xi32, #tpu.memory_space<vmem>> -> memref<1x2x128xi32, #tpu.memory_space<vmem>>
    %dma_wait3A_159 = tpu.memref_squeeze %dma_wait3A_158 : memref<1x2x128xi32, #tpu.memory_space<vmem>> -> memref<2x128xi32, #tpu.memory_space<vmem>>
    %dma_wait3A_160 = arith.constant 0 : i32
    %dma_wait3A_161 = tpu.memref_slice %arg2[%dma_wait3A_160, %mul3A_148] : memref<2x320000xi32, #tpu.memory_space<hbm>> -> memref<2x128xi32, #tpu.memory_space<hbm>>
    tpu.wait_dma2 semaphore(%arg12 : memref<!tpu.dma_semaphore, #tpu.memory_space<semaphore_mem>>) src(%dma_wait3A_161 : memref<2x128xi32, #tpu.memory_space<hbm>>) dst(%dma_wait3A_159 : memref<2x128xi32, #tpu.memory_space<vmem>>)
    %add3A_162 = arith.constant 96 : i32
    %add3A_163 = arith.addi %add3A_162, %add3A : i32
    %mul3A_164 = arith.constant 128 : i32
    %mul3A_165 = arith.muli %add3A_163, %mul3A_164 : i32
    %dma_start3A_166 = arith.constant 0 : i32
    %dma_start3A_167 = arith.constant 0 : i32
    %dma_start3A_168 = arith.constant 0 : i32
    %dma_start3A_169 = tpu.memref_slice %arg6[%dma_start3A_166, %dma_start3A_167, %dma_start3A_168] : memref<3x2x128xi32, #tpu.memory_space<vmem>> -> memref<1x2x128xi32, #tpu.memory_space<vmem>>
    %dma_start3A_170 = tpu.memref_squeeze %dma_start3A_169 : memref<1x2x128xi32, #tpu.memory_space<vmem>> -> memref<2x128xi32, #tpu.memory_space<vmem>>
    %dma_start3A_171 = arith.constant 0 : i32
    %dma_start3A_172 = tpu.memref_slice %arg2[%dma_start3A_171, %mul3A_165] : memref<2x320000xi32, #tpu.memory_space<hbm>> -> memref<2x128xi32, #tpu.memory_space<hbm>>
    %dma_start3A_173 = arith.constant 0 : i32
    %dma_start3A_174 = arith.constant 0 : i32
    %dma_start3A_175 = tpu.memref_slice %arg6[%dma_start3A_166, %dma_start3A_173, %dma_start3A_174] : memref<3x2x128xi32, #tpu.memory_space<vmem>> -> memref<1x2x128xi32, #tpu.memory_space<vmem>>
    %dma_start3A_176 = tpu.memref_squeeze %dma_start3A_175 : memref<1x2x128xi32, #tpu.memory_space<vmem>> -> memref<2x128xi32, #tpu.memory_space<vmem>>
    %dma_start3A_177 = arith.constant 0 : i32
    %dma_start3A_178 = tpu.memref_slice %arg2[%dma_start3A_177, %mul3A_165] : memref<2x320000xi32, #tpu.memory_space<hbm>> -> memref<2x128xi32, #tpu.memory_space<hbm>>
    tpu.enqueue_dma source(%dma_start3A_178 : memref<2x128xi32, #tpu.memory_space<hbm>>) target(%dma_start3A_176 : memref<2x128xi32, #tpu.memory_space<vmem>>) target_semaphore(%arg12 : memref<!tpu.dma_semaphore, #tpu.memory_space<semaphore_mem>>)
    %dma_start3A_179 = arith.constant 2 : i32
    %dma_start3A_180 = arith.constant 0 : i32
    %dma_start3A_181 = arith.constant 0 : i32
    %dma_start3A_182 = arith.constant 0 : i32
    %dma_start3A_183 = arith.constant 0 : i32
    %dma_start3A_184 = tpu.memref_slice %arg7[%dma_start3A_181, %dma_start3A_182, %dma_start3A_183] : memref<2x128x128xf32, #tpu.memory_space<vmem>> -> memref<1x128x128xf32, #tpu.memory_space<vmem>>
    %dma_start3A_185 = tpu.memref_squeeze %dma_start3A_184 : memref<1x128x128xf32, #tpu.memory_space<vmem>> -> memref<128x128xf32, #tpu.memory_space<vmem>>
    %dma_start3A_186 = arith.constant 0 : i32
    %dma_start3A_187 = tpu.memref_slice %arg6[%dma_start3A_179, %dma_start3A_180, %dma_start3A_186] : memref<3x2x128xi32, #tpu.memory_space<vmem>> -> memref<1x1x128xi32, #tpu.memory_space<vmem>>
    %dma_start3A_188 = tpu.memref_squeeze %dma_start3A_187 : memref<1x1x128xi32, #tpu.memory_space<vmem>> -> memref<128xi32, #tpu.memory_space<vmem>>
    %dma_start3A_189 = arith.constant 0 : i32
    %dma_start3A_190 = arith.constant 0 : i32
    %dma_start3A_191 = tpu.memref_slice %arg3[%dma_start3A_189, %dma_start3A_190] : memref<10000x128xf32, #tpu.memory_space<hbm>> -> memref<10000x128xf32, #tpu.memory_space<hbm>>
    tpu.enqueue_indirect_dma source(%dma_start3A_191 : memref<10000x128xf32, #tpu.memory_space<hbm>>) target(%dma_start3A_185 : memref<128x128xf32, #tpu.memory_space<vmem>>) offsets(%dma_start3A_188 : memref<128xi32, #tpu.memory_space<vmem>>) semaphore(%arg9 : memref<!tpu.dma_semaphore, #tpu.memory_space<semaphore_mem>>)
    %scan3A = arith.constant 0 : i32
    %scan3A_192 = arith.constant 1 : i32
    %scan3A_193 = arith.constant 37 : i32
    %scan3A_194 = arith.addi %scan3A_192, %scan3A_193 : i32
    %scan3A_195 = arith.constant 1 : i32
    %scan3A_196 = scf.for %scan3A_322 = %scan3A_192 to %scan3A_194 step %scan3A_195 iter_args(%scan3A_323 = %scan3A) -> (i32)  : i32 {
      %mul3A_324 = arith.constant 2 : i32
      %mul3A_325 = arith.muli %mul3A_324, %scan3A_322 : i32
      %rem3A = arith.constant 3 : i32
      %rem3A_326 = arith.remsi %mul3A_325, %rem3A : i32
      %add3A_327 = arith.constant 1 : i32
      %add3A_328 = arith.addi %mul3A_325, %add3A_327 : i32
      %rem3A_329 = arith.constant 3 : i32
      %rem3A_330 = arith.remsi %add3A_328, %rem3A_329 : i32
      %add3A_331 = arith.constant 2 : i32
      %add3A_332 = arith.addi %mul3A_325, %add3A_331 : i32
      %rem3A_333 = arith.constant 3 : i32
      %rem3A_334 = arith.remsi %add3A_332, %rem3A_333 : i32
      %add3A_335 = arith.constant 3 : i32
      %add3A_336 = arith.addi %mul3A_325, %add3A_335 : i32
      %rem3A_337 = arith.constant 3 : i32
      %rem3A_338 = arith.remsi %add3A_336, %rem3A_337 : i32
      %dma_wait3A_339 = arith.constant 0 : i32
      %dma_wait3A_340 = arith.constant 0 : i32
      %dma_wait3A_341 = arith.constant 0 : i32
      %dma_wait3A_342 = arith.constant 0 : i32
      %dma_wait3A_343 = tpu.memref_slice %arg7[%dma_wait3A_340, %dma_wait3A_341, %dma_wait3A_342] : memref<2x128x128xf32, #tpu.memory_space<vmem>> -> memref<1x128x128xf32, #tpu.memory_space<vmem>>
      %dma_wait3A_344 = tpu.memref_squeeze %dma_wait3A_343 : memref<1x128x128xf32, #tpu.memory_space<vmem>> -> memref<128x128xf32, #tpu.memory_space<vmem>>
      %dma_wait3A_345 = arith.constant 0 : i32
      %dma_wait3A_346 = tpu.memref_slice %arg6[%rem3A_326, %dma_wait3A_339, %dma_wait3A_345] : memref<3x2x128xi32, #tpu.memory_space<vmem>> -> memref<1x1x128xi32, #tpu.memory_space<vmem>>
      %dma_wait3A_347 = tpu.memref_squeeze %dma_wait3A_346 : memref<1x1x128xi32, #tpu.memory_space<vmem>> -> memref<128xi32, #tpu.memory_space<vmem>>
      %dma_wait3A_348 = arith.constant 0 : i32
      %dma_wait3A_349 = arith.constant 0 : i32
      %dma_wait3A_350 = tpu.memref_slice %arg3[%dma_wait3A_348, %dma_wait3A_349] : memref<10000x128xf32, #tpu.memory_space<hbm>> -> memref<10000x128xf32, #tpu.memory_space<hbm>>
      tpu.wait_indirect_dma semaphore(%arg9 : memref<!tpu.dma_semaphore, #tpu.memory_space<semaphore_mem>>) src(%dma_wait3A_350 : memref<10000x128xf32, #tpu.memory_space<hbm>>) dst(%dma_wait3A_344 : memref<128x128xf32, #tpu.memory_space<vmem>>)
      %dma_start3A_351 = arith.constant 0 : i32
      %dma_start3A_352 = arith.constant 1 : i32
      %dma_start3A_353 = arith.constant 0 : i32
      %dma_start3A_354 = arith.constant 0 : i32
      %dma_start3A_355 = tpu.memref_slice %arg7[%dma_start3A_351, %dma_start3A_353, %dma_start3A_354] : memref<2x128x128xf32, #tpu.memory_space<vmem>> -> memref<1x128x128xf32, #tpu.memory_space<vmem>>
      %dma_start3A_356 = tpu.memref_squeeze %dma_start3A_355 : memref<1x128x128xf32, #tpu.memory_space<vmem>> -> memref<128x128xf32, #tpu.memory_space<vmem>>
      %dma_start3A_357 = arith.constant 0 : i32
      %dma_start3A_358 = tpu.memref_slice %arg6[%rem3A_326, %dma_start3A_352, %dma_start3A_357] : memref<3x2x128xi32, #tpu.memory_space<vmem>> -> memref<1x1x128xi32, #tpu.memory_space<vmem>>
      %dma_start3A_359 = tpu.memref_squeeze %dma_start3A_358 : memref<1x1x128xi32, #tpu.memory_space<vmem>> -> memref<128xi32, #tpu.memory_space<vmem>>
      %dma_start3A_360 = arith.constant 0 : i32
      %dma_start3A_361 = arith.constant 0 : i32
      %dma_start3A_362 = tpu.memref_slice %arg8[%dma_start3A_360, %dma_start3A_361] : memref<10240x128xf32, #tpu.memory_space<vmem_shared>> -> memref<10240x128xf32, #tpu.memory_space<vmem_shared>>
      tpu.enqueue_indirect_dma source(%dma_start3A_356 : memref<128x128xf32, #tpu.memory_space<vmem>>) target(%dma_start3A_362 : memref<10240x128xf32, #tpu.memory_space<vmem_shared>>) offsets(%dma_start3A_359 : memref<128xi32, #tpu.memory_space<vmem>>) semaphore(%arg10 : memref<!tpu.dma_semaphore, #tpu.memory_space<semaphore_mem>>) {add = true}
      %sub3A = arith.constant 1 : i32
      %sub3A_363 = arith.subi %mul3A_325, %sub3A : i32
      %dma_wait3A_364 = arith.constant 1 : i32
      %dma_wait3A_365 = arith.constant 1 : i32
      %dma_wait3A_366 = arith.constant 0 : i32
      %dma_wait3A_367 = arith.constant 0 : i32
      %dma_wait3A_368 = tpu.memref_slice %arg7[%dma_wait3A_364, %dma_wait3A_366, %dma_wait3A_367] : memref<2x128x128xf32, #tpu.memory_space<vmem>> -> memref<1x128x128xf32, #tpu.memory_space<vmem>>
      %dma_wait3A_369 = tpu.memref_squeeze %dma_wait3A_368 : memref<1x128x128xf32, #tpu.memory_space<vmem>> -> memref<128x128xf32, #tpu.memory_space<vmem>>
      %dma_wait3A_370 = arith.constant 0 : i32
      %dma_wait3A_371 = tpu.memref_slice %arg6[%rem3A_334, %dma_wait3A_365, %dma_wait3A_370] : memref<3x2x128xi32, #tpu.memory_space<vmem>> -> memref<1x1x128xi32, #tpu.memory_space<vmem>>
      %dma_wait3A_372 = tpu.memref_squeeze %dma_wait3A_371 : memref<1x1x128xi32, #tpu.memory_space<vmem>> -> memref<128xi32, #tpu.memory_space<vmem>>
      %dma_wait3A_373 = arith.constant 0 : i32
      %dma_wait3A_374 = arith.constant 0 : i32
      %dma_wait3A_375 = tpu.memref_slice %arg8[%dma_wait3A_373, %dma_wait3A_374] : memref<10240x128xf32, #tpu.memory_space<vmem_shared>> -> memref<10240x128xf32, #tpu.memory_space<vmem_shared>>
      tpu.wait_indirect_dma semaphore(%arg11 : memref<!tpu.dma_semaphore, #tpu.memory_space<semaphore_mem>>) src(%dma_wait3A_369 : memref<128x128xf32, #tpu.memory_space<vmem>>) dst(%dma_wait3A_375 : memref<10240x128xf32, #tpu.memory_space<vmem_shared>>)
      %add3A_376 = arith.constant 1 : i32
      %add3A_377 = arith.addi %mul3A_325, %add3A_376 : i32
      %mul3A_378 = arith.constant 32 : i32
      %mul3A_379 = arith.muli %add3A_377, %mul3A_378 : i32
      %add3A_380 = arith.addi %mul3A_379, %add3A : i32
      %mul3A_381 = arith.constant 128 : i32
      %mul3A_382 = arith.muli %add3A_380, %mul3A_381 : i32
      %dma_wait3A_383 = arith.constant 0 : i32
      %dma_wait3A_384 = arith.constant 0 : i32
      %dma_wait3A_385 = tpu.memref_slice %arg6[%rem3A_330, %dma_wait3A_383, %dma_wait3A_384] : memref<3x2x128xi32, #tpu.memory_space<vmem>> -> memref<1x2x128xi32, #tpu.memory_space<vmem>>
      %dma_wait3A_386 = tpu.memref_squeeze %dma_wait3A_385 : memref<1x2x128xi32, #tpu.memory_space<vmem>> -> memref<2x128xi32, #tpu.memory_space<vmem>>
      %dma_wait3A_387 = arith.constant 0 : i32
      %dma_wait3A_388 = tpu.memref_slice %arg2[%dma_wait3A_387, %mul3A_382] : memref<2x320000xi32, #tpu.memory_space<hbm>> -> memref<2x128xi32, #tpu.memory_space<hbm>>
      %dma_wait3A_389 = arith.constant 0 : i32
      %dma_wait3A_390 = arith.constant 0 : i32
      %dma_wait3A_391 = tpu.memref_slice %arg6[%rem3A_330, %dma_wait3A_389, %dma_wait3A_390] : memref<3x2x128xi32, #tpu.memory_space<vmem>> -> memref<1x2x128xi32, #tpu.memory_space<vmem>>
      %dma_wait3A_392 = tpu.memref_squeeze %dma_wait3A_391 : memref<1x2x128xi32, #tpu.memory_space<vmem>> -> memref<2x128xi32, #tpu.memory_space<vmem>>
      %dma_wait3A_393 = arith.constant 0 : i32
      %dma_wait3A_394 = tpu.memref_slice %arg2[%dma_wait3A_393, %mul3A_382] : memref<2x320000xi32, #tpu.memory_space<hbm>> -> memref<2x128xi32, #tpu.memory_space<hbm>>
      tpu.wait_dma2 semaphore(%arg12 : memref<!tpu.dma_semaphore, #tpu.memory_space<semaphore_mem>>) src(%dma_wait3A_394 : memref<2x128xi32, #tpu.memory_space<hbm>>) dst(%dma_wait3A_392 : memref<2x128xi32, #tpu.memory_space<vmem>>)
      %add3A_395 = arith.constant 2 : i32
      %add3A_396 = arith.addi %mul3A_325, %add3A_395 : i32
      %mul3A_397 = arith.constant 32 : i32
      %mul3A_398 = arith.muli %add3A_396, %mul3A_397 : i32
      %add3A_399 = arith.addi %mul3A_398, %add3A : i32
      %mul3A_400 = arith.constant 128 : i32
      %mul3A_401 = arith.muli %add3A_399, %mul3A_400 : i32
      %dma_start3A_402 = arith.constant 0 : i32
      %dma_start3A_403 = arith.constant 0 : i32
      %dma_start3A_404 = tpu.memref_slice %arg6[%rem3A_334, %dma_start3A_402, %dma_start3A_403] : memref<3x2x128xi32, #tpu.memory_space<vmem>> -> memref<1x2x128xi32, #tpu.memory_space<vmem>>
      %dma_start3A_405 = tpu.memref_squeeze %dma_start3A_404 : memref<1x2x128xi32, #tpu.memory_space<vmem>> -> memref<2x128xi32, #tpu.memory_space<vmem>>
      %dma_start3A_406 = arith.constant 0 : i32
      %dma_start3A_407 = tpu.memref_slice %arg2[%dma_start3A_406, %mul3A_401] : memref<2x320000xi32, #tpu.memory_space<hbm>> -> memref<2x128xi32, #tpu.memory_space<hbm>>
      %dma_start3A_408 = arith.constant 0 : i32
      %dma_start3A_409 = arith.constant 0 : i32
      %dma_start3A_410 = tpu.memref_slice %arg6[%rem3A_334, %dma_start3A_408, %dma_start3A_409] : memref<3x2x128xi32, #tpu.memory_space<vmem>> -> memref<1x2x128xi32, #tpu.memory_space<vmem>>
      %dma_start3A_411 = tpu.memref_squeeze %dma_start3A_410 : memref<1x2x128xi32, #tpu.memory_space<vmem>> -> memref<2x128xi32, #tpu.memory_space<vmem>>
      %dma_start3A_412 = arith.constant 0 : i32
      %dma_start3A_413 = tpu.memref_slice %arg2[%dma_start3A_412, %mul3A_401] : memref<2x320000xi32, #tpu.memory_space<hbm>> -> memref<2x128xi32, #tpu.memory_space<hbm>>
      tpu.enqueue_dma source(%dma_start3A_413 : memref<2x128xi32, #tpu.memory_space<hbm>>) target(%dma_start3A_411 : memref<2x128xi32, #tpu.memory_space<vmem>>) target_semaphore(%arg12 : memref<!tpu.dma_semaphore, #tpu.memory_space<semaphore_mem>>)
      %add3A_414 = arith.constant 1 : i32
      %add3A_415 = arith.addi %mul3A_325, %add3A_414 : i32
      %dma_start3A_416 = arith.constant 0 : i32
      %dma_start3A_417 = arith.constant 1 : i32
      %dma_start3A_418 = arith.constant 0 : i32
      %dma_start3A_419 = arith.constant 0 : i32
      %dma_start3A_420 = tpu.memref_slice %arg7[%dma_start3A_417, %dma_start3A_418, %dma_start3A_419] : memref<2x128x128xf32, #tpu.memory_space<vmem>> -> memref<1x128x128xf32, #tpu.memory_space<vmem>>
      %dma_start3A_421 = tpu.memref_squeeze %dma_start3A_420 : memref<1x128x128xf32, #tpu.memory_space<vmem>> -> memref<128x128xf32, #tpu.memory_space<vmem>>
      %dma_start3A_422 = arith.constant 0 : i32
      %dma_start3A_423 = tpu.memref_slice %arg6[%rem3A_330, %dma_start3A_416, %dma_start3A_422] : memref<3x2x128xi32, #tpu.memory_space<vmem>> -> memref<1x1x128xi32, #tpu.memory_space<vmem>>
      %dma_start3A_424 = tpu.memref_squeeze %dma_start3A_423 : memref<1x1x128xi32, #tpu.memory_space<vmem>> -> memref<128xi32, #tpu.memory_space<vmem>>
      %dma_start3A_425 = arith.constant 0 : i32
      %dma_start3A_426 = arith.constant 0 : i32
      %dma_start3A_427 = tpu.memref_slice %arg3[%dma_start3A_425, %dma_start3A_426] : memref<10000x128xf32, #tpu.memory_space<hbm>> -> memref<10000x128xf32, #tpu.memory_space<hbm>>
      tpu.enqueue_indirect_dma source(%dma_start3A_427 : memref<10000x128xf32, #tpu.memory_space<hbm>>) target(%dma_start3A_421 : memref<128x128xf32, #tpu.memory_space<vmem>>) offsets(%dma_start3A_424 : memref<128xi32, #tpu.memory_space<vmem>>) semaphore(%arg9 : memref<!tpu.dma_semaphore, #tpu.memory_space<semaphore_mem>>)
      %add3A_428 = arith.constant 1 : i32
      %add3A_429 = arith.addi %mul3A_325, %add3A_428 : i32
      %dma_wait3A_430 = arith.constant 0 : i32
      %dma_wait3A_431 = arith.constant 1 : i32
      %dma_wait3A_432 = arith.constant 0 : i32
      %dma_wait3A_433 = arith.constant 0 : i32
      %dma_wait3A_434 = tpu.memref_slice %arg7[%dma_wait3A_431, %dma_wait3A_432, %dma_wait3A_433] : memref<2x128x128xf32, #tpu.memory_space<vmem>> -> memref<1x128x128xf32, #tpu.memory_space<vmem>>
      %dma_wait3A_435 = tpu.memref_squeeze %dma_wait3A_434 : memref<1x128x128xf32, #tpu.memory_space<vmem>> -> memref<128x128xf32, #tpu.memory_space<vmem>>
      %dma_wait3A_436 = arith.constant 0 : i32
      %dma_wait3A_437 = tpu.memref_slice %arg6[%rem3A_330, %dma_wait3A_430, %dma_wait3A_436] : memref<3x2x128xi32, #tpu.memory_space<vmem>> -> memref<1x1x128xi32, #tpu.memory_space<vmem>>
      %dma_wait3A_438 = tpu.memref_squeeze %dma_wait3A_437 : memref<1x1x128xi32, #tpu.memory_space<vmem>> -> memref<128xi32, #tpu.memory_space<vmem>>
      %dma_wait3A_439 = arith.constant 0 : i32
      %dma_wait3A_440 = arith.constant 0 : i32
      %dma_wait3A_441 = tpu.memref_slice %arg3[%dma_wait3A_439, %dma_wait3A_440] : memref<10000x128xf32, #tpu.memory_space<hbm>> -> memref<10000x128xf32, #tpu.memory_space<hbm>>
      tpu.wait_indirect_dma semaphore(%arg9 : memref<!tpu.dma_semaphore, #tpu.memory_space<semaphore_mem>>) src(%dma_wait3A_441 : memref<10000x128xf32, #tpu.memory_space<hbm>>) dst(%dma_wait3A_435 : memref<128x128xf32, #tpu.memory_space<vmem>>)
      %add3A_442 = arith.constant 1 : i32
      %add3A_443 = arith.addi %mul3A_325, %add3A_442 : i32
      %dma_start3A_444 = arith.constant 1 : i32
      %dma_start3A_445 = arith.constant 1 : i32
      %dma_start3A_446 = arith.constant 0 : i32
      %dma_start3A_447 = arith.constant 0 : i32
      %dma_start3A_448 = tpu.memref_slice %arg7[%dma_start3A_444, %dma_start3A_446, %dma_start3A_447] : memref<2x128x128xf32, #tpu.memory_space<vmem>> -> memref<1x128x128xf32, #tpu.memory_space<vmem>>
      %dma_start3A_449 = tpu.memref_squeeze %dma_start3A_448 : memref<1x128x128xf32, #tpu.memory_space<vmem>> -> memref<128x128xf32, #tpu.memory_space<vmem>>
      %dma_start3A_450 = arith.constant 0 : i32
      %dma_start3A_451 = tpu.memref_slice %arg6[%rem3A_330, %dma_start3A_445, %dma_start3A_450] : memref<3x2x128xi32, #tpu.memory_space<vmem>> -> memref<1x1x128xi32, #tpu.memory_space<vmem>>
      %dma_start3A_452 = tpu.memref_squeeze %dma_start3A_451 : memref<1x1x128xi32, #tpu.memory_space<vmem>> -> memref<128xi32, #tpu.memory_space<vmem>>
      %dma_start3A_453 = arith.constant 0 : i32
      %dma_start3A_454 = arith.constant 0 : i32
      %dma_start3A_455 = tpu.memref_slice %arg8[%dma_start3A_453, %dma_start3A_454] : memref<10240x128xf32, #tpu.memory_space<vmem_shared>> -> memref<10240x128xf32, #tpu.memory_space<vmem_shared>>
      tpu.enqueue_indirect_dma source(%dma_start3A_449 : memref<128x128xf32, #tpu.memory_space<vmem>>) target(%dma_start3A_455 : memref<10240x128xf32, #tpu.memory_space<vmem_shared>>) offsets(%dma_start3A_452 : memref<128xi32, #tpu.memory_space<vmem>>) semaphore(%arg11 : memref<!tpu.dma_semaphore, #tpu.memory_space<semaphore_mem>>) {add = true}
      %dma_wait3A_456 = arith.constant 0 : i32
      %dma_wait3A_457 = arith.constant 1 : i32
      %dma_wait3A_458 = arith.constant 0 : i32
      %dma_wait3A_459 = arith.constant 0 : i32
      %dma_wait3A_460 = tpu.memref_slice %arg7[%dma_wait3A_456, %dma_wait3A_458, %dma_wait3A_459] : memref<2x128x128xf32, #tpu.memory_space<vmem>> -> memref<1x128x128xf32, #tpu.memory_space<vmem>>
      %dma_wait3A_461 = tpu.memref_squeeze %dma_wait3A_460 : memref<1x128x128xf32, #tpu.memory_space<vmem>> -> memref<128x128xf32, #tpu.memory_space<vmem>>
      %dma_wait3A_462 = arith.constant 0 : i32
      %dma_wait3A_463 = tpu.memref_slice %arg6[%rem3A_326, %dma_wait3A_457, %dma_wait3A_462] : memref<3x2x128xi32, #tpu.memory_space<vmem>> -> memref<1x1x128xi32, #tpu.memory_space<vmem>>
      %dma_wait3A_464 = tpu.memref_squeeze %dma_wait3A_463 : memref<1x1x128xi32, #tpu.memory_space<vmem>> -> memref<128xi32, #tpu.memory_space<vmem>>
      %dma_wait3A_465 = arith.constant 0 : i32
      %dma_wait3A_466 = arith.constant 0 : i32
      %dma_wait3A_467 = tpu.memref_slice %arg8[%dma_wait3A_465, %dma_wait3A_466] : memref<10240x128xf32, #tpu.memory_space<vmem_shared>> -> memref<10240x128xf32, #tpu.memory_space<vmem_shared>>
      tpu.wait_indirect_dma semaphore(%arg10 : memref<!tpu.dma_semaphore, #tpu.memory_space<semaphore_mem>>) src(%dma_wait3A_461 : memref<128x128xf32, #tpu.memory_space<vmem>>) dst(%dma_wait3A_467 : memref<10240x128xf32, #tpu.memory_space<vmem_shared>>)
      %add3A_468 = arith.constant 2 : i32
      %add3A_469 = arith.addi %mul3A_325, %add3A_468 : i32
      %mul3A_470 = arith.constant 32 : i32
      %mul3A_471 = arith.muli %add3A_469, %mul3A_470 : i32
      %add3A_472 = arith.addi %mul3A_471, %add3A : i32
      %mul3A_473 = arith.constant 128 : i32
      %mul3A_474 = arith.muli %add3A_472, %mul3A_473 : i32
      %dma_wait3A_475 = arith.constant 0 : i32
      %dma_wait3A_476 = arith.constant 0 : i32
      %dma_wait3A_477 = tpu.memref_slice %arg6[%rem3A_334, %dma_wait3A_475, %dma_wait3A_476] : memref<3x2x128xi32, #tpu.memory_space<vmem>> -> memref<1x2x128xi32, #tpu.memory_space<vmem>>
      %dma_wait3A_478 = tpu.memref_squeeze %dma_wait3A_477 : memref<1x2x128xi32, #tpu.memory_space<vmem>> -> memref<2x128xi32, #tpu.memory_space<vmem>>
      %dma_wait3A_479 = arith.constant 0 : i32
      %dma_wait3A_480 = tpu.memref_slice %arg2[%dma_wait3A_479, %mul3A_474] : memref<2x320000xi32, #tpu.memory_space<hbm>> -> memref<2x128xi32, #tpu.memory_space<hbm>>
      %dma_wait3A_481 = arith.constant 0 : i32
      %dma_wait3A_482 = arith.constant 0 : i32
      %dma_wait3A_483 = tpu.memref_slice %arg6[%rem3A_334, %dma_wait3A_481, %dma_wait3A_482] : memref<3x2x128xi32, #tpu.memory_space<vmem>> -> memref<1x2x128xi32, #tpu.memory_space<vmem>>
      %dma_wait3A_484 = tpu.memref_squeeze %dma_wait3A_483 : memref<1x2x128xi32, #tpu.memory_space<vmem>> -> memref<2x128xi32, #tpu.memory_space<vmem>>
      %dma_wait3A_485 = arith.constant 0 : i32
      %dma_wait3A_486 = tpu.memref_slice %arg2[%dma_wait3A_485, %mul3A_474] : memref<2x320000xi32, #tpu.memory_space<hbm>> -> memref<2x128xi32, #tpu.memory_space<hbm>>
      tpu.wait_dma2 semaphore(%arg12 : memref<!tpu.dma_semaphore, #tpu.memory_space<semaphore_mem>>) src(%dma_wait3A_486 : memref<2x128xi32, #tpu.memory_space<hbm>>) dst(%dma_wait3A_484 : memref<2x128xi32, #tpu.memory_space<vmem>>)
      %add3A_487 = arith.constant 3 : i32
      %add3A_488 = arith.addi %mul3A_325, %add3A_487 : i32
      %mul3A_489 = arith.constant 32 : i32
      %mul3A_490 = arith.muli %add3A_488, %mul3A_489 : i32
      %add3A_491 = arith.addi %mul3A_490, %add3A : i32
      %mul3A_492 = arith.constant 128 : i32
      %mul3A_493 = arith.muli %add3A_491, %mul3A_492 : i32
      %dma_start3A_494 = arith.constant 0 : i32
      %dma_start3A_495 = arith.constant 0 : i32
      %dma_start3A_496 = tpu.memref_slice %arg6[%rem3A_326, %dma_start3A_494, %dma_start3A_495] : memref<3x2x128xi32, #tpu.memory_space<vmem>> -> memref<1x2x128xi32, #tpu.memory_space<vmem>>
      %dma_start3A_497 = tpu.memref_squeeze %dma_start3A_496 : memref<1x2x128xi32, #tpu.memory_space<vmem>> -> memref<2x128xi32, #tpu.memory_space<vmem>>
      %dma_start3A_498 = arith.constant 0 : i32
      %dma_start3A_499 = tpu.memref_slice %arg2[%dma_start3A_498, %mul3A_493] : memref<2x320000xi32, #tpu.memory_space<hbm>> -> memref<2x128xi32, #tpu.memory_space<hbm>>
      %dma_start3A_500 = arith.constant 0 : i32
      %dma_start3A_501 = arith.constant 0 : i32
      %dma_start3A_502 = tpu.memref_slice %arg6[%rem3A_326, %dma_start3A_500, %dma_start3A_501] : memref<3x2x128xi32, #tpu.memory_space<vmem>> -> memref<1x2x128xi32, #tpu.memory_space<vmem>>
      %dma_start3A_503 = tpu.memref_squeeze %dma_start3A_502 : memref<1x2x128xi32, #tpu.memory_space<vmem>> -> memref<2x128xi32, #tpu.memory_space<vmem>>
      %dma_start3A_504 = arith.constant 0 : i32
      %dma_start3A_505 = tpu.memref_slice %arg2[%dma_start3A_504, %mul3A_493] : memref<2x320000xi32, #tpu.memory_space<hbm>> -> memref<2x128xi32, #tpu.memory_space<hbm>>
      tpu.enqueue_dma source(%dma_start3A_505 : memref<2x128xi32, #tpu.memory_space<hbm>>) target(%dma_start3A_503 : memref<2x128xi32, #tpu.memory_space<vmem>>) target_semaphore(%arg12 : memref<!tpu.dma_semaphore, #tpu.memory_space<semaphore_mem>>)
      %add3A_506 = arith.constant 2 : i32
      %add3A_507 = arith.addi %mul3A_325, %add3A_506 : i32
      %dma_start3A_508 = arith.constant 0 : i32
      %dma_start3A_509 = arith.constant 0 : i32
      %dma_start3A_510 = arith.constant 0 : i32
      %dma_start3A_511 = arith.constant 0 : i32
      %dma_start3A_512 = tpu.memref_slice %arg7[%dma_start3A_509, %dma_start3A_510, %dma_start3A_511] : memref<2x128x128xf32, #tpu.memory_space<vmem>> -> memref<1x128x128xf32, #tpu.memory_space<vmem>>
      %dma_start3A_513 = tpu.memref_squeeze %dma_start3A_512 : memref<1x128x128xf32, #tpu.memory_space<vmem>> -> memref<128x128xf32, #tpu.memory_space<vmem>>
      %dma_start3A_514 = arith.constant 0 : i32
      %dma_start3A_515 = tpu.memref_slice %arg6[%rem3A_334, %dma_start3A_508, %dma_start3A_514] : memref<3x2x128xi32, #tpu.memory_space<vmem>> -> memref<1x1x128xi32, #tpu.memory_space<vmem>>
      %dma_start3A_516 = tpu.memref_squeeze %dma_start3A_515 : memref<1x1x128xi32, #tpu.memory_space<vmem>> -> memref<128xi32, #tpu.memory_space<vmem>>
      %dma_start3A_517 = arith.constant 0 : i32
      %dma_start3A_518 = arith.constant 0 : i32
      %dma_start3A_519 = tpu.memref_slice %arg3[%dma_start3A_517, %dma_start3A_518] : memref<10000x128xf32, #tpu.memory_space<hbm>> -> memref<10000x128xf32, #tpu.memory_space<hbm>>
      tpu.enqueue_indirect_dma source(%dma_start3A_519 : memref<10000x128xf32, #tpu.memory_space<hbm>>) target(%dma_start3A_513 : memref<128x128xf32, #tpu.memory_space<vmem>>) offsets(%dma_start3A_516 : memref<128xi32, #tpu.memory_space<vmem>>) semaphore(%arg9 : memref<!tpu.dma_semaphore, #tpu.memory_space<semaphore_mem>>)
      %scan3A_520 = arith.constant 0 : i32
      scf.yield %scan3A_520 : i32
    }
    %scan3A_197 = arith.constant 37 : i32
    %dma_wait3A_198 = arith.constant 1 : i32
    %dma_wait3A_199 = arith.constant 0 : i32
    %dma_wait3A_200 = arith.constant 0 : i32
    %dma_wait3A_201 = arith.constant 0 : i32
    %dma_wait3A_202 = arith.constant 0 : i32
    %dma_wait3A_203 = tpu.memref_slice %arg7[%dma_wait3A_200, %dma_wait3A_201, %dma_wait3A_202] : memref<2x128x128xf32, #tpu.memory_space<vmem>> -> memref<1x128x128xf32, #tpu.memory_space<vmem>>
    %dma_wait3A_204 = tpu.memref_squeeze %dma_wait3A_203 : memref<1x128x128xf32, #tpu.memory_space<vmem>> -> memref<128x128xf32, #tpu.memory_space<vmem>>
    %dma_wait3A_205 = arith.constant 0 : i32
    %dma_wait3A_206 = tpu.memref_slice %arg6[%dma_wait3A_198, %dma_wait3A_199, %dma_wait3A_205] : memref<3x2x128xi32, #tpu.memory_space<vmem>> -> memref<1x1x128xi32, #tpu.memory_space<vmem>>
    %dma_wait3A_207 = tpu.memref_squeeze %dma_wait3A_206 : memref<1x1x128xi32, #tpu.memory_space<vmem>> -> memref<128xi32, #tpu.memory_space<vmem>>
    %dma_wait3A_208 = arith.constant 0 : i32
    %dma_wait3A_209 = arith.constant 0 : i32
    %dma_wait3A_210 = tpu.memref_slice %arg3[%dma_wait3A_208, %dma_wait3A_209] : memref<10000x128xf32, #tpu.memory_space<hbm>> -> memref<10000x128xf32, #tpu.memory_space<hbm>>
    tpu.wait_indirect_dma semaphore(%arg9 : memref<!tpu.dma_semaphore, #tpu.memory_space<semaphore_mem>>) src(%dma_wait3A_210 : memref<10000x128xf32, #tpu.memory_space<hbm>>) dst(%dma_wait3A_204 : memref<128x128xf32, #tpu.memory_space<vmem>>)
    %dma_start3A_211 = arith.constant 0 : i32
    %dma_start3A_212 = arith.constant 1 : i32
    %dma_start3A_213 = arith.constant 1 : i32
    %dma_start3A_214 = arith.constant 0 : i32
    %dma_start3A_215 = arith.constant 0 : i32
    %dma_start3A_216 = tpu.memref_slice %arg7[%dma_start3A_211, %dma_start3A_214, %dma_start3A_215] : memref<2x128x128xf32, #tpu.memory_space<vmem>> -> memref<1x128x128xf32, #tpu.memory_space<vmem>>
    %dma_start3A_217 = tpu.memref_squeeze %dma_start3A_216 : memref<1x128x128xf32, #tpu.memory_space<vmem>> -> memref<128x128xf32, #tpu.memory_space<vmem>>
    %dma_start3A_218 = arith.constant 0 : i32
    %dma_start3A_219 = tpu.memref_slice %arg6[%dma_start3A_212, %dma_start3A_213, %dma_start3A_218] : memref<3x2x128xi32, #tpu.memory_space<vmem>> -> memref<1x1x128xi32, #tpu.memory_space<vmem>>
    %dma_start3A_220 = tpu.memref_squeeze %dma_start3A_219 : memref<1x1x128xi32, #tpu.memory_space<vmem>> -> memref<128xi32, #tpu.memory_space<vmem>>
    %dma_start3A_221 = arith.constant 0 : i32
    %dma_start3A_222 = arith.constant 0 : i32
    %dma_start3A_223 = tpu.memref_slice %arg8[%dma_start3A_221, %dma_start3A_222] : memref<10240x128xf32, #tpu.memory_space<vmem_shared>> -> memref<10240x128xf32, #tpu.memory_space<vmem_shared>>
    tpu.enqueue_indirect_dma source(%dma_start3A_217 : memref<128x128xf32, #tpu.memory_space<vmem>>) target(%dma_start3A_223 : memref<10240x128xf32, #tpu.memory_space<vmem_shared>>) offsets(%dma_start3A_220 : memref<128xi32, #tpu.memory_space<vmem>>) semaphore(%arg10 : memref<!tpu.dma_semaphore, #tpu.memory_space<semaphore_mem>>) {add = true}
    %dma_wait3A_224 = arith.constant 1 : i32
    %dma_wait3A_225 = arith.constant 0 : i32
    %dma_wait3A_226 = arith.constant 1 : i32
    %dma_wait3A_227 = arith.constant 0 : i32
    %dma_wait3A_228 = arith.constant 0 : i32
    %dma_wait3A_229 = tpu.memref_slice %arg7[%dma_wait3A_224, %dma_wait3A_227, %dma_wait3A_228] : memref<2x128x128xf32, #tpu.memory_space<vmem>> -> memref<1x128x128xf32, #tpu.memory_space<vmem>>
    %dma_wait3A_230 = tpu.memref_squeeze %dma_wait3A_229 : memref<1x128x128xf32, #tpu.memory_space<vmem>> -> memref<128x128xf32, #tpu.memory_space<vmem>>
    %dma_wait3A_231 = arith.constant 0 : i32
    %dma_wait3A_232 = tpu.memref_slice %arg6[%dma_wait3A_225, %dma_wait3A_226, %dma_wait3A_231] : memref<3x2x128xi32, #tpu.memory_space<vmem>> -> memref<1x1x128xi32, #tpu.memory_space<vmem>>
    %dma_wait3A_233 = tpu.memref_squeeze %dma_wait3A_232 : memref<1x1x128xi32, #tpu.memory_space<vmem>> -> memref<128xi32, #tpu.memory_space<vmem>>
    %dma_wait3A_234 = arith.constant 0 : i32
    %dma_wait3A_235 = arith.constant 0 : i32
    %dma_wait3A_236 = tpu.memref_slice %arg8[%dma_wait3A_234, %dma_wait3A_235] : memref<10240x128xf32, #tpu.memory_space<vmem_shared>> -> memref<10240x128xf32, #tpu.memory_space<vmem_shared>>
    tpu.wait_indirect_dma semaphore(%arg11 : memref<!tpu.dma_semaphore, #tpu.memory_space<semaphore_mem>>) src(%dma_wait3A_230 : memref<128x128xf32, #tpu.memory_space<vmem>>) dst(%dma_wait3A_236 : memref<10240x128xf32, #tpu.memory_space<vmem_shared>>)
    %add3A_237 = arith.constant 2464 : i32
    %add3A_238 = arith.addi %add3A_237, %add3A : i32
    %mul3A_239 = arith.constant 128 : i32
    %mul3A_240 = arith.muli %add3A_238, %mul3A_239 : i32
    %dma_wait3A_241 = arith.constant 2 : i32
    %dma_wait3A_242 = arith.constant 0 : i32
    %dma_wait3A_243 = arith.constant 0 : i32
    %dma_wait3A_244 = tpu.memref_slice %arg6[%dma_wait3A_241, %dma_wait3A_242, %dma_wait3A_243] : memref<3x2x128xi32, #tpu.memory_space<vmem>> -> memref<1x2x128xi32, #tpu.memory_space<vmem>>
    %dma_wait3A_245 = tpu.memref_squeeze %dma_wait3A_244 : memref<1x2x128xi32, #tpu.memory_space<vmem>> -> memref<2x128xi32, #tpu.memory_space<vmem>>
    %dma_wait3A_246 = arith.constant 0 : i32
    %dma_wait3A_247 = tpu.memref_slice %arg2[%dma_wait3A_246, %mul3A_240] : memref<2x320000xi32, #tpu.memory_space<hbm>> -> memref<2x128xi32, #tpu.memory_space<hbm>>
    %dma_wait3A_248 = arith.constant 0 : i32
    %dma_wait3A_249 = arith.constant 0 : i32
    %dma_wait3A_250 = tpu.memref_slice %arg6[%dma_wait3A_241, %dma_wait3A_248, %dma_wait3A_249] : memref<3x2x128xi32, #tpu.memory_space<vmem>> -> memref<1x2x128xi32, #tpu.memory_space<vmem>>
    %dma_wait3A_251 = tpu.memref_squeeze %dma_wait3A_250 : memref<1x2x128xi32, #tpu.memory_space<vmem>> -> memref<2x128xi32, #tpu.memory_space<vmem>>
    %dma_wait3A_252 = arith.constant 0 : i32
    %dma_wait3A_253 = tpu.memref_slice %arg2[%dma_wait3A_252, %mul3A_240] : memref<2x320000xi32, #tpu.memory_space<hbm>> -> memref<2x128xi32, #tpu.memory_space<hbm>>
    tpu.wait_dma2 semaphore(%arg12 : memref<!tpu.dma_semaphore, #tpu.memory_space<semaphore_mem>>) src(%dma_wait3A_253 : memref<2x128xi32, #tpu.memory_space<hbm>>) dst(%dma_wait3A_251 : memref<2x128xi32, #tpu.memory_space<vmem>>)
    %dma_start3A_254 = arith.constant 2 : i32
    %dma_start3A_255 = arith.constant 0 : i32
    %dma_start3A_256 = arith.constant 1 : i32
    %dma_start3A_257 = arith.constant 0 : i32
    %dma_start3A_258 = arith.constant 0 : i32
    %dma_start3A_259 = tpu.memref_slice %arg7[%dma_start3A_256, %dma_start3A_257, %dma_start3A_258] : memref<2x128x128xf32, #tpu.memory_space<vmem>> -> memref<1x128x128xf32, #tpu.memory_space<vmem>>
    %dma_start3A_260 = tpu.memref_squeeze %dma_start3A_259 : memref<1x128x128xf32, #tpu.memory_space<vmem>> -> memref<128x128xf32, #tpu.memory_space<vmem>>
    %dma_start3A_261 = arith.constant 0 : i32
    %dma_start3A_262 = tpu.memref_slice %arg6[%dma_start3A_254, %dma_start3A_255, %dma_start3A_261] : memref<3x2x128xi32, #tpu.memory_space<vmem>> -> memref<1x1x128xi32, #tpu.memory_space<vmem>>
    %dma_start3A_263 = tpu.memref_squeeze %dma_start3A_262 : memref<1x1x128xi32, #tpu.memory_space<vmem>> -> memref<128xi32, #tpu.memory_space<vmem>>
    %dma_start3A_264 = arith.constant 0 : i32
    %dma_start3A_265 = arith.constant 0 : i32
    %dma_start3A_266 = tpu.memref_slice %arg3[%dma_start3A_264, %dma_start3A_265] : memref<10000x128xf32, #tpu.memory_space<hbm>> -> memref<10000x128xf32, #tpu.memory_space<hbm>>
    tpu.enqueue_indirect_dma source(%dma_start3A_266 : memref<10000x128xf32, #tpu.memory_space<hbm>>) target(%dma_start3A_260 : memref<128x128xf32, #tpu.memory_space<vmem>>) offsets(%dma_start3A_263 : memref<128xi32, #tpu.memory_space<vmem>>) semaphore(%arg9 : memref<!tpu.dma_semaphore, #tpu.memory_space<semaphore_mem>>)
    %dma_wait3A_267 = arith.constant 2 : i32
    %dma_wait3A_268 = arith.constant 0 : i32
    %dma_wait3A_269 = arith.constant 1 : i32
    %dma_wait3A_270 = arith.constant 0 : i32
    %dma_wait3A_271 = arith.constant 0 : i32
    %dma_wait3A_272 = tpu.memref_slice %arg7[%dma_wait3A_269, %dma_wait3A_270, %dma_wait3A_271] : memref<2x128x128xf32, #tpu.memory_space<vmem>> -> memref<1x128x128xf32, #tpu.memory_space<vmem>>
    %dma_wait3A_273 = tpu.memref_squeeze %dma_wait3A_272 : memref<1x128x128xf32, #tpu.memory_space<vmem>> -> memref<128x128xf32, #tpu.memory_space<vmem>>
    %dma_wait3A_274 = arith.constant 0 : i32
    %dma_wait3A_275 = tpu.memref_slice %arg6[%dma_wait3A_267, %dma_wait3A_268, %dma_wait3A_274] : memref<3x2x128xi32, #tpu.memory_space<vmem>> -> memref<1x1x128xi32, #tpu.memory_space<vmem>>
    %dma_wait3A_276 = tpu.memref_squeeze %dma_wait3A_275 : memref<1x1x128xi32, #tpu.memory_space<vmem>> -> memref<128xi32, #tpu.memory_space<vmem>>
    %dma_wait3A_277 = arith.constant 0 : i32
    %dma_wait3A_278 = arith.constant 0 : i32
    %dma_wait3A_279 = tpu.memref_slice %arg3[%dma_wait3A_277, %dma_wait3A_278] : memref<10000x128xf32, #tpu.memory_space<hbm>> -> memref<10000x128xf32, #tpu.memory_space<hbm>>
    tpu.wait_indirect_dma semaphore(%arg9 : memref<!tpu.dma_semaphore, #tpu.memory_space<semaphore_mem>>) src(%dma_wait3A_279 : memref<10000x128xf32, #tpu.memory_space<hbm>>) dst(%dma_wait3A_273 : memref<128x128xf32, #tpu.memory_space<vmem>>)
    %dma_start3A_280 = arith.constant 1 : i32
    %dma_start3A_281 = arith.constant 2 : i32
    %dma_start3A_282 = arith.constant 1 : i32
    %dma_start3A_283 = arith.constant 0 : i32
    %dma_start3A_284 = arith.constant 0 : i32
    %dma_start3A_285 = tpu.memref_slice %arg7[%dma_start3A_280, %dma_start3A_283, %dma_start3A_284] : memref<2x128x128xf32, #tpu.memory_space<vmem>> -> memref<1x128x128xf32, #tpu.memory_space<vmem>>
    %dma_start3A_286 = tpu.memref_squeeze %dma_start3A_285 : memref<1x128x128xf32, #tpu.memory_space<vmem>> -> memref<128x128xf32, #tpu.memory_space<vmem>>
    %dma_start3A_287 = arith.constant 0 : i32
    %dma_start3A_288 = tpu.memref_slice %arg6[%dma_start3A_281, %dma_start3A_282, %dma_start3A_287] : memref<3x2x128xi32, #tpu.memory_space<vmem>> -> memref<1x1x128xi32, #tpu.memory_space<vmem>>
    %dma_start3A_289 = tpu.memref_squeeze %dma_start3A_288 : memref<1x1x128xi32, #tpu.memory_space<vmem>> -> memref<128xi32, #tpu.memory_space<vmem>>
    %dma_start3A_290 = arith.constant 0 : i32
    %dma_start3A_291 = arith.constant 0 : i32
    %dma_start3A_292 = tpu.memref_slice %arg8[%dma_start3A_290, %dma_start3A_291] : memref<10240x128xf32, #tpu.memory_space<vmem_shared>> -> memref<10240x128xf32, #tpu.memory_space<vmem_shared>>
    tpu.enqueue_indirect_dma source(%dma_start3A_286 : memref<128x128xf32, #tpu.memory_space<vmem>>) target(%dma_start3A_292 : memref<10240x128xf32, #tpu.memory_space<vmem_shared>>) offsets(%dma_start3A_289 : memref<128xi32, #tpu.memory_space<vmem>>) semaphore(%arg11 : memref<!tpu.dma_semaphore, #tpu.memory_space<semaphore_mem>>) {add = true}
    %dma_wait3A_293 = arith.constant 0 : i32
    %dma_wait3A_294 = arith.constant 1 : i32
    %dma_wait3A_295 = arith.constant 1 : i32
    %dma_wait3A_296 = arith.constant 0 : i32
    %dma_wait3A_297 = arith.constant 0 : i32
    %dma_wait3A_298 = tpu.memref_slice %arg7[%dma_wait3A_293, %dma_wait3A_296, %dma_wait3A_297] : memref<2x128x128xf32, #tpu.memory_space<vmem>> -> memref<1x128x128xf32, #tpu.memory_space<vmem>>
    %dma_wait3A_299 = tpu.memref_squeeze %dma_wait3A_298 : memref<1x128x128xf32, #tpu.memory_space<vmem>> -> memref<128x128xf32, #tpu.memory_space<vmem>>
    %dma_wait3A_300 = arith.constant 0 : i32
    %dma_wait3A_301 = tpu.memref_slice %arg6[%dma_wait3A_294, %dma_wait3A_295, %dma_wait3A_300] : memref<3x2x128xi32, #tpu.memory_space<vmem>> -> memref<1x1x128xi32, #tpu.memory_space<vmem>>
    %dma_wait3A_302 = tpu.memref_squeeze %dma_wait3A_301 : memref<1x1x128xi32, #tpu.memory_space<vmem>> -> memref<128xi32, #tpu.memory_space<vmem>>
    %dma_wait3A_303 = arith.constant 0 : i32
    %dma_wait3A_304 = arith.constant 0 : i32
    %dma_wait3A_305 = tpu.memref_slice %arg8[%dma_wait3A_303, %dma_wait3A_304] : memref<10240x128xf32, #tpu.memory_space<vmem_shared>> -> memref<10240x128xf32, #tpu.memory_space<vmem_shared>>
    tpu.wait_indirect_dma semaphore(%arg10 : memref<!tpu.dma_semaphore, #tpu.memory_space<semaphore_mem>>) src(%dma_wait3A_299 : memref<128x128xf32, #tpu.memory_space<vmem>>) dst(%dma_wait3A_305 : memref<10240x128xf32, #tpu.memory_space<vmem_shared>>)
    %dma_wait3A_306 = arith.constant 1 : i32
    %dma_wait3A_307 = arith.constant 2 : i32
    %dma_wait3A_308 = arith.constant 1 : i32
    %dma_wait3A_309 = arith.constant 0 : i32
    %dma_wait3A_310 = arith.constant 0 : i32
    %dma_wait3A_311 = tpu.memref_slice %arg7[%dma_wait3A_306, %dma_wait3A_309, %dma_wait3A_310] : memref<2x128x128xf32, #tpu.memory_space<vmem>> -> memref<1x128x128xf32, #tpu.memory_space<vmem>>
    %dma_wait3A_312 = tpu.memref_squeeze %dma_wait3A_311 : memref<1x128x128xf32, #tpu.memory_space<vmem>> -> memref<128x128xf32, #tpu.memory_space<vmem>>
    %dma_wait3A_313 = arith.constant 0 : i32
    %dma_wait3A_314 = tpu.memref_slice %arg6[%dma_wait3A_307, %dma_wait3A_308, %dma_wait3A_313] : memref<3x2x128xi32, #tpu.memory_space<vmem>> -> memref<1x1x128xi32, #tpu.memory_space<vmem>>
    %dma_wait3A_315 = tpu.memref_squeeze %dma_wait3A_314 : memref<1x1x128xi32, #tpu.memory_space<vmem>> -> memref<128xi32, #tpu.memory_space<vmem>>
    %dma_wait3A_316 = arith.constant 0 : i32
    %dma_wait3A_317 = arith.constant 0 : i32
    %dma_wait3A_318 = tpu.memref_slice %arg8[%dma_wait3A_316, %dma_wait3A_317] : memref<10240x128xf32, #tpu.memory_space<vmem_shared>> -> memref<10240x128xf32, #tpu.memory_space<vmem_shared>>
    tpu.wait_indirect_dma semaphore(%arg11 : memref<!tpu.dma_semaphore, #tpu.memory_space<semaphore_mem>>) src(%dma_wait3A_312 : memref<128x128xf32, #tpu.memory_space<vmem>>) dst(%dma_wait3A_318 : memref<10240x128xf32, #tpu.memory_space<vmem_shared>>)
    %lt3A = arith.constant 4 : i32
    %lt3A_319 = arith.cmpi slt, %add3A, %lt3A : i32
    %convert_element_type3A = arith.extui %lt3A_319 : i1 to i32
    %cond3A = arith.constant 0 : i32
    %cond3A_320 = arith.cmpi ne, %convert_element_type3A, %cond3A : i32
    scf.if %cond3A_320 {
      %add3A_322 = arith.constant 2496 : i32
      %add3A_323 = arith.addi %add3A_322, %add3A : i32
      %mul3A_324 = arith.constant 128 : i32
      %mul3A_325 = arith.muli %add3A_323, %mul3A_324 : i32
      %run_scoped3A_326 = arith.constant 0 : i32
      "tpu.region"() ({
        %run_scoped3A_356 = tpu.sem_alloc : memref<!tpu.dma_semaphore, #tpu.memory_space<semaphore_mem>>
        %dma_start3A_357 = arith.constant 0 : i32
        %dma_start3A_358 = arith.constant 0 : i32
        %dma_start3A_359 = tpu.memref_slice %arg6[%run_scoped3A_326, %dma_start3A_357, %dma_start3A_358] : memref<3x2x128xi32, #tpu.memory_space<vmem>> -> memref<1x2x128xi32, #tpu.memory_space<vmem>>
        %dma_start3A_360 = tpu.memref_squeeze %dma_start3A_359 : memref<1x2x128xi32, #tpu.memory_space<vmem>> -> memref<2x128xi32, #tpu.memory_space<vmem>>
        %dma_start3A_361 = arith.constant 0 : i32
        %dma_start3A_362 = tpu.memref_slice %arg2[%dma_start3A_361, %mul3A_325] : memref<2x320000xi32, #tpu.memory_space<hbm>> -> memref<2x128xi32, #tpu.memory_space<hbm>>
        %dma_start3A_363 = arith.constant 0 : i32
        %dma_start3A_364 = arith.constant 0 : i32
        %dma_start3A_365 = tpu.memref_slice %arg6[%run_scoped3A_326, %dma_start3A_363, %dma_start3A_364] : memref<3x2x128xi32, #tpu.memory_space<vmem>> -> memref<1x2x128xi32, #tpu.memory_space<vmem>>
        %dma_start3A_366 = tpu.memref_squeeze %dma_start3A_365 : memref<1x2x128xi32, #tpu.memory_space<vmem>> -> memref<2x128xi32, #tpu.memory_space<vmem>>
        %dma_start3A_367 = arith.constant 0 : i32
        %dma_start3A_368 = tpu.memref_slice %arg2[%dma_start3A_367, %mul3A_325] : memref<2x320000xi32, #tpu.memory_space<hbm>> -> memref<2x128xi32, #tpu.memory_space<hbm>>
        tpu.enqueue_dma source(%dma_start3A_368 : memref<2x128xi32, #tpu.memory_space<hbm>>) target(%dma_start3A_366 : memref<2x128xi32, #tpu.memory_space<vmem>>) target_semaphore(%run_scoped3A_356 : memref<!tpu.dma_semaphore, #tpu.memory_space<semaphore_mem>>)
        %dma_wait3A_369 = arith.constant 0 : i32
        %dma_wait3A_370 = arith.constant 0 : i32
        %dma_wait3A_371 = tpu.memref_slice %arg6[%run_scoped3A_326, %dma_wait3A_369, %dma_wait3A_370] : memref<3x2x128xi32, #tpu.memory_space<vmem>> -> memref<1x2x128xi32, #tpu.memory_space<vmem>>
        %dma_wait3A_372 = tpu.memref_squeeze %dma_wait3A_371 : memref<1x2x128xi32, #tpu.memory_space<vmem>> -> memref<2x128xi32, #tpu.memory_space<vmem>>
        %dma_wait3A_373 = arith.constant 0 : i32
        %dma_wait3A_374 = tpu.memref_slice %arg2[%dma_wait3A_373, %mul3A_325] : memref<2x320000xi32, #tpu.memory_space<hbm>> -> memref<2x128xi32, #tpu.memory_space<hbm>>
        %dma_wait3A_375 = arith.constant 0 : i32
        %dma_wait3A_376 = arith.constant 0 : i32
        %dma_wait3A_377 = tpu.memref_slice %arg6[%run_scoped3A_326, %dma_wait3A_375, %dma_wait3A_376] : memref<3x2x128xi32, #tpu.memory_space<vmem>> -> memref<1x2x128xi32, #tpu.memory_space<vmem>>
        %dma_wait3A_378 = tpu.memref_squeeze %dma_wait3A_377 : memref<1x2x128xi32, #tpu.memory_space<vmem>> -> memref<2x128xi32, #tpu.memory_space<vmem>>
        %dma_wait3A_379 = arith.constant 0 : i32
        %dma_wait3A_380 = tpu.memref_slice %arg2[%dma_wait3A_379, %mul3A_325] : memref<2x320000xi32, #tpu.memory_space<hbm>> -> memref<2x128xi32, #tpu.memory_space<hbm>>
        tpu.wait_dma2 semaphore(%run_scoped3A_356 : memref<!tpu.dma_semaphore, #tpu.memory_space<semaphore_mem>>) src(%dma_wait3A_380 : memref<2x128xi32, #tpu.memory_space<hbm>>) dst(%dma_wait3A_378 : memref<2x128xi32, #tpu.memory_space<vmem>>)
        tpu.yield
      }) : () -> ()
      %dma_start3A_327 = arith.constant 0 : i32
      %dma_start3A_328 = arith.constant 0 : i32
      %dma_start3A_329 = arith.constant 0 : i32
      %dma_start3A_330 = arith.constant 0 : i32
      %dma_start3A_331 = arith.constant 0 : i32
      %dma_start3A_332 = tpu.memref_slice %arg7[%dma_start3A_329, %dma_start3A_330, %dma_start3A_331] : memref<2x128x128xf32, #tpu.memory_space<vmem>> -> memref<1x128x128xf32, #tpu.memory_space<vmem>>
      %dma_start3A_333 = tpu.memref_squeeze %dma_start3A_332 : memref<1x128x128xf32, #tpu.memory_space<vmem>> -> memref<128x128xf32, #tpu.memory_space<vmem>>
      %dma_start3A_334 = arith.constant 0 : i32
      %dma_start3A_335 = tpu.memref_slice %arg6[%dma_start3A_327, %dma_start3A_328, %dma_start3A_334] : memref<3x2x128xi32, #tpu.memory_space<vmem>> -> memref<1x1x128xi32, #tpu.memory_space<vmem>>
      %dma_start3A_336 = tpu.memref_squeeze %dma_start3A_335 : memref<1x1x128xi32, #tpu.memory_space<vmem>> -> memref<128xi32, #tpu.memory_space<vmem>>
      %dma_start3A_337 = arith.constant 0 : i32
      %dma_start3A_338 = arith.constant 0 : i32
      %dma_start3A_339 = tpu.memref_slice %arg3[%dma_start3A_337, %dma_start3A_338] : memref<10000x128xf32, #tpu.memory_space<hbm>> -> memref<10000x128xf32, #tpu.memory_space<hbm>>
      tpu.enqueue_indirect_dma source(%dma_start3A_339 : memref<10000x128xf32, #tpu.memory_space<hbm>>) target(%dma_start3A_333 : memref<128x128xf32, #tpu.memory_space<vmem>>) offsets(%dma_start3A_336 : memref<128xi32, #tpu.memory_space<vmem>>) semaphore(%arg9 : memref<!tpu.dma_semaphore, #tpu.memory_space<semaphore_mem>>)
      %dma_wait3A_340 = arith.constant 0 : i32
      %dma_wait3A_341 = arith.constant 0 : i32
      %dma_wait3A_342 = arith.constant 0 : i32
      %dma_wait3A_343 = arith.constant 0 : i32
      %dma_wait3A_344 = arith.constant 0 : i32
      %dma_wait3A_345 = tpu.memref_slice %arg7[%dma_wait3A_342, %dma_wait3A_343, %dma_wait3A_344] : memref<2x128x128xf32, #tpu.memory_space<vmem>> -> memref<1x128x128xf32, #tpu.memory_space<vmem>>
      %dma_wait3A_346 = tpu.memref_squeeze %dma_wait3A_345 : memref<1x128x128xf32, #tpu.memory_space<vmem>> -> memref<128x128xf32, #tpu.memory_space<vmem>>
      %dma_wait3A_347 = arith.constant 0 : i32
      %dma_wait3A_348 = tpu.memref_slice %arg6[%dma_wait3A_340, %dma_wait3A_341, %dma_wait3A_347] : memref<3x2x128xi32, #tpu.memory_space<vmem>> -> memref<1x1x128xi32, #tpu.memory_space<vmem>>
      %dma_wait3A_349 = tpu.memref_squeeze %dma_wait3A_348 : memref<1x1x128xi32, #tpu.memory_space<vmem>> -> memref<128xi32, #tpu.memory_space<vmem>>
      %dma_wait3A_350 = arith.constant 0 : i32
      %dma_wait3A_351 = arith.constant 0 : i32
      %dma_wait3A_352 = tpu.memref_slice %arg3[%dma_wait3A_350, %dma_wait3A_351] : memref<10000x128xf32, #tpu.memory_space<hbm>> -> memref<10000x128xf32, #tpu.memory_space<hbm>>
      tpu.wait_indirect_dma semaphore(%arg9 : memref<!tpu.dma_semaphore, #tpu.memory_space<semaphore_mem>>) src(%dma_wait3A_352 : memref<10000x128xf32, #tpu.memory_space<hbm>>) dst(%dma_wait3A_346 : memref<128x128xf32, #tpu.memory_space<vmem>>)
      %run_scoped3A_353 = arith.constant 0 : i32
      %run_scoped3A_354 = arith.constant 0 : i32
      %run_scoped3A_355 = arith.constant 1 : i32
      "tpu.region"() ({
        %run_scoped3A_356 = tpu.sem_alloc : memref<!tpu.dma_semaphore, #tpu.memory_space<semaphore_mem>>
        %dma_start3A_357 = arith.constant 0 : i32
        %dma_start3A_358 = arith.constant 0 : i32
        %dma_start3A_359 = tpu.memref_slice %arg7[%run_scoped3A_353, %dma_start3A_357, %dma_start3A_358] : memref<2x128x128xf32, #tpu.memory_space<vmem>> -> memref<1x128x128xf32, #tpu.memory_space<vmem>>
        %dma_start3A_360 = tpu.memref_squeeze %dma_start3A_359 : memref<1x128x128xf32, #tpu.memory_space<vmem>> -> memref<128x128xf32, #tpu.memory_space<vmem>>
        %dma_start3A_361 = arith.constant 0 : i32
        %dma_start3A_362 = tpu.memref_slice %arg6[%run_scoped3A_354, %run_scoped3A_355, %dma_start3A_361] : memref<3x2x128xi32, #tpu.memory_space<vmem>> -> memref<1x1x128xi32, #tpu.memory_space<vmem>>
        %dma_start3A_363 = tpu.memref_squeeze %dma_start3A_362 : memref<1x1x128xi32, #tpu.memory_space<vmem>> -> memref<128xi32, #tpu.memory_space<vmem>>
        %dma_start3A_364 = arith.constant 0 : i32
        %dma_start3A_365 = arith.constant 0 : i32
        %dma_start3A_366 = tpu.memref_slice %arg8[%dma_start3A_364, %dma_start3A_365] : memref<10240x128xf32, #tpu.memory_space<vmem_shared>> -> memref<10240x128xf32, #tpu.memory_space<vmem_shared>>
        tpu.enqueue_indirect_dma source(%dma_start3A_360 : memref<128x128xf32, #tpu.memory_space<vmem>>) target(%dma_start3A_366 : memref<10240x128xf32, #tpu.memory_space<vmem_shared>>) offsets(%dma_start3A_363 : memref<128xi32, #tpu.memory_space<vmem>>) semaphore(%run_scoped3A_356 : memref<!tpu.dma_semaphore, #tpu.memory_space<semaphore_mem>>) {add = true}
        %dma_wait3A_367 = arith.constant 0 : i32
        %dma_wait3A_368 = arith.constant 0 : i32
        %dma_wait3A_369 = tpu.memref_slice %arg7[%run_scoped3A_353, %dma_wait3A_367, %dma_wait3A_368] : memref<2x128x128xf32, #tpu.memory_space<vmem>> -> memref<1x128x128xf32, #tpu.memory_space<vmem>>
        %dma_wait3A_370 = tpu.memref_squeeze %dma_wait3A_369 : memref<1x128x128xf32, #tpu.memory_space<vmem>> -> memref<128x128xf32, #tpu.memory_space<vmem>>
        %dma_wait3A_371 = arith.constant 0 : i32
        %dma_wait3A_372 = tpu.memref_slice %arg6[%run_scoped3A_354, %run_scoped3A_355, %dma_wait3A_371] : memref<3x2x128xi32, #tpu.memory_space<vmem>> -> memref<1x1x128xi32, #tpu.memory_space<vmem>>
        %dma_wait3A_373 = tpu.memref_squeeze %dma_wait3A_372 : memref<1x1x128xi32, #tpu.memory_space<vmem>> -> memref<128xi32, #tpu.memory_space<vmem>>
        %dma_wait3A_374 = arith.constant 0 : i32
        %dma_wait3A_375 = arith.constant 0 : i32
        %dma_wait3A_376 = tpu.memref_slice %arg8[%dma_wait3A_374, %dma_wait3A_375] : memref<10240x128xf32, #tpu.memory_space<vmem_shared>> -> memref<10240x128xf32, #tpu.memory_space<vmem_shared>>
        tpu.wait_indirect_dma semaphore(%run_scoped3A_356 : memref<!tpu.dma_semaphore, #tpu.memory_space<semaphore_mem>>) src(%dma_wait3A_370 : memref<128x128xf32, #tpu.memory_space<vmem>>) dst(%dma_wait3A_376 : memref<10240x128xf32, #tpu.memory_space<vmem_shared>>)
        tpu.yield
      }) : () -> ()
    } else {
    }
    %barrier3A_321 = arith.constant 0 : index
    tpu.barrier barrier_id(%barrier3A_321)
    "tpu.region"() ({
      %run_scoped3A_322 = tpu.sem_alloc : memref<!tpu.dma_semaphore, #tpu.memory_space<semaphore_mem>>
      %dma_start3A_323 = arith.constant 0 : i32
      %dma_start3A_324 = tpu.memref_slice %arg5[%arg0, %mul3A_2, %dma_start3A_323] : memref<2x10240x128xf32, #tpu.memory_space<hbm>> -> memref<1x640x128xf32, #tpu.memory_space<hbm>>
      %dma_start3A_325 = tpu.memref_squeeze %dma_start3A_324 : memref<1x640x128xf32, #tpu.memory_space<hbm>> -> memref<640x128xf32, #tpu.memory_space<hbm>>
      %dma_start3A_326 = arith.constant 0 : i32
      %dma_start3A_327 = tpu.memref_slice %arg8[%mul3A_2, %dma_start3A_326] : memref<10240x128xf32, #tpu.memory_space<vmem_shared>> -> memref<640x128xf32, #tpu.memory_space<vmem_shared>>
      tpu.enqueue_dma source(%dma_start3A_327 : memref<640x128xf32, #tpu.memory_space<vmem_shared>>) target(%dma_start3A_325 : memref<640x128xf32, #tpu.memory_space<hbm>>) target_semaphore(%run_scoped3A_322 : memref<!tpu.dma_semaphore, #tpu.memory_space<semaphore_mem>>)
      %dma_wait3A_328 = arith.constant 0 : i32
      %dma_wait3A_329 = tpu.memref_slice %arg5[%arg0, %mul3A_2, %dma_wait3A_328] : memref<2x10240x128xf32, #tpu.memory_space<hbm>> -> memref<1x640x128xf32, #tpu.memory_space<hbm>>
      %dma_wait3A_330 = tpu.memref_squeeze %dma_wait3A_329 : memref<1x640x128xf32, #tpu.memory_space<hbm>> -> memref<640x128xf32, #tpu.memory_space<hbm>>
      %dma_wait3A_331 = arith.constant 0 : i32
      %dma_wait3A_332 = tpu.memref_slice %arg8[%mul3A_2, %dma_wait3A_331] : memref<10240x128xf32, #tpu.memory_space<vmem_shared>> -> memref<640x128xf32, #tpu.memory_space<vmem_shared>>
      tpu.wait_dma2 semaphore(%run_scoped3A_322 : memref<!tpu.dma_semaphore, #tpu.memory_space<semaphore_mem>>) src(%dma_wait3A_332 : memref<640x128xf32, #tpu.memory_space<vmem_shared>>) dst(%dma_wait3A_330 : memref<640x128xf32, #tpu.memory_space<hbm>>)
      tpu.yield
    }) : () -> ()
    return
  }
}

#map = affine_map<(d0, d1) -> (0, 0)>
#map1 = affine_map<(d0, d1) -> (0, 0, 0)>
module attributes {stable_mosaic.version = 14 : i64} {
  func.func @_edge_scatter(%arg0: i32, %arg1: i32, %arg2: memref<2x320000xi32, #tpu.memory_space<hbm>>, %arg3: memref<10000x128xf32, #tpu.memory_space<hbm>>, %arg4: memref<640x128xf32, #tpu.memory_space<hbm>>, %arg5: memref<2x10240x128xf32, #tpu.memory_space<hbm>>, %arg6: memref<3x2x128xi32, #tpu.memory_space<vmem>>, %arg7: memref<2x128x128xf32, #tpu.memory_space<vmem>>, %arg8: memref<10240x128xf32, #tpu.memory_space<vmem_shared>>, %arg9: memref<!tpu.dma_semaphore, #tpu.memory_space<semaphore_mem>>, %arg10: memref<!tpu.dma_semaphore, #tpu.memory_space<semaphore_mem>>, %arg11: memref<!tpu.dma_semaphore, #tpu.memory_space<semaphore_mem>>, %arg12: memref<!tpu.dma_semaphore, #tpu.memory_space<semaphore_mem>>) attributes {dimension_semantics = [#tpu.dimension_semantics<core_parallel>, #tpu.dimension_semantics<subcore_parallel>], iteration_bounds = array<i64: 2, 16>, scalar_prefetch = 0 : i64, scratch_operands = 7 : i64, tpu.core_type = #tpu.core_type<sc_vector_subcore>, window_params = [{transform_indices = #map}, {transform_indices = #map}, {transform_indices = #map}, {transform_indices = #map1}]} {
    %mul3A = arith.constant 2 : i32
    %mul3A_0 = arith.muli %arg1, %mul3A : i32
    %add3A = arith.addi %mul3A_0, %arg0 : i32
    %mul3A_1 = arith.constant 640 : i32
    %mul3A_2 = arith.muli %arg1, %mul3A_1 : i32
    %mul3A_3 = arith.constant 128 : i32
    %mul3A_4 = arith.muli %add3A, %mul3A_3 : i32
    %run_scoped3A = arith.constant 0 : i32
    "tpu.region"() ({
      %run_scoped3A_322 = tpu.sem_alloc : memref<!tpu.dma_semaphore, #tpu.memory_space<semaphore_mem>>
      %dma_start3A_323 = arith.constant 0 : i32
      %dma_start3A_324 = arith.constant 0 : i32
      %dma_start3A_325 = tpu.memref_slice %arg6[%run_scoped3A, %dma_start3A_323, %dma_start3A_324] : memref<3x2x128xi32, #tpu.memory_space<vmem>> -> memref<1x2x128xi32, #tpu.memory_space<vmem>>
      %dma_start3A_326 = tpu.memref_squeeze %dma_start3A_325 : memref<1x2x128xi32, #tpu.memory_space<vmem>> -> memref<2x128xi32, #tpu.memory_space<vmem>>
      %dma_start3A_327 = arith.constant 0 : i32
      %dma_start3A_328 = tpu.memref_slice %arg2[%dma_start3A_327, %mul3A_4] : memref<2x320000xi32, #tpu.memory_space<hbm>> -> memref<2x128xi32, #tpu.memory_space<hbm>>
      %dma_start3A_329 = arith.constant 0 : i32
      %dma_start3A_330 = arith.constant 0 : i32
      %dma_start3A_331 = tpu.memref_slice %arg6[%run_scoped3A, %dma_start3A_329, %dma_start3A_330] : memref<3x2x128xi32, #tpu.memory_space<vmem>> -> memref<1x2x128xi32, #tpu.memory_space<vmem>>
      %dma_start3A_332 = tpu.memref_squeeze %dma_start3A_331 : memref<1x2x128xi32, #tpu.memory_space<vmem>> -> memref<2x128xi32, #tpu.memory_space<vmem>>
      %dma_start3A_333 = arith.constant 0 : i32
      %dma_start3A_334 = tpu.memref_slice %arg2[%dma_start3A_333, %mul3A_4] : memref<2x320000xi32, #tpu.memory_space<hbm>> -> memref<2x128xi32, #tpu.memory_space<hbm>>
      tpu.enqueue_dma source(%dma_start3A_334 : memref<2x128xi32, #tpu.memory_space<hbm>>) target(%dma_start3A_332 : memref<2x128xi32, #tpu.memory_space<vmem>>) target_semaphore(%run_scoped3A_322 : memref<!tpu.dma_semaphore, #tpu.memory_space<semaphore_mem>>)
      %dma_wait3A_335 = arith.constant 0 : i32
      %dma_wait3A_336 = arith.constant 0 : i32
      %dma_wait3A_337 = tpu.memref_slice %arg6[%run_scoped3A, %dma_wait3A_335, %dma_wait3A_336] : memref<3x2x128xi32, #tpu.memory_space<vmem>> -> memref<1x2x128xi32, #tpu.memory_space<vmem>>
      %dma_wait3A_338 = tpu.memref_squeeze %dma_wait3A_337 : memref<1x2x128xi32, #tpu.memory_space<vmem>> -> memref<2x128xi32, #tpu.memory_space<vmem>>
      %dma_wait3A_339 = arith.constant 0 : i32
      %dma_wait3A_340 = tpu.memref_slice %arg2[%dma_wait3A_339, %mul3A_4] : memref<2x320000xi32, #tpu.memory_space<hbm>> -> memref<2x128xi32, #tpu.memory_space<hbm>>
      %dma_wait3A_341 = arith.constant 0 : i32
      %dma_wait3A_342 = arith.constant 0 : i32
      %dma_wait3A_343 = tpu.memref_slice %arg6[%run_scoped3A, %dma_wait3A_341, %dma_wait3A_342] : memref<3x2x128xi32, #tpu.memory_space<vmem>> -> memref<1x2x128xi32, #tpu.memory_space<vmem>>
      %dma_wait3A_344 = tpu.memref_squeeze %dma_wait3A_343 : memref<1x2x128xi32, #tpu.memory_space<vmem>> -> memref<2x128xi32, #tpu.memory_space<vmem>>
      %dma_wait3A_345 = arith.constant 0 : i32
      %dma_wait3A_346 = tpu.memref_slice %arg2[%dma_wait3A_345, %mul3A_4] : memref<2x320000xi32, #tpu.memory_space<hbm>> -> memref<2x128xi32, #tpu.memory_space<hbm>>
      tpu.wait_dma2 semaphore(%run_scoped3A_322 : memref<!tpu.dma_semaphore, #tpu.memory_space<semaphore_mem>>) src(%dma_wait3A_346 : memref<2x128xi32, #tpu.memory_space<hbm>>) dst(%dma_wait3A_344 : memref<2x128xi32, #tpu.memory_space<vmem>>)
      tpu.yield
    }) : () -> ()
    %add3A_5 = arith.constant 32 : i32
    %add3A_6 = arith.addi %add3A_5, %add3A : i32
    %mul3A_7 = arith.constant 128 : i32
    %mul3A_8 = arith.muli %add3A_6, %mul3A_7 : i32
    %dma_start3A = arith.constant 1 : i32
    %dma_start3A_9 = arith.constant 0 : i32
    %dma_start3A_10 = arith.constant 0 : i32
    %dma_start3A_11 = tpu.memref_slice %arg6[%dma_start3A, %dma_start3A_9, %dma_start3A_10] : memref<3x2x128xi32, #tpu.memory_space<vmem>> -> memref<1x2x128xi32, #tpu.memory_space<vmem>>
    %dma_start3A_12 = tpu.memref_squeeze %dma_start3A_11 : memref<1x2x128xi32, #tpu.memory_space<vmem>> -> memref<2x128xi32, #tpu.memory_space<vmem>>
    %dma_start3A_13 = arith.constant 0 : i32
    %dma_start3A_14 = tpu.memref_slice %arg2[%dma_start3A_13, %mul3A_8] : memref<2x320000xi32, #tpu.memory_space<hbm>> -> memref<2x128xi32, #tpu.memory_space<hbm>>
    %dma_start3A_15 = arith.constant 0 : i32
    %dma_start3A_16 = arith.constant 0 : i32
    %dma_start3A_17 = tpu.memref_slice %arg6[%dma_start3A, %dma_start3A_15, %dma_start3A_16] : memref<3x2x128xi32, #tpu.memory_space<vmem>> -> memref<1x2x128xi32, #tpu.memory_space<vmem>>
    %dma_start3A_18 = tpu.memref_squeeze %dma_start3A_17 : memref<1x2x128xi32, #tpu.memory_space<vmem>> -> memref<2x128xi32, #tpu.memory_space<vmem>>
    %dma_start3A_19 = arith.constant 0 : i32
    %dma_start3A_20 = tpu.memref_slice %arg2[%dma_start3A_19, %mul3A_8] : memref<2x320000xi32, #tpu.memory_space<hbm>> -> memref<2x128xi32, #tpu.memory_space<hbm>>
    tpu.enqueue_dma source(%dma_start3A_20 : memref<2x128xi32, #tpu.memory_space<hbm>>) target(%dma_start3A_18 : memref<2x128xi32, #tpu.memory_space<vmem>>) target_semaphore(%arg12 : memref<!tpu.dma_semaphore, #tpu.memory_space<semaphore_mem>>)
    %dma_start3A_21 = arith.constant 0 : i32
    %dma_start3A_22 = arith.constant 0 : i32
    %dma_start3A_23 = arith.constant 0 : i32
    %dma_start3A_24 = arith.constant 0 : i32
    %dma_start3A_25 = arith.constant 0 : i32
    %dma_start3A_26 = tpu.memref_slice %arg7[%dma_start3A_23, %dma_start3A_24, %dma_start3A_25] : memref<2x128x128xf32, #tpu.memory_space<vmem>> -> memref<1x128x128xf32, #tpu.memory_space<vmem>>
    %dma_start3A_27 = tpu.memref_squeeze %dma_start3A_26 : memref<1x128x128xf32, #tpu.memory_space<vmem>> -> memref<128x128xf32, #tpu.memory_space<vmem>>
    %dma_start3A_28 = arith.constant 0 : i32
    %dma_start3A_29 = tpu.memref_slice %arg6[%dma_start3A_21, %dma_start3A_22, %dma_start3A_28] : memref<3x2x128xi32, #tpu.memory_space<vmem>> -> memref<1x1x128xi32, #tpu.memory_space<vmem>>
    %dma_start3A_30 = tpu.memref_squeeze %dma_start3A_29 : memref<1x1x128xi32, #tpu.memory_space<vmem>> -> memref<128xi32, #tpu.memory_space<vmem>>
    %dma_start3A_31 = arith.constant 0 : i32
    %dma_start3A_32 = arith.constant 0 : i32
    %dma_start3A_33 = tpu.memref_slice %arg3[%dma_start3A_31, %dma_start3A_32] : memref<10000x128xf32, #tpu.memory_space<hbm>> -> memref<10000x128xf32, #tpu.memory_space<hbm>>
    tpu.enqueue_indirect_dma source(%dma_start3A_33 : memref<10000x128xf32, #tpu.memory_space<hbm>>) target(%dma_start3A_27 : memref<128x128xf32, #tpu.memory_space<vmem>>) offsets(%dma_start3A_30 : memref<128xi32, #tpu.memory_space<vmem>>) semaphore(%arg9 : memref<!tpu.dma_semaphore, #tpu.memory_space<semaphore_mem>>)
    "tpu.region"() ({
      %run_scoped3A_322 = tpu.sem_alloc : memref<!tpu.dma_semaphore, #tpu.memory_space<semaphore_mem>>
      %dma_start3A_323 = arith.constant 0 : i32
      %dma_start3A_324 = tpu.memref_slice %arg8[%mul3A_2, %dma_start3A_323] : memref<10240x128xf32, #tpu.memory_space<vmem_shared>> -> memref<640x128xf32, #tpu.memory_space<vmem_shared>>
      tpu.enqueue_dma source(%arg4 : memref<640x128xf32, #tpu.memory_space<hbm>>) target(%dma_start3A_324 : memref<640x128xf32, #tpu.memory_space<vmem_shared>>) target_semaphore(%run_scoped3A_322 : memref<!tpu.dma_semaphore, #tpu.memory_space<semaphore_mem>>)
      %dma_wait3A_325 = arith.constant 0 : i32
      %dma_wait3A_326 = tpu.memref_slice %arg8[%mul3A_2, %dma_wait3A_325] : memref<10240x128xf32, #tpu.memory_space<vmem_shared>> -> memref<640x128xf32, #tpu.memory_space<vmem_shared>>
      tpu.wait_dma2 semaphore(%run_scoped3A_322 : memref<!tpu.dma_semaphore, #tpu.memory_space<semaphore_mem>>) src(%arg4 : memref<640x128xf32, #tpu.memory_space<hbm>>) dst(%dma_wait3A_326 : memref<640x128xf32, #tpu.memory_space<vmem_shared>>)
      tpu.yield
    }) : () -> ()
    %barrier3A = arith.constant 0 : index
    tpu.barrier barrier_id(%barrier3A)
    %dma_wait3A = arith.constant 0 : i32
    %dma_wait3A_34 = arith.constant 0 : i32
    %dma_wait3A_35 = arith.constant 0 : i32
    %dma_wait3A_36 = arith.constant 0 : i32
    %dma_wait3A_37 = arith.constant 0 : i32
    %dma_wait3A_38 = tpu.memref_slice %arg7[%dma_wait3A_35, %dma_wait3A_36, %dma_wait3A_37] : memref<2x128x128xf32, #tpu.memory_space<vmem>> -> memref<1x128x128xf32, #tpu.memory_space<vmem>>
    %dma_wait3A_39 = tpu.memref_squeeze %dma_wait3A_38 : memref<1x128x128xf32, #tpu.memory_space<vmem>> -> memref<128x128xf32, #tpu.memory_space<vmem>>
    %dma_wait3A_40 = arith.constant 0 : i32
    %dma_wait3A_41 = tpu.memref_slice %arg6[%dma_wait3A, %dma_wait3A_34, %dma_wait3A_40] : memref<3x2x128xi32, #tpu.memory_space<vmem>> -> memref<1x1x128xi32, #tpu.memory_space<vmem>>
    %dma_wait3A_42 = tpu.memref_squeeze %dma_wait3A_41 : memref<1x1x128xi32, #tpu.memory_space<vmem>> -> memref<128xi32, #tpu.memory_space<vmem>>
    %dma_wait3A_43 = arith.constant 0 : i32
    %dma_wait3A_44 = arith.constant 0 : i32
    %dma_wait3A_45 = tpu.memref_slice %arg3[%dma_wait3A_43, %dma_wait3A_44] : memref<10000x128xf32, #tpu.memory_space<hbm>> -> memref<10000x128xf32, #tpu.memory_space<hbm>>
    tpu.wait_indirect_dma semaphore(%arg9 : memref<!tpu.dma_semaphore, #tpu.memory_space<semaphore_mem>>) src(%dma_wait3A_45 : memref<10000x128xf32, #tpu.memory_space<hbm>>) dst(%dma_wait3A_39 : memref<128x128xf32, #tpu.memory_space<vmem>>)
    %dma_start3A_46 = arith.constant 0 : i32
    %dma_start3A_47 = arith.constant 0 : i32
    %dma_start3A_48 = arith.constant 1 : i32
    %dma_start3A_49 = arith.constant 0 : i32
    %dma_start3A_50 = arith.constant 0 : i32
    %dma_start3A_51 = tpu.memref_slice %arg7[%dma_start3A_46, %dma_start3A_49, %dma_start3A_50] : memref<2x128x128xf32, #tpu.memory_space<vmem>> -> memref<1x128x128xf32, #tpu.memory_space<vmem>>
    %dma_start3A_52 = tpu.memref_squeeze %dma_start3A_51 : memref<1x128x128xf32, #tpu.memory_space<vmem>> -> memref<128x128xf32, #tpu.memory_space<vmem>>
    %dma_start3A_53 = arith.constant 0 : i32
    %dma_start3A_54 = tpu.memref_slice %arg6[%dma_start3A_47, %dma_start3A_48, %dma_start3A_53] : memref<3x2x128xi32, #tpu.memory_space<vmem>> -> memref<1x1x128xi32, #tpu.memory_space<vmem>>
    %dma_start3A_55 = tpu.memref_squeeze %dma_start3A_54 : memref<1x1x128xi32, #tpu.memory_space<vmem>> -> memref<128xi32, #tpu.memory_space<vmem>>
    %dma_start3A_56 = arith.constant 0 : i32
    %dma_start3A_57 = arith.constant 0 : i32
    %dma_start3A_58 = tpu.memref_slice %arg8[%dma_start3A_56, %dma_start3A_57] : memref<10240x128xf32, #tpu.memory_space<vmem_shared>> -> memref<10240x128xf32, #tpu.memory_space<vmem_shared>>
    tpu.enqueue_indirect_dma source(%dma_start3A_52 : memref<128x128xf32, #tpu.memory_space<vmem>>) target(%dma_start3A_58 : memref<10240x128xf32, #tpu.memory_space<vmem_shared>>) offsets(%dma_start3A_55 : memref<128xi32, #tpu.memory_space<vmem>>) semaphore(%arg10 : memref<!tpu.dma_semaphore, #tpu.memory_space<semaphore_mem>>) {add = true}
    %add3A_59 = arith.constant 32 : i32
    %add3A_60 = arith.addi %add3A_59, %add3A : i32
    %mul3A_61 = arith.constant 128 : i32
    %mul3A_62 = arith.muli %add3A_60, %mul3A_61 : i32
    %dma_wait3A_63 = arith.constant 1 : i32
    %dma_wait3A_64 = arith.constant 0 : i32
    %dma_wait3A_65 = arith.constant 0 : i32
    %dma_wait3A_66 = tpu.memref_slice %arg6[%dma_wait3A_63, %dma_wait3A_64, %dma_wait3A_65] : memref<3x2x128xi32, #tpu.memory_space<vmem>> -> memref<1x2x128xi32, #tpu.memory_space<vmem>>
    %dma_wait3A_67 = tpu.memref_squeeze %dma_wait3A_66 : memref<1x2x128xi32, #tpu.memory_space<vmem>> -> memref<2x128xi32, #tpu.memory_space<vmem>>
    %dma_wait3A_68 = arith.constant 0 : i32
    %dma_wait3A_69 = tpu.memref_slice %arg2[%dma_wait3A_68, %mul3A_62] : memref<2x320000xi32, #tpu.memory_space<hbm>> -> memref<2x128xi32, #tpu.memory_space<hbm>>
    %dma_wait3A_70 = arith.constant 0 : i32
    %dma_wait3A_71 = arith.constant 0 : i32
    %dma_wait3A_72 = tpu.memref_slice %arg6[%dma_wait3A_63, %dma_wait3A_70, %dma_wait3A_71] : memref<3x2x128xi32, #tpu.memory_space<vmem>> -> memref<1x2x128xi32, #tpu.memory_space<vmem>>
    %dma_wait3A_73 = tpu.memref_squeeze %dma_wait3A_72 : memref<1x2x128xi32, #tpu.memory_space<vmem>> -> memref<2x128xi32, #tpu.memory_space<vmem>>
    %dma_wait3A_74 = arith.constant 0 : i32
    %dma_wait3A_75 = tpu.memref_slice %arg2[%dma_wait3A_74, %mul3A_62] : memref<2x320000xi32, #tpu.memory_space<hbm>> -> memref<2x128xi32, #tpu.memory_space<hbm>>
    tpu.wait_dma2 semaphore(%arg12 : memref<!tpu.dma_semaphore, #tpu.memory_space<semaphore_mem>>) src(%dma_wait3A_75 : memref<2x128xi32, #tpu.memory_space<hbm>>) dst(%dma_wait3A_73 : memref<2x128xi32, #tpu.memory_space<vmem>>)
    %add3A_76 = arith.constant 64 : i32
    %add3A_77 = arith.addi %add3A_76, %add3A : i32
    %mul3A_78 = arith.constant 128 : i32
    %mul3A_79 = arith.muli %add3A_77, %mul3A_78 : i32
    %dma_start3A_80 = arith.constant 2 : i32
    %dma_start3A_81 = arith.constant 0 : i32
    %dma_start3A_82 = arith.constant 0 : i32
    %dma_start3A_83 = tpu.memref_slice %arg6[%dma_start3A_80, %dma_start3A_81, %dma_start3A_82] : memref<3x2x128xi32, #tpu.memory_space<vmem>> -> memref<1x2x128xi32, #tpu.memory_space<vmem>>
    %dma_start3A_84 = tpu.memref_squeeze %dma_start3A_83 : memref<1x2x128xi32, #tpu.memory_space<vmem>> -> memref<2x128xi32, #tpu.memory_space<vmem>>
    %dma_start3A_85 = arith.constant 0 : i32
    %dma_start3A_86 = tpu.memref_slice %arg2[%dma_start3A_85, %mul3A_79] : memref<2x320000xi32, #tpu.memory_space<hbm>> -> memref<2x128xi32, #tpu.memory_space<hbm>>
    %dma_start3A_87 = arith.constant 0 : i32
    %dma_start3A_88 = arith.constant 0 : i32
    %dma_start3A_89 = tpu.memref_slice %arg6[%dma_start3A_80, %dma_start3A_87, %dma_start3A_88] : memref<3x2x128xi32, #tpu.memory_space<vmem>> -> memref<1x2x128xi32, #tpu.memory_space<vmem>>
    %dma_start3A_90 = tpu.memref_squeeze %dma_start3A_89 : memref<1x2x128xi32, #tpu.memory_space<vmem>> -> memref<2x128xi32, #tpu.memory_space<vmem>>
    %dma_start3A_91 = arith.constant 0 : i32
    %dma_start3A_92 = tpu.memref_slice %arg2[%dma_start3A_91, %mul3A_79] : memref<2x320000xi32, #tpu.memory_space<hbm>> -> memref<2x128xi32, #tpu.memory_space<hbm>>
    tpu.enqueue_dma source(%dma_start3A_92 : memref<2x128xi32, #tpu.memory_space<hbm>>) target(%dma_start3A_90 : memref<2x128xi32, #tpu.memory_space<vmem>>) target_semaphore(%arg12 : memref<!tpu.dma_semaphore, #tpu.memory_space<semaphore_mem>>)
    %dma_start3A_93 = arith.constant 1 : i32
    %dma_start3A_94 = arith.constant 0 : i32
    %dma_start3A_95 = arith.constant 1 : i32
    %dma_start3A_96 = arith.constant 0 : i32
    %dma_start3A_97 = arith.constant 0 : i32
    %dma_start3A_98 = tpu.memref_slice %arg7[%dma_start3A_95, %dma_start3A_96, %dma_start3A_97] : memref<2x128x128xf32, #tpu.memory_space<vmem>> -> memref<1x128x128xf32, #tpu.memory_space<vmem>>
    %dma_start3A_99 = tpu.memref_squeeze %dma_start3A_98 : memref<1x128x128xf32, #tpu.memory_space<vmem>> -> memref<128x128xf32, #tpu.memory_space<vmem>>
    %dma_start3A_100 = arith.constant 0 : i32
    %dma_start3A_101 = tpu.memref_slice %arg6[%dma_start3A_93, %dma_start3A_94, %dma_start3A_100] : memref<3x2x128xi32, #tpu.memory_space<vmem>> -> memref<1x1x128xi32, #tpu.memory_space<vmem>>
    %dma_start3A_102 = tpu.memref_squeeze %dma_start3A_101 : memref<1x1x128xi32, #tpu.memory_space<vmem>> -> memref<128xi32, #tpu.memory_space<vmem>>
    %dma_start3A_103 = arith.constant 0 : i32
    %dma_start3A_104 = arith.constant 0 : i32
    %dma_start3A_105 = tpu.memref_slice %arg3[%dma_start3A_103, %dma_start3A_104] : memref<10000x128xf32, #tpu.memory_space<hbm>> -> memref<10000x128xf32, #tpu.memory_space<hbm>>
    tpu.enqueue_indirect_dma source(%dma_start3A_105 : memref<10000x128xf32, #tpu.memory_space<hbm>>) target(%dma_start3A_99 : memref<128x128xf32, #tpu.memory_space<vmem>>) offsets(%dma_start3A_102 : memref<128xi32, #tpu.memory_space<vmem>>) semaphore(%arg9 : memref<!tpu.dma_semaphore, #tpu.memory_space<semaphore_mem>>)
    %dma_wait3A_106 = arith.constant 1 : i32
    %dma_wait3A_107 = arith.constant 0 : i32
    %dma_wait3A_108 = arith.constant 1 : i32
    %dma_wait3A_109 = arith.constant 0 : i32
    %dma_wait3A_110 = arith.constant 0 : i32
    %dma_wait3A_111 = tpu.memref_slice %arg7[%dma_wait3A_108, %dma_wait3A_109, %dma_wait3A_110] : memref<2x128x128xf32, #tpu.memory_space<vmem>> -> memref<1x128x128xf32, #tpu.memory_space<vmem>>
    %dma_wait3A_112 = tpu.memref_squeeze %dma_wait3A_111 : memref<1x128x128xf32, #tpu.memory_space<vmem>> -> memref<128x128xf32, #tpu.memory_space<vmem>>
    %dma_wait3A_113 = arith.constant 0 : i32
    %dma_wait3A_114 = tpu.memref_slice %arg6[%dma_wait3A_106, %dma_wait3A_107, %dma_wait3A_113] : memref<3x2x128xi32, #tpu.memory_space<vmem>> -> memref<1x1x128xi32, #tpu.memory_space<vmem>>
    %dma_wait3A_115 = tpu.memref_squeeze %dma_wait3A_114 : memref<1x1x128xi32, #tpu.memory_space<vmem>> -> memref<128xi32, #tpu.memory_space<vmem>>
    %dma_wait3A_116 = arith.constant 0 : i32
    %dma_wait3A_117 = arith.constant 0 : i32
    %dma_wait3A_118 = tpu.memref_slice %arg3[%dma_wait3A_116, %dma_wait3A_117] : memref<10000x128xf32, #tpu.memory_space<hbm>> -> memref<10000x128xf32, #tpu.memory_space<hbm>>
    tpu.wait_indirect_dma semaphore(%arg9 : memref<!tpu.dma_semaphore, #tpu.memory_space<semaphore_mem>>) src(%dma_wait3A_118 : memref<10000x128xf32, #tpu.memory_space<hbm>>) dst(%dma_wait3A_112 : memref<128x128xf32, #tpu.memory_space<vmem>>)
    %dma_start3A_119 = arith.constant 1 : i32
    %dma_start3A_120 = arith.constant 1 : i32
    %dma_start3A_121 = arith.constant 1 : i32
    %dma_start3A_122 = arith.constant 0 : i32
    %dma_start3A_123 = arith.constant 0 : i32
    %dma_start3A_124 = tpu.memref_slice %arg7[%dma_start3A_119, %dma_start3A_122, %dma_start3A_123] : memref<2x128x128xf32, #tpu.memory_space<vmem>> -> memref<1x128x128xf32, #tpu.memory_space<vmem>>
    %dma_start3A_125 = tpu.memref_squeeze %dma_start3A_124 : memref<1x128x128xf32, #tpu.memory_space<vmem>> -> memref<128x128xf32, #tpu.memory_space<vmem>>
    %dma_start3A_126 = arith.constant 0 : i32
    %dma_start3A_127 = tpu.memref_slice %arg6[%dma_start3A_120, %dma_start3A_121, %dma_start3A_126] : memref<3x2x128xi32, #tpu.memory_space<vmem>> -> memref<1x1x128xi32, #tpu.memory_space<vmem>>
    %dma_start3A_128 = tpu.memref_squeeze %dma_start3A_127 : memref<1x1x128xi32, #tpu.memory_space<vmem>> -> memref<128xi32, #tpu.memory_space<vmem>>
    %dma_start3A_129 = arith.constant 0 : i32
    %dma_start3A_130 = arith.constant 0 : i32
    %dma_start3A_131 = tpu.memref_slice %arg8[%dma_start3A_129, %dma_start3A_130] : memref<10240x128xf32, #tpu.memory_space<vmem_shared>> -> memref<10240x128xf32, #tpu.memory_space<vmem_shared>>
    tpu.enqueue_indirect_dma source(%dma_start3A_125 : memref<128x128xf32, #tpu.memory_space<vmem>>) target(%dma_start3A_131 : memref<10240x128xf32, #tpu.memory_space<vmem_shared>>) offsets(%dma_start3A_128 : memref<128xi32, #tpu.memory_space<vmem>>) semaphore(%arg11 : memref<!tpu.dma_semaphore, #tpu.memory_space<semaphore_mem>>) {add = true}
    %dma_wait3A_132 = arith.constant 0 : i32
    %dma_wait3A_133 = arith.constant 0 : i32
    %dma_wait3A_134 = arith.constant 1 : i32
    %dma_wait3A_135 = arith.constant 0 : i32
    %dma_wait3A_136 = arith.constant 0 : i32
    %dma_wait3A_137 = tpu.memref_slice %arg7[%dma_wait3A_132, %dma_wait3A_135, %dma_wait3A_136] : memref<2x128x128xf32, #tpu.memory_space<vmem>> -> memref<1x128x128xf32, #tpu.memory_space<vmem>>
    %dma_wait3A_138 = tpu.memref_squeeze %dma_wait3A_137 : memref<1x128x128xf32, #tpu.memory_space<vmem>> -> memref<128x128xf32, #tpu.memory_space<vmem>>
    %dma_wait3A_139 = arith.constant 0 : i32
    %dma_wait3A_140 = tpu.memref_slice %arg6[%dma_wait3A_133, %dma_wait3A_134, %dma_wait3A_139] : memref<3x2x128xi32, #tpu.memory_space<vmem>> -> memref<1x1x128xi32, #tpu.memory_space<vmem>>
    %dma_wait3A_141 = tpu.memref_squeeze %dma_wait3A_140 : memref<1x1x128xi32, #tpu.memory_space<vmem>> -> memref<128xi32, #tpu.memory_space<vmem>>
    %dma_wait3A_142 = arith.constant 0 : i32
    %dma_wait3A_143 = arith.constant 0 : i32
    %dma_wait3A_144 = tpu.memref_slice %arg8[%dma_wait3A_142, %dma_wait3A_143] : memref<10240x128xf32, #tpu.memory_space<vmem_shared>> -> memref<10240x128xf32, #tpu.memory_space<vmem_shared>>
    tpu.wait_indirect_dma semaphore(%arg10 : memref<!tpu.dma_semaphore, #tpu.memory_space<semaphore_mem>>) src(%dma_wait3A_138 : memref<128x128xf32, #tpu.memory_space<vmem>>) dst(%dma_wait3A_144 : memref<10240x128xf32, #tpu.memory_space<vmem_shared>>)
    %add3A_145 = arith.constant 64 : i32
    %add3A_146 = arith.addi %add3A_145, %add3A : i32
    %mul3A_147 = arith.constant 128 : i32
    %mul3A_148 = arith.muli %add3A_146, %mul3A_147 : i32
    %dma_wait3A_149 = arith.constant 2 : i32
    %dma_wait3A_150 = arith.constant 0 : i32
    %dma_wait3A_151 = arith.constant 0 : i32
    %dma_wait3A_152 = tpu.memref_slice %arg6[%dma_wait3A_149, %dma_wait3A_150, %dma_wait3A_151] : memref<3x2x128xi32, #tpu.memory_space<vmem>> -> memref<1x2x128xi32, #tpu.memory_space<vmem>>
    %dma_wait3A_153 = tpu.memref_squeeze %dma_wait3A_152 : memref<1x2x128xi32, #tpu.memory_space<vmem>> -> memref<2x128xi32, #tpu.memory_space<vmem>>
    %dma_wait3A_154 = arith.constant 0 : i32
    %dma_wait3A_155 = tpu.memref_slice %arg2[%dma_wait3A_154, %mul3A_148] : memref<2x320000xi32, #tpu.memory_space<hbm>> -> memref<2x128xi32, #tpu.memory_space<hbm>>
    %dma_wait3A_156 = arith.constant 0 : i32
    %dma_wait3A_157 = arith.constant 0 : i32
    %dma_wait3A_158 = tpu.memref_slice %arg6[%dma_wait3A_149, %dma_wait3A_156, %dma_wait3A_157] : memref<3x2x128xi32, #tpu.memory_space<vmem>> -> memref<1x2x128xi32, #tpu.memory_space<vmem>>
    %dma_wait3A_159 = tpu.memref_squeeze %dma_wait3A_158 : memref<1x2x128xi32, #tpu.memory_space<vmem>> -> memref<2x128xi32, #tpu.memory_space<vmem>>
    %dma_wait3A_160 = arith.constant 0 : i32
    %dma_wait3A_161 = tpu.memref_slice %arg2[%dma_wait3A_160, %mul3A_148] : memref<2x320000xi32, #tpu.memory_space<hbm>> -> memref<2x128xi32, #tpu.memory_space<hbm>>
    tpu.wait_dma2 semaphore(%arg12 : memref<!tpu.dma_semaphore, #tpu.memory_space<semaphore_mem>>) src(%dma_wait3A_161 : memref<2x128xi32, #tpu.memory_space<hbm>>) dst(%dma_wait3A_159 : memref<2x128xi32, #tpu.memory_space<vmem>>)
    %add3A_162 = arith.constant 96 : i32
    %add3A_163 = arith.addi %add3A_162, %add3A : i32
    %mul3A_164 = arith.constant 128 : i32
    %mul3A_165 = arith.muli %add3A_163, %mul3A_164 : i32
    %dma_start3A_166 = arith.constant 0 : i32
    %dma_start3A_167 = arith.constant 0 : i32
    %dma_start3A_168 = arith.constant 0 : i32
    %dma_start3A_169 = tpu.memref_slice %arg6[%dma_start3A_166, %dma_start3A_167, %dma_start3A_168] : memref<3x2x128xi32, #tpu.memory_space<vmem>> -> memref<1x2x128xi32, #tpu.memory_space<vmem>>
    %dma_start3A_170 = tpu.memref_squeeze %dma_start3A_169 : memref<1x2x128xi32, #tpu.memory_space<vmem>> -> memref<2x128xi32, #tpu.memory_space<vmem>>
    %dma_start3A_171 = arith.constant 0 : i32
    %dma_start3A_172 = tpu.memref_slice %arg2[%dma_start3A_171, %mul3A_165] : memref<2x320000xi32, #tpu.memory_space<hbm>> -> memref<2x128xi32, #tpu.memory_space<hbm>>
    %dma_start3A_173 = arith.constant 0 : i32
    %dma_start3A_174 = arith.constant 0 : i32
    %dma_start3A_175 = tpu.memref_slice %arg6[%dma_start3A_166, %dma_start3A_173, %dma_start3A_174] : memref<3x2x128xi32, #tpu.memory_space<vmem>> -> memref<1x2x128xi32, #tpu.memory_space<vmem>>
    %dma_start3A_176 = tpu.memref_squeeze %dma_start3A_175 : memref<1x2x128xi32, #tpu.memory_space<vmem>> -> memref<2x128xi32, #tpu.memory_space<vmem>>
    %dma_start3A_177 = arith.constant 0 : i32
    %dma_start3A_178 = tpu.memref_slice %arg2[%dma_start3A_177, %mul3A_165] : memref<2x320000xi32, #tpu.memory_space<hbm>> -> memref<2x128xi32, #tpu.memory_space<hbm>>
    tpu.enqueue_dma source(%dma_start3A_178 : memref<2x128xi32, #tpu.memory_space<hbm>>) target(%dma_start3A_176 : memref<2x128xi32, #tpu.memory_space<vmem>>) target_semaphore(%arg12 : memref<!tpu.dma_semaphore, #tpu.memory_space<semaphore_mem>>)
    %dma_start3A_179 = arith.constant 2 : i32
    %dma_start3A_180 = arith.constant 0 : i32
    %dma_start3A_181 = arith.constant 0 : i32
    %dma_start3A_182 = arith.constant 0 : i32
    %dma_start3A_183 = arith.constant 0 : i32
    %dma_start3A_184 = tpu.memref_slice %arg7[%dma_start3A_181, %dma_start3A_182, %dma_start3A_183] : memref<2x128x128xf32, #tpu.memory_space<vmem>> -> memref<1x128x128xf32, #tpu.memory_space<vmem>>
    %dma_start3A_185 = tpu.memref_squeeze %dma_start3A_184 : memref<1x128x128xf32, #tpu.memory_space<vmem>> -> memref<128x128xf32, #tpu.memory_space<vmem>>
    %dma_start3A_186 = arith.constant 0 : i32
    %dma_start3A_187 = tpu.memref_slice %arg6[%dma_start3A_179, %dma_start3A_180, %dma_start3A_186] : memref<3x2x128xi32, #tpu.memory_space<vmem>> -> memref<1x1x128xi32, #tpu.memory_space<vmem>>
    %dma_start3A_188 = tpu.memref_squeeze %dma_start3A_187 : memref<1x1x128xi32, #tpu.memory_space<vmem>> -> memref<128xi32, #tpu.memory_space<vmem>>
    %dma_start3A_189 = arith.constant 0 : i32
    %dma_start3A_190 = arith.constant 0 : i32
    %dma_start3A_191 = tpu.memref_slice %arg3[%dma_start3A_189, %dma_start3A_190] : memref<10000x128xf32, #tpu.memory_space<hbm>> -> memref<10000x128xf32, #tpu.memory_space<hbm>>
    tpu.enqueue_indirect_dma source(%dma_start3A_191 : memref<10000x128xf32, #tpu.memory_space<hbm>>) target(%dma_start3A_185 : memref<128x128xf32, #tpu.memory_space<vmem>>) offsets(%dma_start3A_188 : memref<128xi32, #tpu.memory_space<vmem>>) semaphore(%arg9 : memref<!tpu.dma_semaphore, #tpu.memory_space<semaphore_mem>>)
    %scan3A = arith.constant 0 : i32
    %scan3A_192 = arith.constant 1 : i32
    %scan3A_193 = arith.constant 37 : i32
    %scan3A_194 = arith.addi %scan3A_192, %scan3A_193 : i32
    %scan3A_195 = arith.constant 1 : i32
    %scan3A_196 = scf.for %scan3A_322 = %scan3A_192 to %scan3A_194 step %scan3A_195 iter_args(%scan3A_323 = %scan3A) -> (i32)  : i32 {
      %mul3A_324 = arith.constant 2 : i32
      %mul3A_325 = arith.muli %mul3A_324, %scan3A_322 : i32
      %rem3A = arith.constant 3 : i32
      %rem3A_326 = arith.remsi %mul3A_325, %rem3A : i32
      %add3A_327 = arith.constant 1 : i32
      %add3A_328 = arith.addi %mul3A_325, %add3A_327 : i32
      %rem3A_329 = arith.constant 3 : i32
      %rem3A_330 = arith.remsi %add3A_328, %rem3A_329 : i32
      %add3A_331 = arith.constant 2 : i32
      %add3A_332 = arith.addi %mul3A_325, %add3A_331 : i32
      %rem3A_333 = arith.constant 3 : i32
      %rem3A_334 = arith.remsi %add3A_332, %rem3A_333 : i32
      %add3A_335 = arith.constant 3 : i32
      %add3A_336 = arith.addi %mul3A_325, %add3A_335 : i32
      %rem3A_337 = arith.constant 3 : i32
      %rem3A_338 = arith.remsi %add3A_336, %rem3A_337 : i32
      %dma_wait3A_339 = arith.constant 0 : i32
      %dma_wait3A_340 = arith.constant 0 : i32
      %dma_wait3A_341 = arith.constant 0 : i32
      %dma_wait3A_342 = arith.constant 0 : i32
      %dma_wait3A_343 = tpu.memref_slice %arg7[%dma_wait3A_340, %dma_wait3A_341, %dma_wait3A_342] : memref<2x128x128xf32, #tpu.memory_space<vmem>> -> memref<1x128x128xf32, #tpu.memory_space<vmem>>
      %dma_wait3A_344 = tpu.memref_squeeze %dma_wait3A_343 : memref<1x128x128xf32, #tpu.memory_space<vmem>> -> memref<128x128xf32, #tpu.memory_space<vmem>>
      %dma_wait3A_345 = arith.constant 0 : i32
      %dma_wait3A_346 = tpu.memref_slice %arg6[%rem3A_326, %dma_wait3A_339, %dma_wait3A_345] : memref<3x2x128xi32, #tpu.memory_space<vmem>> -> memref<1x1x128xi32, #tpu.memory_space<vmem>>
      %dma_wait3A_347 = tpu.memref_squeeze %dma_wait3A_346 : memref<1x1x128xi32, #tpu.memory_space<vmem>> -> memref<128xi32, #tpu.memory_space<vmem>>
      %dma_wait3A_348 = arith.constant 0 : i32
      %dma_wait3A_349 = arith.constant 0 : i32
      %dma_wait3A_350 = tpu.memref_slice %arg3[%dma_wait3A_348, %dma_wait3A_349] : memref<10000x128xf32, #tpu.memory_space<hbm>> -> memref<10000x128xf32, #tpu.memory_space<hbm>>
      tpu.wait_indirect_dma semaphore(%arg9 : memref<!tpu.dma_semaphore, #tpu.memory_space<semaphore_mem>>) src(%dma_wait3A_350 : memref<10000x128xf32, #tpu.memory_space<hbm>>) dst(%dma_wait3A_344 : memref<128x128xf32, #tpu.memory_space<vmem>>)
      %dma_start3A_351 = arith.constant 0 : i32
      %dma_start3A_352 = arith.constant 1 : i32
      %dma_start3A_353 = arith.constant 0 : i32
      %dma_start3A_354 = arith.constant 0 : i32
      %dma_start3A_355 = tpu.memref_slice %arg7[%dma_start3A_351, %dma_start3A_353, %dma_start3A_354] : memref<2x128x128xf32, #tpu.memory_space<vmem>> -> memref<1x128x128xf32, #tpu.memory_space<vmem>>
      %dma_start3A_356 = tpu.memref_squeeze %dma_start3A_355 : memref<1x128x128xf32, #tpu.memory_space<vmem>> -> memref<128x128xf32, #tpu.memory_space<vmem>>
      %dma_start3A_357 = arith.constant 0 : i32
      %dma_start3A_358 = tpu.memref_slice %arg6[%rem3A_326, %dma_start3A_352, %dma_start3A_357] : memref<3x2x128xi32, #tpu.memory_space<vmem>> -> memref<1x1x128xi32, #tpu.memory_space<vmem>>
      %dma_start3A_359 = tpu.memref_squeeze %dma_start3A_358 : memref<1x1x128xi32, #tpu.memory_space<vmem>> -> memref<128xi32, #tpu.memory_space<vmem>>
      %dma_start3A_360 = arith.constant 0 : i32
      %dma_start3A_361 = arith.constant 0 : i32
      %dma_start3A_362 = tpu.memref_slice %arg8[%dma_start3A_360, %dma_start3A_361] : memref<10240x128xf32, #tpu.memory_space<vmem_shared>> -> memref<10240x128xf32, #tpu.memory_space<vmem_shared>>
      tpu.enqueue_indirect_dma source(%dma_start3A_356 : memref<128x128xf32, #tpu.memory_space<vmem>>) target(%dma_start3A_362 : memref<10240x128xf32, #tpu.memory_space<vmem_shared>>) offsets(%dma_start3A_359 : memref<128xi32, #tpu.memory_space<vmem>>) semaphore(%arg10 : memref<!tpu.dma_semaphore, #tpu.memory_space<semaphore_mem>>) {add = true}
      %sub3A = arith.constant 1 : i32
      %sub3A_363 = arith.subi %mul3A_325, %sub3A : i32
      %dma_wait3A_364 = arith.constant 1 : i32
      %dma_wait3A_365 = arith.constant 1 : i32
      %dma_wait3A_366 = arith.constant 0 : i32
      %dma_wait3A_367 = arith.constant 0 : i32
      %dma_wait3A_368 = tpu.memref_slice %arg7[%dma_wait3A_364, %dma_wait3A_366, %dma_wait3A_367] : memref<2x128x128xf32, #tpu.memory_space<vmem>> -> memref<1x128x128xf32, #tpu.memory_space<vmem>>
      %dma_wait3A_369 = tpu.memref_squeeze %dma_wait3A_368 : memref<1x128x128xf32, #tpu.memory_space<vmem>> -> memref<128x128xf32, #tpu.memory_space<vmem>>
      %dma_wait3A_370 = arith.constant 0 : i32
      %dma_wait3A_371 = tpu.memref_slice %arg6[%rem3A_334, %dma_wait3A_365, %dma_wait3A_370] : memref<3x2x128xi32, #tpu.memory_space<vmem>> -> memref<1x1x128xi32, #tpu.memory_space<vmem>>
      %dma_wait3A_372 = tpu.memref_squeeze %dma_wait3A_371 : memref<1x1x128xi32, #tpu.memory_space<vmem>> -> memref<128xi32, #tpu.memory_space<vmem>>
      %dma_wait3A_373 = arith.constant 0 : i32
      %dma_wait3A_374 = arith.constant 0 : i32
      %dma_wait3A_375 = tpu.memref_slice %arg8[%dma_wait3A_373, %dma_wait3A_374] : memref<10240x128xf32, #tpu.memory_space<vmem_shared>> -> memref<10240x128xf32, #tpu.memory_space<vmem_shared>>
      tpu.wait_indirect_dma semaphore(%arg11 : memref<!tpu.dma_semaphore, #tpu.memory_space<semaphore_mem>>) src(%dma_wait3A_369 : memref<128x128xf32, #tpu.memory_space<vmem>>) dst(%dma_wait3A_375 : memref<10240x128xf32, #tpu.memory_space<vmem_shared>>)
      %add3A_376 = arith.constant 1 : i32
      %add3A_377 = arith.addi %mul3A_325, %add3A_376 : i32
      %mul3A_378 = arith.constant 32 : i32
      %mul3A_379 = arith.muli %add3A_377, %mul3A_378 : i32
      %add3A_380 = arith.addi %mul3A_379, %add3A : i32
      %mul3A_381 = arith.constant 128 : i32
      %mul3A_382 = arith.muli %add3A_380, %mul3A_381 : i32
      %dma_wait3A_383 = arith.constant 0 : i32
      %dma_wait3A_384 = arith.constant 0 : i32
      %dma_wait3A_385 = tpu.memref_slice %arg6[%rem3A_330, %dma_wait3A_383, %dma_wait3A_384] : memref<3x2x128xi32, #tpu.memory_space<vmem>> -> memref<1x2x128xi32, #tpu.memory_space<vmem>>
      %dma_wait3A_386 = tpu.memref_squeeze %dma_wait3A_385 : memref<1x2x128xi32, #tpu.memory_space<vmem>> -> memref<2x128xi32, #tpu.memory_space<vmem>>
      %dma_wait3A_387 = arith.constant 0 : i32
      %dma_wait3A_388 = tpu.memref_slice %arg2[%dma_wait3A_387, %mul3A_382] : memref<2x320000xi32, #tpu.memory_space<hbm>> -> memref<2x128xi32, #tpu.memory_space<hbm>>
      %dma_wait3A_389 = arith.constant 0 : i32
      %dma_wait3A_390 = arith.constant 0 : i32
      %dma_wait3A_391 = tpu.memref_slice %arg6[%rem3A_330, %dma_wait3A_389, %dma_wait3A_390] : memref<3x2x128xi32, #tpu.memory_space<vmem>> -> memref<1x2x128xi32, #tpu.memory_space<vmem>>
      %dma_wait3A_392 = tpu.memref_squeeze %dma_wait3A_391 : memref<1x2x128xi32, #tpu.memory_space<vmem>> -> memref<2x128xi32, #tpu.memory_space<vmem>>
      %dma_wait3A_393 = arith.constant 0 : i32
      %dma_wait3A_394 = tpu.memref_slice %arg2[%dma_wait3A_393, %mul3A_382] : memref<2x320000xi32, #tpu.memory_space<hbm>> -> memref<2x128xi32, #tpu.memory_space<hbm>>
      tpu.wait_dma2 semaphore(%arg12 : memref<!tpu.dma_semaphore, #tpu.memory_space<semaphore_mem>>) src(%dma_wait3A_394 : memref<2x128xi32, #tpu.memory_space<hbm>>) dst(%dma_wait3A_392 : memref<2x128xi32, #tpu.memory_space<vmem>>)
      %add3A_395 = arith.constant 2 : i32
      %add3A_396 = arith.addi %mul3A_325, %add3A_395 : i32
      %mul3A_397 = arith.constant 32 : i32
      %mul3A_398 = arith.muli %add3A_396, %mul3A_397 : i32
      %add3A_399 = arith.addi %mul3A_398, %add3A : i32
      %mul3A_400 = arith.constant 128 : i32
      %mul3A_401 = arith.muli %add3A_399, %mul3A_400 : i32
      %dma_start3A_402 = arith.constant 0 : i32
      %dma_start3A_403 = arith.constant 0 : i32
      %dma_start3A_404 = tpu.memref_slice %arg6[%rem3A_334, %dma_start3A_402, %dma_start3A_403] : memref<3x2x128xi32, #tpu.memory_space<vmem>> -> memref<1x2x128xi32, #tpu.memory_space<vmem>>
      %dma_start3A_405 = tpu.memref_squeeze %dma_start3A_404 : memref<1x2x128xi32, #tpu.memory_space<vmem>> -> memref<2x128xi32, #tpu.memory_space<vmem>>
      %dma_start3A_406 = arith.constant 0 : i32
      %dma_start3A_407 = tpu.memref_slice %arg2[%dma_start3A_406, %mul3A_401] : memref<2x320000xi32, #tpu.memory_space<hbm>> -> memref<2x128xi32, #tpu.memory_space<hbm>>
      %dma_start3A_408 = arith.constant 0 : i32
      %dma_start3A_409 = arith.constant 0 : i32
      %dma_start3A_410 = tpu.memref_slice %arg6[%rem3A_334, %dma_start3A_408, %dma_start3A_409] : memref<3x2x128xi32, #tpu.memory_space<vmem>> -> memref<1x2x128xi32, #tpu.memory_space<vmem>>
      %dma_start3A_411 = tpu.memref_squeeze %dma_start3A_410 : memref<1x2x128xi32, #tpu.memory_space<vmem>> -> memref<2x128xi32, #tpu.memory_space<vmem>>
      %dma_start3A_412 = arith.constant 0 : i32
      %dma_start3A_413 = tpu.memref_slice %arg2[%dma_start3A_412, %mul3A_401] : memref<2x320000xi32, #tpu.memory_space<hbm>> -> memref<2x128xi32, #tpu.memory_space<hbm>>
      tpu.enqueue_dma source(%dma_start3A_413 : memref<2x128xi32, #tpu.memory_space<hbm>>) target(%dma_start3A_411 : memref<2x128xi32, #tpu.memory_space<vmem>>) target_semaphore(%arg12 : memref<!tpu.dma_semaphore, #tpu.memory_space<semaphore_mem>>)
      %add3A_414 = arith.constant 1 : i32
      %add3A_415 = arith.addi %mul3A_325, %add3A_414 : i32
      %dma_start3A_416 = arith.constant 0 : i32
      %dma_start3A_417 = arith.constant 1 : i32
      %dma_start3A_418 = arith.constant 0 : i32
      %dma_start3A_419 = arith.constant 0 : i32
      %dma_start3A_420 = tpu.memref_slice %arg7[%dma_start3A_417, %dma_start3A_418, %dma_start3A_419] : memref<2x128x128xf32, #tpu.memory_space<vmem>> -> memref<1x128x128xf32, #tpu.memory_space<vmem>>
      %dma_start3A_421 = tpu.memref_squeeze %dma_start3A_420 : memref<1x128x128xf32, #tpu.memory_space<vmem>> -> memref<128x128xf32, #tpu.memory_space<vmem>>
      %dma_start3A_422 = arith.constant 0 : i32
      %dma_start3A_423 = tpu.memref_slice %arg6[%rem3A_330, %dma_start3A_416, %dma_start3A_422] : memref<3x2x128xi32, #tpu.memory_space<vmem>> -> memref<1x1x128xi32, #tpu.memory_space<vmem>>
      %dma_start3A_424 = tpu.memref_squeeze %dma_start3A_423 : memref<1x1x128xi32, #tpu.memory_space<vmem>> -> memref<128xi32, #tpu.memory_space<vmem>>
      %dma_start3A_425 = arith.constant 0 : i32
      %dma_start3A_426 = arith.constant 0 : i32
      %dma_start3A_427 = tpu.memref_slice %arg3[%dma_start3A_425, %dma_start3A_426] : memref<10000x128xf32, #tpu.memory_space<hbm>> -> memref<10000x128xf32, #tpu.memory_space<hbm>>
      tpu.enqueue_indirect_dma source(%dma_start3A_427 : memref<10000x128xf32, #tpu.memory_space<hbm>>) target(%dma_start3A_421 : memref<128x128xf32, #tpu.memory_space<vmem>>) offsets(%dma_start3A_424 : memref<128xi32, #tpu.memory_space<vmem>>) semaphore(%arg9 : memref<!tpu.dma_semaphore, #tpu.memory_space<semaphore_mem>>)
      %add3A_428 = arith.constant 1 : i32
      %add3A_429 = arith.addi %mul3A_325, %add3A_428 : i32
      %dma_wait3A_430 = arith.constant 0 : i32
      %dma_wait3A_431 = arith.constant 1 : i32
      %dma_wait3A_432 = arith.constant 0 : i32
      %dma_wait3A_433 = arith.constant 0 : i32
      %dma_wait3A_434 = tpu.memref_slice %arg7[%dma_wait3A_431, %dma_wait3A_432, %dma_wait3A_433] : memref<2x128x128xf32, #tpu.memory_space<vmem>> -> memref<1x128x128xf32, #tpu.memory_space<vmem>>
      %dma_wait3A_435 = tpu.memref_squeeze %dma_wait3A_434 : memref<1x128x128xf32, #tpu.memory_space<vmem>> -> memref<128x128xf32, #tpu.memory_space<vmem>>
      %dma_wait3A_436 = arith.constant 0 : i32
      %dma_wait3A_437 = tpu.memref_slice %arg6[%rem3A_330, %dma_wait3A_430, %dma_wait3A_436] : memref<3x2x128xi32, #tpu.memory_space<vmem>> -> memref<1x1x128xi32, #tpu.memory_space<vmem>>
      %dma_wait3A_438 = tpu.memref_squeeze %dma_wait3A_437 : memref<1x1x128xi32, #tpu.memory_space<vmem>> -> memref<128xi32, #tpu.memory_space<vmem>>
      %dma_wait3A_439 = arith.constant 0 : i32
      %dma_wait3A_440 = arith.constant 0 : i32
      %dma_wait3A_441 = tpu.memref_slice %arg3[%dma_wait3A_439, %dma_wait3A_440] : memref<10000x128xf32, #tpu.memory_space<hbm>> -> memref<10000x128xf32, #tpu.memory_space<hbm>>
      tpu.wait_indirect_dma semaphore(%arg9 : memref<!tpu.dma_semaphore, #tpu.memory_space<semaphore_mem>>) src(%dma_wait3A_441 : memref<10000x128xf32, #tpu.memory_space<hbm>>) dst(%dma_wait3A_435 : memref<128x128xf32, #tpu.memory_space<vmem>>)
      %add3A_442 = arith.constant 1 : i32
      %add3A_443 = arith.addi %mul3A_325, %add3A_442 : i32
      %dma_start3A_444 = arith.constant 1 : i32
      %dma_start3A_445 = arith.constant 1 : i32
      %dma_start3A_446 = arith.constant 0 : i32
      %dma_start3A_447 = arith.constant 0 : i32
      %dma_start3A_448 = tpu.memref_slice %arg7[%dma_start3A_444, %dma_start3A_446, %dma_start3A_447] : memref<2x128x128xf32, #tpu.memory_space<vmem>> -> memref<1x128x128xf32, #tpu.memory_space<vmem>>
      %dma_start3A_449 = tpu.memref_squeeze %dma_start3A_448 : memref<1x128x128xf32, #tpu.memory_space<vmem>> -> memref<128x128xf32, #tpu.memory_space<vmem>>
      %dma_start3A_450 = arith.constant 0 : i32
      %dma_start3A_451 = tpu.memref_slice %arg6[%rem3A_330, %dma_start3A_445, %dma_start3A_450] : memref<3x2x128xi32, #tpu.memory_space<vmem>> -> memref<1x1x128xi32, #tpu.memory_space<vmem>>
      %dma_start3A_452 = tpu.memref_squeeze %dma_start3A_451 : memref<1x1x128xi32, #tpu.memory_space<vmem>> -> memref<128xi32, #tpu.memory_space<vmem>>
      %dma_start3A_453 = arith.constant 0 : i32
      %dma_start3A_454 = arith.constant 0 : i32
      %dma_start3A_455 = tpu.memref_slice %arg8[%dma_start3A_453, %dma_start3A_454] : memref<10240x128xf32, #tpu.memory_space<vmem_shared>> -> memref<10240x128xf32, #tpu.memory_space<vmem_shared>>
      tpu.enqueue_indirect_dma source(%dma_start3A_449 : memref<128x128xf32, #tpu.memory_space<vmem>>) target(%dma_start3A_455 : memref<10240x128xf32, #tpu.memory_space<vmem_shared>>) offsets(%dma_start3A_452 : memref<128xi32, #tpu.memory_space<vmem>>) semaphore(%arg11 : memref<!tpu.dma_semaphore, #tpu.memory_space<semaphore_mem>>) {add = true}
      %dma_wait3A_456 = arith.constant 0 : i32
      %dma_wait3A_457 = arith.constant 1 : i32
      %dma_wait3A_458 = arith.constant 0 : i32
      %dma_wait3A_459 = arith.constant 0 : i32
      %dma_wait3A_460 = tpu.memref_slice %arg7[%dma_wait3A_456, %dma_wait3A_458, %dma_wait3A_459] : memref<2x128x128xf32, #tpu.memory_space<vmem>> -> memref<1x128x128xf32, #tpu.memory_space<vmem>>
      %dma_wait3A_461 = tpu.memref_squeeze %dma_wait3A_460 : memref<1x128x128xf32, #tpu.memory_space<vmem>> -> memref<128x128xf32, #tpu.memory_space<vmem>>
      %dma_wait3A_462 = arith.constant 0 : i32
      %dma_wait3A_463 = tpu.memref_slice %arg6[%rem3A_326, %dma_wait3A_457, %dma_wait3A_462] : memref<3x2x128xi32, #tpu.memory_space<vmem>> -> memref<1x1x128xi32, #tpu.memory_space<vmem>>
      %dma_wait3A_464 = tpu.memref_squeeze %dma_wait3A_463 : memref<1x1x128xi32, #tpu.memory_space<vmem>> -> memref<128xi32, #tpu.memory_space<vmem>>
      %dma_wait3A_465 = arith.constant 0 : i32
      %dma_wait3A_466 = arith.constant 0 : i32
      %dma_wait3A_467 = tpu.memref_slice %arg8[%dma_wait3A_465, %dma_wait3A_466] : memref<10240x128xf32, #tpu.memory_space<vmem_shared>> -> memref<10240x128xf32, #tpu.memory_space<vmem_shared>>
      tpu.wait_indirect_dma semaphore(%arg10 : memref<!tpu.dma_semaphore, #tpu.memory_space<semaphore_mem>>) src(%dma_wait3A_461 : memref<128x128xf32, #tpu.memory_space<vmem>>) dst(%dma_wait3A_467 : memref<10240x128xf32, #tpu.memory_space<vmem_shared>>)
      %add3A_468 = arith.constant 2 : i32
      %add3A_469 = arith.addi %mul3A_325, %add3A_468 : i32
      %mul3A_470 = arith.constant 32 : i32
      %mul3A_471 = arith.muli %add3A_469, %mul3A_470 : i32
      %add3A_472 = arith.addi %mul3A_471, %add3A : i32
      %mul3A_473 = arith.constant 128 : i32
      %mul3A_474 = arith.muli %add3A_472, %mul3A_473 : i32
      %dma_wait3A_475 = arith.constant 0 : i32
      %dma_wait3A_476 = arith.constant 0 : i32
      %dma_wait3A_477 = tpu.memref_slice %arg6[%rem3A_334, %dma_wait3A_475, %dma_wait3A_476] : memref<3x2x128xi32, #tpu.memory_space<vmem>> -> memref<1x2x128xi32, #tpu.memory_space<vmem>>
      %dma_wait3A_478 = tpu.memref_squeeze %dma_wait3A_477 : memref<1x2x128xi32, #tpu.memory_space<vmem>> -> memref<2x128xi32, #tpu.memory_space<vmem>>
      %dma_wait3A_479 = arith.constant 0 : i32
      %dma_wait3A_480 = tpu.memref_slice %arg2[%dma_wait3A_479, %mul3A_474] : memref<2x320000xi32, #tpu.memory_space<hbm>> -> memref<2x128xi32, #tpu.memory_space<hbm>>
      %dma_wait3A_481 = arith.constant 0 : i32
      %dma_wait3A_482 = arith.constant 0 : i32
      %dma_wait3A_483 = tpu.memref_slice %arg6[%rem3A_334, %dma_wait3A_481, %dma_wait3A_482] : memref<3x2x128xi32, #tpu.memory_space<vmem>> -> memref<1x2x128xi32, #tpu.memory_space<vmem>>
      %dma_wait3A_484 = tpu.memref_squeeze %dma_wait3A_483 : memref<1x2x128xi32, #tpu.memory_space<vmem>> -> memref<2x128xi32, #tpu.memory_space<vmem>>
      %dma_wait3A_485 = arith.constant 0 : i32
      %dma_wait3A_486 = tpu.memref_slice %arg2[%dma_wait3A_485, %mul3A_474] : memref<2x320000xi32, #tpu.memory_space<hbm>> -> memref<2x128xi32, #tpu.memory_space<hbm>>
      tpu.wait_dma2 semaphore(%arg12 : memref<!tpu.dma_semaphore, #tpu.memory_space<semaphore_mem>>) src(%dma_wait3A_486 : memref<2x128xi32, #tpu.memory_space<hbm>>) dst(%dma_wait3A_484 : memref<2x128xi32, #tpu.memory_space<vmem>>)
      %add3A_487 = arith.constant 3 : i32
      %add3A_488 = arith.addi %mul3A_325, %add3A_487 : i32
      %mul3A_489 = arith.constant 32 : i32
      %mul3A_490 = arith.muli %add3A_488, %mul3A_489 : i32
      %add3A_491 = arith.addi %mul3A_490, %add3A : i32
      %mul3A_492 = arith.constant 128 : i32
      %mul3A_493 = arith.muli %add3A_491, %mul3A_492 : i32
      %dma_start3A_494 = arith.constant 0 : i32
      %dma_start3A_495 = arith.constant 0 : i32
      %dma_start3A_496 = tpu.memref_slice %arg6[%rem3A_326, %dma_start3A_494, %dma_start3A_495] : memref<3x2x128xi32, #tpu.memory_space<vmem>> -> memref<1x2x128xi32, #tpu.memory_space<vmem>>
      %dma_start3A_497 = tpu.memref_squeeze %dma_start3A_496 : memref<1x2x128xi32, #tpu.memory_space<vmem>> -> memref<2x128xi32, #tpu.memory_space<vmem>>
      %dma_start3A_498 = arith.constant 0 : i32
      %dma_start3A_499 = tpu.memref_slice %arg2[%dma_start3A_498, %mul3A_493] : memref<2x320000xi32, #tpu.memory_space<hbm>> -> memref<2x128xi32, #tpu.memory_space<hbm>>
      %dma_start3A_500 = arith.constant 0 : i32
      %dma_start3A_501 = arith.constant 0 : i32
      %dma_start3A_502 = tpu.memref_slice %arg6[%rem3A_326, %dma_start3A_500, %dma_start3A_501] : memref<3x2x128xi32, #tpu.memory_space<vmem>> -> memref<1x2x128xi32, #tpu.memory_space<vmem>>
      %dma_start3A_503 = tpu.memref_squeeze %dma_start3A_502 : memref<1x2x128xi32, #tpu.memory_space<vmem>> -> memref<2x128xi32, #tpu.memory_space<vmem>>
      %dma_start3A_504 = arith.constant 0 : i32
      %dma_start3A_505 = tpu.memref_slice %arg2[%dma_start3A_504, %mul3A_493] : memref<2x320000xi32, #tpu.memory_space<hbm>> -> memref<2x128xi32, #tpu.memory_space<hbm>>
      tpu.enqueue_dma source(%dma_start3A_505 : memref<2x128xi32, #tpu.memory_space<hbm>>) target(%dma_start3A_503 : memref<2x128xi32, #tpu.memory_space<vmem>>) target_semaphore(%arg12 : memref<!tpu.dma_semaphore, #tpu.memory_space<semaphore_mem>>)
      %add3A_506 = arith.constant 2 : i32
      %add3A_507 = arith.addi %mul3A_325, %add3A_506 : i32
      %dma_start3A_508 = arith.constant 0 : i32
      %dma_start3A_509 = arith.constant 0 : i32
      %dma_start3A_510 = arith.constant 0 : i32
      %dma_start3A_511 = arith.constant 0 : i32
      %dma_start3A_512 = tpu.memref_slice %arg7[%dma_start3A_509, %dma_start3A_510, %dma_start3A_511] : memref<2x128x128xf32, #tpu.memory_space<vmem>> -> memref<1x128x128xf32, #tpu.memory_space<vmem>>
      %dma_start3A_513 = tpu.memref_squeeze %dma_start3A_512 : memref<1x128x128xf32, #tpu.memory_space<vmem>> -> memref<128x128xf32, #tpu.memory_space<vmem>>
      %dma_start3A_514 = arith.constant 0 : i32
      %dma_start3A_515 = tpu.memref_slice %arg6[%rem3A_334, %dma_start3A_508, %dma_start3A_514] : memref<3x2x128xi32, #tpu.memory_space<vmem>> -> memref<1x1x128xi32, #tpu.memory_space<vmem>>
      %dma_start3A_516 = tpu.memref_squeeze %dma_start3A_515 : memref<1x1x128xi32, #tpu.memory_space<vmem>> -> memref<128xi32, #tpu.memory_space<vmem>>
      %dma_start3A_517 = arith.constant 0 : i32
      %dma_start3A_518 = arith.constant 0 : i32
      %dma_start3A_519 = tpu.memref_slice %arg3[%dma_start3A_517, %dma_start3A_518] : memref<10000x128xf32, #tpu.memory_space<hbm>> -> memref<10000x128xf32, #tpu.memory_space<hbm>>
      tpu.enqueue_indirect_dma source(%dma_start3A_519 : memref<10000x128xf32, #tpu.memory_space<hbm>>) target(%dma_start3A_513 : memref<128x128xf32, #tpu.memory_space<vmem>>) offsets(%dma_start3A_516 : memref<128xi32, #tpu.memory_space<vmem>>) semaphore(%arg9 : memref<!tpu.dma_semaphore, #tpu.memory_space<semaphore_mem>>)
      %scan3A_520 = arith.constant 0 : i32
      scf.yield %scan3A_520 : i32
    }
    %scan3A_197 = arith.constant 37 : i32
    %dma_wait3A_198 = arith.constant 1 : i32
    %dma_wait3A_199 = arith.constant 0 : i32
    %dma_wait3A_200 = arith.constant 0 : i32
    %dma_wait3A_201 = arith.constant 0 : i32
    %dma_wait3A_202 = arith.constant 0 : i32
    %dma_wait3A_203 = tpu.memref_slice %arg7[%dma_wait3A_200, %dma_wait3A_201, %dma_wait3A_202] : memref<2x128x128xf32, #tpu.memory_space<vmem>> -> memref<1x128x128xf32, #tpu.memory_space<vmem>>
    %dma_wait3A_204 = tpu.memref_squeeze %dma_wait3A_203 : memref<1x128x128xf32, #tpu.memory_space<vmem>> -> memref<128x128xf32, #tpu.memory_space<vmem>>
    %dma_wait3A_205 = arith.constant 0 : i32
    %dma_wait3A_206 = tpu.memref_slice %arg6[%dma_wait3A_198, %dma_wait3A_199, %dma_wait3A_205] : memref<3x2x128xi32, #tpu.memory_space<vmem>> -> memref<1x1x128xi32, #tpu.memory_space<vmem>>
    %dma_wait3A_207 = tpu.memref_squeeze %dma_wait3A_206 : memref<1x1x128xi32, #tpu.memory_space<vmem>> -> memref<128xi32, #tpu.memory_space<vmem>>
    %dma_wait3A_208 = arith.constant 0 : i32
    %dma_wait3A_209 = arith.constant 0 : i32
    %dma_wait3A_210 = tpu.memref_slice %arg3[%dma_wait3A_208, %dma_wait3A_209] : memref<10000x128xf32, #tpu.memory_space<hbm>> -> memref<10000x128xf32, #tpu.memory_space<hbm>>
    tpu.wait_indirect_dma semaphore(%arg9 : memref<!tpu.dma_semaphore, #tpu.memory_space<semaphore_mem>>) src(%dma_wait3A_210 : memref<10000x128xf32, #tpu.memory_space<hbm>>) dst(%dma_wait3A_204 : memref<128x128xf32, #tpu.memory_space<vmem>>)
    %dma_start3A_211 = arith.constant 0 : i32
    %dma_start3A_212 = arith.constant 1 : i32
    %dma_start3A_213 = arith.constant 1 : i32
    %dma_start3A_214 = arith.constant 0 : i32
    %dma_start3A_215 = arith.constant 0 : i32
    %dma_start3A_216 = tpu.memref_slice %arg7[%dma_start3A_211, %dma_start3A_214, %dma_start3A_215] : memref<2x128x128xf32, #tpu.memory_space<vmem>> -> memref<1x128x128xf32, #tpu.memory_space<vmem>>
    %dma_start3A_217 = tpu.memref_squeeze %dma_start3A_216 : memref<1x128x128xf32, #tpu.memory_space<vmem>> -> memref<128x128xf32, #tpu.memory_space<vmem>>
    %dma_start3A_218 = arith.constant 0 : i32
    %dma_start3A_219 = tpu.memref_slice %arg6[%dma_start3A_212, %dma_start3A_213, %dma_start3A_218] : memref<3x2x128xi32, #tpu.memory_space<vmem>> -> memref<1x1x128xi32, #tpu.memory_space<vmem>>
    %dma_start3A_220 = tpu.memref_squeeze %dma_start3A_219 : memref<1x1x128xi32, #tpu.memory_space<vmem>> -> memref<128xi32, #tpu.memory_space<vmem>>
    %dma_start3A_221 = arith.constant 0 : i32
    %dma_start3A_222 = arith.constant 0 : i32
    %dma_start3A_223 = tpu.memref_slice %arg8[%dma_start3A_221, %dma_start3A_222] : memref<10240x128xf32, #tpu.memory_space<vmem_shared>> -> memref<10240x128xf32, #tpu.memory_space<vmem_shared>>
    tpu.enqueue_indirect_dma source(%dma_start3A_217 : memref<128x128xf32, #tpu.memory_space<vmem>>) target(%dma_start3A_223 : memref<10240x128xf32, #tpu.memory_space<vmem_shared>>) offsets(%dma_start3A_220 : memref<128xi32, #tpu.memory_space<vmem>>) semaphore(%arg10 : memref<!tpu.dma_semaphore, #tpu.memory_space<semaphore_mem>>) {add = true}
    %dma_wait3A_224 = arith.constant 1 : i32
    %dma_wait3A_225 = arith.constant 0 : i32
    %dma_wait3A_226 = arith.constant 1 : i32
    %dma_wait3A_227 = arith.constant 0 : i32
    %dma_wait3A_228 = arith.constant 0 : i32
    %dma_wait3A_229 = tpu.memref_slice %arg7[%dma_wait3A_224, %dma_wait3A_227, %dma_wait3A_228] : memref<2x128x128xf32, #tpu.memory_space<vmem>> -> memref<1x128x128xf32, #tpu.memory_space<vmem>>
    %dma_wait3A_230 = tpu.memref_squeeze %dma_wait3A_229 : memref<1x128x128xf32, #tpu.memory_space<vmem>> -> memref<128x128xf32, #tpu.memory_space<vmem>>
    %dma_wait3A_231 = arith.constant 0 : i32
    %dma_wait3A_232 = tpu.memref_slice %arg6[%dma_wait3A_225, %dma_wait3A_226, %dma_wait3A_231] : memref<3x2x128xi32, #tpu.memory_space<vmem>> -> memref<1x1x128xi32, #tpu.memory_space<vmem>>
    %dma_wait3A_233 = tpu.memref_squeeze %dma_wait3A_232 : memref<1x1x128xi32, #tpu.memory_space<vmem>> -> memref<128xi32, #tpu.memory_space<vmem>>
    %dma_wait3A_234 = arith.constant 0 : i32
    %dma_wait3A_235 = arith.constant 0 : i32
    %dma_wait3A_236 = tpu.memref_slice %arg8[%dma_wait3A_234, %dma_wait3A_235] : memref<10240x128xf32, #tpu.memory_space<vmem_shared>> -> memref<10240x128xf32, #tpu.memory_space<vmem_shared>>
    tpu.wait_indirect_dma semaphore(%arg11 : memref<!tpu.dma_semaphore, #tpu.memory_space<semaphore_mem>>) src(%dma_wait3A_230 : memref<128x128xf32, #tpu.memory_space<vmem>>) dst(%dma_wait3A_236 : memref<10240x128xf32, #tpu.memory_space<vmem_shared>>)
    %add3A_237 = arith.constant 2464 : i32
    %add3A_238 = arith.addi %add3A_237, %add3A : i32
    %mul3A_239 = arith.constant 128 : i32
    %mul3A_240 = arith.muli %add3A_238, %mul3A_239 : i32
    %dma_wait3A_241 = arith.constant 2 : i32
    %dma_wait3A_242 = arith.constant 0 : i32
    %dma_wait3A_243 = arith.constant 0 : i32
    %dma_wait3A_244 = tpu.memref_slice %arg6[%dma_wait3A_241, %dma_wait3A_242, %dma_wait3A_243] : memref<3x2x128xi32, #tpu.memory_space<vmem>> -> memref<1x2x128xi32, #tpu.memory_space<vmem>>
    %dma_wait3A_245 = tpu.memref_squeeze %dma_wait3A_244 : memref<1x2x128xi32, #tpu.memory_space<vmem>> -> memref<2x128xi32, #tpu.memory_space<vmem>>
    %dma_wait3A_246 = arith.constant 0 : i32
    %dma_wait3A_247 = tpu.memref_slice %arg2[%dma_wait3A_246, %mul3A_240] : memref<2x320000xi32, #tpu.memory_space<hbm>> -> memref<2x128xi32, #tpu.memory_space<hbm>>
    %dma_wait3A_248 = arith.constant 0 : i32
    %dma_wait3A_249 = arith.constant 0 : i32
    %dma_wait3A_250 = tpu.memref_slice %arg6[%dma_wait3A_241, %dma_wait3A_248, %dma_wait3A_249] : memref<3x2x128xi32, #tpu.memory_space<vmem>> -> memref<1x2x128xi32, #tpu.memory_space<vmem>>
    %dma_wait3A_251 = tpu.memref_squeeze %dma_wait3A_250 : memref<1x2x128xi32, #tpu.memory_space<vmem>> -> memref<2x128xi32, #tpu.memory_space<vmem>>
    %dma_wait3A_252 = arith.constant 0 : i32
    %dma_wait3A_253 = tpu.memref_slice %arg2[%dma_wait3A_252, %mul3A_240] : memref<2x320000xi32, #tpu.memory_space<hbm>> -> memref<2x128xi32, #tpu.memory_space<hbm>>
    tpu.wait_dma2 semaphore(%arg12 : memref<!tpu.dma_semaphore, #tpu.memory_space<semaphore_mem>>) src(%dma_wait3A_253 : memref<2x128xi32, #tpu.memory_space<hbm>>) dst(%dma_wait3A_251 : memref<2x128xi32, #tpu.memory_space<vmem>>)
    %dma_start3A_254 = arith.constant 2 : i32
    %dma_start3A_255 = arith.constant 0 : i32
    %dma_start3A_256 = arith.constant 1 : i32
    %dma_start3A_257 = arith.constant 0 : i32
    %dma_start3A_258 = arith.constant 0 : i32
    %dma_start3A_259 = tpu.memref_slice %arg7[%dma_start3A_256, %dma_start3A_257, %dma_start3A_258] : memref<2x128x128xf32, #tpu.memory_space<vmem>> -> memref<1x128x128xf32, #tpu.memory_space<vmem>>
    %dma_start3A_260 = tpu.memref_squeeze %dma_start3A_259 : memref<1x128x128xf32, #tpu.memory_space<vmem>> -> memref<128x128xf32, #tpu.memory_space<vmem>>
    %dma_start3A_261 = arith.constant 0 : i32
    %dma_start3A_262 = tpu.memref_slice %arg6[%dma_start3A_254, %dma_start3A_255, %dma_start3A_261] : memref<3x2x128xi32, #tpu.memory_space<vmem>> -> memref<1x1x128xi32, #tpu.memory_space<vmem>>
    %dma_start3A_263 = tpu.memref_squeeze %dma_start3A_262 : memref<1x1x128xi32, #tpu.memory_space<vmem>> -> memref<128xi32, #tpu.memory_space<vmem>>
    %dma_start3A_264 = arith.constant 0 : i32
    %dma_start3A_265 = arith.constant 0 : i32
    %dma_start3A_266 = tpu.memref_slice %arg3[%dma_start3A_264, %dma_start3A_265] : memref<10000x128xf32, #tpu.memory_space<hbm>> -> memref<10000x128xf32, #tpu.memory_space<hbm>>
    tpu.enqueue_indirect_dma source(%dma_start3A_266 : memref<10000x128xf32, #tpu.memory_space<hbm>>) target(%dma_start3A_260 : memref<128x128xf32, #tpu.memory_space<vmem>>) offsets(%dma_start3A_263 : memref<128xi32, #tpu.memory_space<vmem>>) semaphore(%arg9 : memref<!tpu.dma_semaphore, #tpu.memory_space<semaphore_mem>>)
    %dma_wait3A_267 = arith.constant 2 : i32
    %dma_wait3A_268 = arith.constant 0 : i32
    %dma_wait3A_269 = arith.constant 1 : i32
    %dma_wait3A_270 = arith.constant 0 : i32
    %dma_wait3A_271 = arith.constant 0 : i32
    %dma_wait3A_272 = tpu.memref_slice %arg7[%dma_wait3A_269, %dma_wait3A_270, %dma_wait3A_271] : memref<2x128x128xf32, #tpu.memory_space<vmem>> -> memref<1x128x128xf32, #tpu.memory_space<vmem>>
    %dma_wait3A_273 = tpu.memref_squeeze %dma_wait3A_272 : memref<1x128x128xf32, #tpu.memory_space<vmem>> -> memref<128x128xf32, #tpu.memory_space<vmem>>
    %dma_wait3A_274 = arith.constant 0 : i32
    %dma_wait3A_275 = tpu.memref_slice %arg6[%dma_wait3A_267, %dma_wait3A_268, %dma_wait3A_274] : memref<3x2x128xi32, #tpu.memory_space<vmem>> -> memref<1x1x128xi32, #tpu.memory_space<vmem>>
    %dma_wait3A_276 = tpu.memref_squeeze %dma_wait3A_275 : memref<1x1x128xi32, #tpu.memory_space<vmem>> -> memref<128xi32, #tpu.memory_space<vmem>>
    %dma_wait3A_277 = arith.constant 0 : i32
    %dma_wait3A_278 = arith.constant 0 : i32
    %dma_wait3A_279 = tpu.memref_slice %arg3[%dma_wait3A_277, %dma_wait3A_278] : memref<10000x128xf32, #tpu.memory_space<hbm>> -> memref<10000x128xf32, #tpu.memory_space<hbm>>
    tpu.wait_indirect_dma semaphore(%arg9 : memref<!tpu.dma_semaphore, #tpu.memory_space<semaphore_mem>>) src(%dma_wait3A_279 : memref<10000x128xf32, #tpu.memory_space<hbm>>) dst(%dma_wait3A_273 : memref<128x128xf32, #tpu.memory_space<vmem>>)
    %dma_start3A_280 = arith.constant 1 : i32
    %dma_start3A_281 = arith.constant 2 : i32
    %dma_start3A_282 = arith.constant 1 : i32
    %dma_start3A_283 = arith.constant 0 : i32
    %dma_start3A_284 = arith.constant 0 : i32
    %dma_start3A_285 = tpu.memref_slice %arg7[%dma_start3A_280, %dma_start3A_283, %dma_start3A_284] : memref<2x128x128xf32, #tpu.memory_space<vmem>> -> memref<1x128x128xf32, #tpu.memory_space<vmem>>
    %dma_start3A_286 = tpu.memref_squeeze %dma_start3A_285 : memref<1x128x128xf32, #tpu.memory_space<vmem>> -> memref<128x128xf32, #tpu.memory_space<vmem>>
    %dma_start3A_287 = arith.constant 0 : i32
    %dma_start3A_288 = tpu.memref_slice %arg6[%dma_start3A_281, %dma_start3A_282, %dma_start3A_287] : memref<3x2x128xi32, #tpu.memory_space<vmem>> -> memref<1x1x128xi32, #tpu.memory_space<vmem>>
    %dma_start3A_289 = tpu.memref_squeeze %dma_start3A_288 : memref<1x1x128xi32, #tpu.memory_space<vmem>> -> memref<128xi32, #tpu.memory_space<vmem>>
    %dma_start3A_290 = arith.constant 0 : i32
    %dma_start3A_291 = arith.constant 0 : i32
    %dma_start3A_292 = tpu.memref_slice %arg8[%dma_start3A_290, %dma_start3A_291] : memref<10240x128xf32, #tpu.memory_space<vmem_shared>> -> memref<10240x128xf32, #tpu.memory_space<vmem_shared>>
    tpu.enqueue_indirect_dma source(%dma_start3A_286 : memref<128x128xf32, #tpu.memory_space<vmem>>) target(%dma_start3A_292 : memref<10240x128xf32, #tpu.memory_space<vmem_shared>>) offsets(%dma_start3A_289 : memref<128xi32, #tpu.memory_space<vmem>>) semaphore(%arg11 : memref<!tpu.dma_semaphore, #tpu.memory_space<semaphore_mem>>) {add = true}
    %dma_wait3A_293 = arith.constant 0 : i32
    %dma_wait3A_294 = arith.constant 1 : i32
    %dma_wait3A_295 = arith.constant 1 : i32
    %dma_wait3A_296 = arith.constant 0 : i32
    %dma_wait3A_297 = arith.constant 0 : i32
    %dma_wait3A_298 = tpu.memref_slice %arg7[%dma_wait3A_293, %dma_wait3A_296, %dma_wait3A_297] : memref<2x128x128xf32, #tpu.memory_space<vmem>> -> memref<1x128x128xf32, #tpu.memory_space<vmem>>
    %dma_wait3A_299 = tpu.memref_squeeze %dma_wait3A_298 : memref<1x128x128xf32, #tpu.memory_space<vmem>> -> memref<128x128xf32, #tpu.memory_space<vmem>>
    %dma_wait3A_300 = arith.constant 0 : i32
    %dma_wait3A_301 = tpu.memref_slice %arg6[%dma_wait3A_294, %dma_wait3A_295, %dma_wait3A_300] : memref<3x2x128xi32, #tpu.memory_space<vmem>> -> memref<1x1x128xi32, #tpu.memory_space<vmem>>
    %dma_wait3A_302 = tpu.memref_squeeze %dma_wait3A_301 : memref<1x1x128xi32, #tpu.memory_space<vmem>> -> memref<128xi32, #tpu.memory_space<vmem>>
    %dma_wait3A_303 = arith.constant 0 : i32
    %dma_wait3A_304 = arith.constant 0 : i32
    %dma_wait3A_305 = tpu.memref_slice %arg8[%dma_wait3A_303, %dma_wait3A_304] : memref<10240x128xf32, #tpu.memory_space<vmem_shared>> -> memref<10240x128xf32, #tpu.memory_space<vmem_shared>>
    tpu.wait_indirect_dma semaphore(%arg10 : memref<!tpu.dma_semaphore, #tpu.memory_space<semaphore_mem>>) src(%dma_wait3A_299 : memref<128x128xf32, #tpu.memory_space<vmem>>) dst(%dma_wait3A_305 : memref<10240x128xf32, #tpu.memory_space<vmem_shared>>)
    %dma_wait3A_306 = arith.constant 1 : i32
    %dma_wait3A_307 = arith.constant 2 : i32
    %dma_wait3A_308 = arith.constant 1 : i32
    %dma_wait3A_309 = arith.constant 0 : i32
    %dma_wait3A_310 = arith.constant 0 : i32
    %dma_wait3A_311 = tpu.memref_slice %arg7[%dma_wait3A_306, %dma_wait3A_309, %dma_wait3A_310] : memref<2x128x128xf32, #tpu.memory_space<vmem>> -> memref<1x128x128xf32, #tpu.memory_space<vmem>>
    %dma_wait3A_312 = tpu.memref_squeeze %dma_wait3A_311 : memref<1x128x128xf32, #tpu.memory_space<vmem>> -> memref<128x128xf32, #tpu.memory_space<vmem>>
    %dma_wait3A_313 = arith.constant 0 : i32
    %dma_wait3A_314 = tpu.memref_slice %arg6[%dma_wait3A_307, %dma_wait3A_308, %dma_wait3A_313] : memref<3x2x128xi32, #tpu.memory_space<vmem>> -> memref<1x1x128xi32, #tpu.memory_space<vmem>>
    %dma_wait3A_315 = tpu.memref_squeeze %dma_wait3A_314 : memref<1x1x128xi32, #tpu.memory_space<vmem>> -> memref<128xi32, #tpu.memory_space<vmem>>
    %dma_wait3A_316 = arith.constant 0 : i32
    %dma_wait3A_317 = arith.constant 0 : i32
    %dma_wait3A_318 = tpu.memref_slice %arg8[%dma_wait3A_316, %dma_wait3A_317] : memref<10240x128xf32, #tpu.memory_space<vmem_shared>> -> memref<10240x128xf32, #tpu.memory_space<vmem_shared>>
    tpu.wait_indirect_dma semaphore(%arg11 : memref<!tpu.dma_semaphore, #tpu.memory_space<semaphore_mem>>) src(%dma_wait3A_312 : memref<128x128xf32, #tpu.memory_space<vmem>>) dst(%dma_wait3A_318 : memref<10240x128xf32, #tpu.memory_space<vmem_shared>>)
    %lt3A = arith.constant 4 : i32
    %lt3A_319 = arith.cmpi slt, %add3A, %lt3A : i32
    %convert_element_type3A = arith.extui %lt3A_319 : i1 to i32
    %cond3A = arith.constant 0 : i32
    %cond3A_320 = arith.cmpi ne, %convert_element_type3A, %cond3A : i32
    scf.if %cond3A_320 {
      %add3A_322 = arith.constant 2496 : i32
      %add3A_323 = arith.addi %add3A_322, %add3A : i32
      %mul3A_324 = arith.constant 128 : i32
      %mul3A_325 = arith.muli %add3A_323, %mul3A_324 : i32
      %run_scoped3A_326 = arith.constant 0 : i32
      "tpu.region"() ({
        %run_scoped3A_356 = tpu.sem_alloc : memref<!tpu.dma_semaphore, #tpu.memory_space<semaphore_mem>>
        %dma_start3A_357 = arith.constant 0 : i32
        %dma_start3A_358 = arith.constant 0 : i32
        %dma_start3A_359 = tpu.memref_slice %arg6[%run_scoped3A_326, %dma_start3A_357, %dma_start3A_358] : memref<3x2x128xi32, #tpu.memory_space<vmem>> -> memref<1x2x128xi32, #tpu.memory_space<vmem>>
        %dma_start3A_360 = tpu.memref_squeeze %dma_start3A_359 : memref<1x2x128xi32, #tpu.memory_space<vmem>> -> memref<2x128xi32, #tpu.memory_space<vmem>>
        %dma_start3A_361 = arith.constant 0 : i32
        %dma_start3A_362 = tpu.memref_slice %arg2[%dma_start3A_361, %mul3A_325] : memref<2x320000xi32, #tpu.memory_space<hbm>> -> memref<2x128xi32, #tpu.memory_space<hbm>>
        %dma_start3A_363 = arith.constant 0 : i32
        %dma_start3A_364 = arith.constant 0 : i32
        %dma_start3A_365 = tpu.memref_slice %arg6[%run_scoped3A_326, %dma_start3A_363, %dma_start3A_364] : memref<3x2x128xi32, #tpu.memory_space<vmem>> -> memref<1x2x128xi32, #tpu.memory_space<vmem>>
        %dma_start3A_366 = tpu.memref_squeeze %dma_start3A_365 : memref<1x2x128xi32, #tpu.memory_space<vmem>> -> memref<2x128xi32, #tpu.memory_space<vmem>>
        %dma_start3A_367 = arith.constant 0 : i32
        %dma_start3A_368 = tpu.memref_slice %arg2[%dma_start3A_367, %mul3A_325] : memref<2x320000xi32, #tpu.memory_space<hbm>> -> memref<2x128xi32, #tpu.memory_space<hbm>>
        tpu.enqueue_dma source(%dma_start3A_368 : memref<2x128xi32, #tpu.memory_space<hbm>>) target(%dma_start3A_366 : memref<2x128xi32, #tpu.memory_space<vmem>>) target_semaphore(%run_scoped3A_356 : memref<!tpu.dma_semaphore, #tpu.memory_space<semaphore_mem>>)
        %dma_wait3A_369 = arith.constant 0 : i32
        %dma_wait3A_370 = arith.constant 0 : i32
        %dma_wait3A_371 = tpu.memref_slice %arg6[%run_scoped3A_326, %dma_wait3A_369, %dma_wait3A_370] : memref<3x2x128xi32, #tpu.memory_space<vmem>> -> memref<1x2x128xi32, #tpu.memory_space<vmem>>
        %dma_wait3A_372 = tpu.memref_squeeze %dma_wait3A_371 : memref<1x2x128xi32, #tpu.memory_space<vmem>> -> memref<2x128xi32, #tpu.memory_space<vmem>>
        %dma_wait3A_373 = arith.constant 0 : i32
        %dma_wait3A_374 = tpu.memref_slice %arg2[%dma_wait3A_373, %mul3A_325] : memref<2x320000xi32, #tpu.memory_space<hbm>> -> memref<2x128xi32, #tpu.memory_space<hbm>>
        %dma_wait3A_375 = arith.constant 0 : i32
        %dma_wait3A_376 = arith.constant 0 : i32
        %dma_wait3A_377 = tpu.memref_slice %arg6[%run_scoped3A_326, %dma_wait3A_375, %dma_wait3A_376] : memref<3x2x128xi32, #tpu.memory_space<vmem>> -> memref<1x2x128xi32, #tpu.memory_space<vmem>>
        %dma_wait3A_378 = tpu.memref_squeeze %dma_wait3A_377 : memref<1x2x128xi32, #tpu.memory_space<vmem>> -> memref<2x128xi32, #tpu.memory_space<vmem>>
        %dma_wait3A_379 = arith.constant 0 : i32
        %dma_wait3A_380 = tpu.memref_slice %arg2[%dma_wait3A_379, %mul3A_325] : memref<2x320000xi32, #tpu.memory_space<hbm>> -> memref<2x128xi32, #tpu.memory_space<hbm>>
        tpu.wait_dma2 semaphore(%run_scoped3A_356 : memref<!tpu.dma_semaphore, #tpu.memory_space<semaphore_mem>>) src(%dma_wait3A_380 : memref<2x128xi32, #tpu.memory_space<hbm>>) dst(%dma_wait3A_378 : memref<2x128xi32, #tpu.memory_space<vmem>>)
        tpu.yield
      }) : () -> ()
      %dma_start3A_327 = arith.constant 0 : i32
      %dma_start3A_328 = arith.constant 0 : i32
      %dma_start3A_329 = arith.constant 0 : i32
      %dma_start3A_330 = arith.constant 0 : i32
      %dma_start3A_331 = arith.constant 0 : i32
      %dma_start3A_332 = tpu.memref_slice %arg7[%dma_start3A_329, %dma_start3A_330, %dma_start3A_331] : memref<2x128x128xf32, #tpu.memory_space<vmem>> -> memref<1x128x128xf32, #tpu.memory_space<vmem>>
      %dma_start3A_333 = tpu.memref_squeeze %dma_start3A_332 : memref<1x128x128xf32, #tpu.memory_space<vmem>> -> memref<128x128xf32, #tpu.memory_space<vmem>>
      %dma_start3A_334 = arith.constant 0 : i32
      %dma_start3A_335 = tpu.memref_slice %arg6[%dma_start3A_327, %dma_start3A_328, %dma_start3A_334] : memref<3x2x128xi32, #tpu.memory_space<vmem>> -> memref<1x1x128xi32, #tpu.memory_space<vmem>>
      %dma_start3A_336 = tpu.memref_squeeze %dma_start3A_335 : memref<1x1x128xi32, #tpu.memory_space<vmem>> -> memref<128xi32, #tpu.memory_space<vmem>>
      %dma_start3A_337 = arith.constant 0 : i32
      %dma_start3A_338 = arith.constant 0 : i32
      %dma_start3A_339 = tpu.memref_slice %arg3[%dma_start3A_337, %dma_start3A_338] : memref<10000x128xf32, #tpu.memory_space<hbm>> -> memref<10000x128xf32, #tpu.memory_space<hbm>>
      tpu.enqueue_indirect_dma source(%dma_start3A_339 : memref<10000x128xf32, #tpu.memory_space<hbm>>) target(%dma_start3A_333 : memref<128x128xf32, #tpu.memory_space<vmem>>) offsets(%dma_start3A_336 : memref<128xi32, #tpu.memory_space<vmem>>) semaphore(%arg9 : memref<!tpu.dma_semaphore, #tpu.memory_space<semaphore_mem>>)
      %dma_wait3A_340 = arith.constant 0 : i32
      %dma_wait3A_341 = arith.constant 0 : i32
      %dma_wait3A_342 = arith.constant 0 : i32
      %dma_wait3A_343 = arith.constant 0 : i32
      %dma_wait3A_344 = arith.constant 0 : i32
      %dma_wait3A_345 = tpu.memref_slice %arg7[%dma_wait3A_342, %dma_wait3A_343, %dma_wait3A_344] : memref<2x128x128xf32, #tpu.memory_space<vmem>> -> memref<1x128x128xf32, #tpu.memory_space<vmem>>
      %dma_wait3A_346 = tpu.memref_squeeze %dma_wait3A_345 : memref<1x128x128xf32, #tpu.memory_space<vmem>> -> memref<128x128xf32, #tpu.memory_space<vmem>>
      %dma_wait3A_347 = arith.constant 0 : i32
      %dma_wait3A_348 = tpu.memref_slice %arg6[%dma_wait3A_340, %dma_wait3A_341, %dma_wait3A_347] : memref<3x2x128xi32, #tpu.memory_space<vmem>> -> memref<1x1x128xi32, #tpu.memory_space<vmem>>
      %dma_wait3A_349 = tpu.memref_squeeze %dma_wait3A_348 : memref<1x1x128xi32, #tpu.memory_space<vmem>> -> memref<128xi32, #tpu.memory_space<vmem>>
      %dma_wait3A_350 = arith.constant 0 : i32
      %dma_wait3A_351 = arith.constant 0 : i32
      %dma_wait3A_352 = tpu.memref_slice %arg3[%dma_wait3A_350, %dma_wait3A_351] : memref<10000x128xf32, #tpu.memory_space<hbm>> -> memref<10000x128xf32, #tpu.memory_space<hbm>>
      tpu.wait_indirect_dma semaphore(%arg9 : memref<!tpu.dma_semaphore, #tpu.memory_space<semaphore_mem>>) src(%dma_wait3A_352 : memref<10000x128xf32, #tpu.memory_space<hbm>>) dst(%dma_wait3A_346 : memref<128x128xf32, #tpu.memory_space<vmem>>)
      %run_scoped3A_353 = arith.constant 0 : i32
      %run_scoped3A_354 = arith.constant 0 : i32
      %run_scoped3A_355 = arith.constant 1 : i32
      "tpu.region"() ({
        %run_scoped3A_356 = tpu.sem_alloc : memref<!tpu.dma_semaphore, #tpu.memory_space<semaphore_mem>>
        %dma_start3A_357 = arith.constant 0 : i32
        %dma_start3A_358 = arith.constant 0 : i32
        %dma_start3A_359 = tpu.memref_slice %arg7[%run_scoped3A_353, %dma_start3A_357, %dma_start3A_358] : memref<2x128x128xf32, #tpu.memory_space<vmem>> -> memref<1x128x128xf32, #tpu.memory_space<vmem>>
        %dma_start3A_360 = tpu.memref_squeeze %dma_start3A_359 : memref<1x128x128xf32, #tpu.memory_space<vmem>> -> memref<128x128xf32, #tpu.memory_space<vmem>>
        %dma_start3A_361 = arith.constant 0 : i32
        %dma_start3A_362 = tpu.memref_slice %arg6[%run_scoped3A_354, %run_scoped3A_355, %dma_start3A_361] : memref<3x2x128xi32, #tpu.memory_space<vmem>> -> memref<1x1x128xi32, #tpu.memory_space<vmem>>
        %dma_start3A_363 = tpu.memref_squeeze %dma_start3A_362 : memref<1x1x128xi32, #tpu.memory_space<vmem>> -> memref<128xi32, #tpu.memory_space<vmem>>
        %dma_start3A_364 = arith.constant 0 : i32
        %dma_start3A_365 = arith.constant 0 : i32
        %dma_start3A_366 = tpu.memref_slice %arg8[%dma_start3A_364, %dma_start3A_365] : memref<10240x128xf32, #tpu.memory_space<vmem_shared>> -> memref<10240x128xf32, #tpu.memory_space<vmem_shared>>
        tpu.enqueue_indirect_dma source(%dma_start3A_360 : memref<128x128xf32, #tpu.memory_space<vmem>>) target(%dma_start3A_366 : memref<10240x128xf32, #tpu.memory_space<vmem_shared>>) offsets(%dma_start3A_363 : memref<128xi32, #tpu.memory_space<vmem>>) semaphore(%run_scoped3A_356 : memref<!tpu.dma_semaphore, #tpu.memory_space<semaphore_mem>>) {add = true}
        %dma_wait3A_367 = arith.constant 0 : i32
        %dma_wait3A_368 = arith.constant 0 : i32
        %dma_wait3A_369 = tpu.memref_slice %arg7[%run_scoped3A_353, %dma_wait3A_367, %dma_wait3A_368] : memref<2x128x128xf32, #tpu.memory_space<vmem>> -> memref<1x128x128xf32, #tpu.memory_space<vmem>>
        %dma_wait3A_370 = tpu.memref_squeeze %dma_wait3A_369 : memref<1x128x128xf32, #tpu.memory_space<vmem>> -> memref<128x128xf32, #tpu.memory_space<vmem>>
        %dma_wait3A_371 = arith.constant 0 : i32
        %dma_wait3A_372 = tpu.memref_slice %arg6[%run_scoped3A_354, %run_scoped3A_355, %dma_wait3A_371] : memref<3x2x128xi32, #tpu.memory_space<vmem>> -> memref<1x1x128xi32, #tpu.memory_space<vmem>>
        %dma_wait3A_373 = tpu.memref_squeeze %dma_wait3A_372 : memref<1x1x128xi32, #tpu.memory_space<vmem>> -> memref<128xi32, #tpu.memory_space<vmem>>
        %dma_wait3A_374 = arith.constant 0 : i32
        %dma_wait3A_375 = arith.constant 0 : i32
        %dma_wait3A_376 = tpu.memref_slice %arg8[%dma_wait3A_374, %dma_wait3A_375] : memref<10240x128xf32, #tpu.memory_space<vmem_shared>> -> memref<10240x128xf32, #tpu.memory_space<vmem_shared>>
        tpu.wait_indirect_dma semaphore(%run_scoped3A_356 : memref<!tpu.dma_semaphore, #tpu.memory_space<semaphore_mem>>) src(%dma_wait3A_370 : memref<128x128xf32, #tpu.memory_space<vmem>>) dst(%dma_wait3A_376 : memref<10240x128xf32, #tpu.memory_space<vmem_shared>>)
        tpu.yield
      }) : () -> ()
    } else {
    }
    %barrier3A_321 = arith.constant 0 : index
    tpu.barrier barrier_id(%barrier3A_321)
    "tpu.region"() ({
      %run_scoped3A_322 = tpu.sem_alloc : memref<!tpu.dma_semaphore, #tpu.memory_space<semaphore_mem>>
      %dma_start3A_323 = arith.constant 0 : i32
      %dma_start3A_324 = tpu.memref_slice %arg5[%arg0, %mul3A_2, %dma_start3A_323] : memref<2x10240x128xf32, #tpu.memory_space<hbm>> -> memref<1x640x128xf32, #tpu.memory_space<hbm>>
      %dma_start3A_325 = tpu.memref_squeeze %dma_start3A_324 : memref<1x640x128xf32, #tpu.memory_space<hbm>> -> memref<640x128xf32, #tpu.memory_space<hbm>>
      %dma_start3A_326 = arith.constant 0 : i32
      %dma_start3A_327 = tpu.memref_slice %arg8[%mul3A_2, %dma_start3A_326] : memref<10240x128xf32, #tpu.memory_space<vmem_shared>> -> memref<640x128xf32, #tpu.memory_space<vmem_shared>>
      tpu.enqueue_dma source(%dma_start3A_327 : memref<640x128xf32, #tpu.memory_space<vmem_shared>>) target(%dma_start3A_325 : memref<640x128xf32, #tpu.memory_space<hbm>>) target_semaphore(%run_scoped3A_322 : memref<!tpu.dma_semaphore, #tpu.memory_space<semaphore_mem>>)
      %dma_wait3A_328 = arith.constant 0 : i32
      %dma_wait3A_329 = tpu.memref_slice %arg5[%arg0, %mul3A_2, %dma_wait3A_328] : memref<2x10240x128xf32, #tpu.memory_space<hbm>> -> memref<1x640x128xf32, #tpu.memory_space<hbm>>
      %dma_wait3A_330 = tpu.memref_squeeze %dma_wait3A_329 : memref<1x640x128xf32, #tpu.memory_space<hbm>> -> memref<640x128xf32, #tpu.memory_space<hbm>>
      %dma_wait3A_331 = arith.constant 0 : i32
      %dma_wait3A_332 = tpu.memref_slice %arg8[%mul3A_2, %dma_wait3A_331] : memref<10240x128xf32, #tpu.memory_space<vmem_shared>> -> memref<640x128xf32, #tpu.memory_space<vmem_shared>>
      tpu.wait_dma2 semaphore(%run_scoped3A_322 : memref<!tpu.dma_semaphore, #tpu.memory_space<semaphore_mem>>) src(%dma_wait3A_332 : memref<640x128xf32, #tpu.memory_space<vmem_shared>>) dst(%dma_wait3A_330 : memref<640x128xf32, #tpu.memory_space<hbm>>)
      tpu.yield
    }) : () -> ()
    return
  }
}

module attributes {stable_mosaic.version = 14 : i64} {
  func.func @_final_body(%arg0: i32, %arg1: memref<2000x1xf32, #tpu.memory_space<vmem>>, %arg2: memref<2000x1xf32, #tpu.memory_space<vmem>>, %arg3: memref<1x2000x128xf32, #tpu.memory_space<vmem>>, %arg4: memref<1x2000x128xf32, #tpu.memory_space<vmem>>, %arg5: memref<2000x128xf32, #tpu.memory_space<vmem>>, %arg6: memref<1x128xf32, #tpu.memory_space<vmem>>, %arg7: memref<2000x128xf32, #tpu.memory_space<vmem>>) attributes {dimension_semantics = [#tpu.dimension_semantics<arbitrary>], iteration_bounds = array<i64: 5>, scalar_prefetch = 0 : i64, scratch_operands = 0 : i64, tpu.core_type = #tpu.core_type<tc>, window_params = [{transform_indices = @transform_0, window_bounds = array<i64: 2000, 1>}, {transform_indices = @transform_1, window_bounds = array<i64: 2000, 1>}, {transform_indices = @transform_2, window_bounds = array<i64: 1, 2000, 128>}, {transform_indices = @transform_3, window_bounds = array<i64: 1, 2000, 128>}, {transform_indices = @transform_4, window_bounds = array<i64: 2000, 128>}, {pipeline_mode = #tpu.pipeline_mode<synchronous>, transform_indices = @transform_5, window_bounds = array<i64: 1, 128>}, {transform_indices = @transform_6, window_bounds = array<i64: 2000, 128>}]} {
    %get3A = arith.constant 0 : index
    %get3A_0 = arith.constant 0 : index
    %get3A_1 = vector.load %arg1[%get3A, %get3A_0] : memref<2000x1xf32, #tpu.memory_space<vmem>>, vector<2000x1xf32>
    %get3A_2 = arith.constant 0 : index
    %get3A_3 = arith.constant 0 : index
    %get3A_4 = vector.load %arg2[%get3A_2, %get3A_3] : memref<2000x1xf32, #tpu.memory_space<vmem>>, vector<2000x1xf32>
    %add3A = arith.addf %get3A_1, %get3A_4 : vector<2000x1xf32>
    %add3A_5 = arith.constant 1.000000e+00 : f32
    %add3A_6 = vector.broadcast %add3A_5 : f32 to vector<2000x1xf32>
    %add3A_7 = arith.addf %add3A, %add3A_6 : vector<2000x1xf32>
    %rsqrt3A = math.rsqrt %add3A_7 : vector<2000x1xf32>
    %get3A_8 = arith.constant 0 : index
    %get3A_9 = arith.constant 0 : index
    %get3A_10 = arith.constant 0 : index
    %get3A_11 = vector.load %arg3[%get3A_8, %get3A_9, %get3A_10] : memref<1x2000x128xf32, #tpu.memory_space<vmem>>, vector<1x2000x128xf32>
    %get3A_12 = vector.shape_cast %get3A_11 : vector<1x2000x128xf32> to vector<2000x128xf32>
    %get3A_13 = arith.constant 0 : index
    %get3A_14 = arith.constant 0 : index
    %get3A_15 = arith.constant 0 : index
    %get3A_16 = vector.load %arg4[%get3A_13, %get3A_14, %get3A_15] : memref<1x2000x128xf32, #tpu.memory_space<vmem>>, vector<1x2000x128xf32>
    %get3A_17 = vector.shape_cast %get3A_16 : vector<1x2000x128xf32> to vector<2000x128xf32>
    %add3A_18 = arith.addf %get3A_12, %get3A_17 : vector<2000x128xf32>
    %get3A_19 = arith.constant 0 : index
    %get3A_20 = arith.constant 0 : index
    %get3A_21 = vector.load %arg5[%get3A_19, %get3A_20] : memref<2000x128xf32, #tpu.memory_space<vmem>>, vector<2000x128xf32>
    %add3A_22 = arith.addf %add3A_18, %get3A_21 : vector<2000x128xf32>
    %mul3A = vector.broadcast %rsqrt3A : vector<2000x1xf32> to vector<2000x128xf32>
    %mul3A_23 = arith.mulf %mul3A, %add3A_22 : vector<2000x128xf32>
    %get3A_24 = arith.constant 0 : index
    %get3A_25 = arith.constant 0 : index
    %get3A_26 = vector.load %arg6[%get3A_24, %get3A_25] : memref<1x128xf32, #tpu.memory_space<vmem>>, vector<1x128xf32>
    %add3A_27 = vector.broadcast %get3A_26 : vector<1x128xf32> to vector<2000x128xf32>
    %add3A_28 = arith.addf %mul3A_23, %add3A_27 : vector<2000x128xf32>
    %swap3A = arith.constant 0 : index
    %swap3A_29 = arith.constant 0 : index
    %swap3A_30 = vector.load %arg7[%swap3A, %swap3A_29] : memref<2000x128xf32, #tpu.memory_space<vmem>>, vector<2000x128xf32>
    tpu.vector_store %arg7[%swap3A, %swap3A_29], %add3A_28 {strides = array<i32>} : memref<2000x128xf32, #tpu.memory_space<vmem>>, vector<2000x128xf32>,
    return
  }
  func.func @transform_0(%arg0: i32) -> (i32, i32) {
    %c0_i32 = arith.constant 0 : i32
    %c0_i32_0 = arith.constant 0 : i32
    return %arg0, %c0_i32 : i32, i32
  }
  func.func @transform_1(%arg0: i32) -> (i32, i32) {
    %c0_i32 = arith.constant 0 : i32
    %c0_i32_0 = arith.constant 0 : i32
    return %arg0, %c0_i32 : i32, i32
  }
  func.func @transform_2(%arg0: i32) -> (i32, i32, i32) {
    %c0_i32 = arith.constant 0 : i32
    %c0_i32_0 = arith.constant 0 : i32
    %c0_i32_1 = arith.constant 0 : i32
    return %c0_i32, %arg0, %c0_i32_0 : i32, i32, i32
  }
  func.func @transform_3(%arg0: i32) -> (i32, i32, i32) {
    %c1_i32 = arith.constant 1 : i32
    %c0_i32 = arith.constant 0 : i32
    %c0_i32_0 = arith.constant 0 : i32
    return %c1_i32, %arg0, %c0_i32 : i32, i32, i32
  }
  func.func @transform_4(%arg0: i32) -> (i32, i32) {
    %c0_i32 = arith.constant 0 : i32
    %c0_i32_0 = arith.constant 0 : i32
    return %arg0, %c0_i32 : i32, i32
  }
  func.func @transform_5(%arg0: i32) -> (i32, i32) {
    %c0_i32 = arith.constant 0 : i32
    %c0_i32_0 = arith.constant 0 : i32
    %c0_i32_1 = arith.constant 0 : i32
    return %c0_i32, %c0_i32_0 : i32, i32
  }
  func.func @transform_6(%arg0: i32) -> (i32, i32) {
    %c0_i32 = arith.constant 0 : i32
    %c0_i32_0 = arith.constant 0 : i32
    return %arg0, %c0_i32 : i32, i32
  }
}

module attributes {stable_mosaic.version = 14 : i64} {
  func.func @_scale_matmul_body(%arg0: i32, %arg1: memref<2000x1xf32, #tpu.memory_space<vmem>>, %arg2: memref<2000x1xf32, #tpu.memory_space<vmem>>, %arg3: memref<2000x128xf32, #tpu.memory_space<vmem>>, %arg4: memref<128x128xf32, #tpu.memory_space<vmem>>, %arg5: memref<2000x128xf32, #tpu.memory_space<vmem>>) attributes {dimension_semantics = [#tpu.dimension_semantics<arbitrary>], iteration_bounds = array<i64: 5>, scalar_prefetch = 0 : i64, scratch_operands = 0 : i64, tpu.core_type = #tpu.core_type<tc>, window_params = [{transform_indices = @transform_0, window_bounds = array<i64: 2000, 1>}, {transform_indices = @transform_1, window_bounds = array<i64: 2000, 1>}, {transform_indices = @transform_2, window_bounds = array<i64: 2000, 128>}, {pipeline_mode = #tpu.pipeline_mode<synchronous>, transform_indices = @transform_3, window_bounds = array<i64: 128, 128>}, {transform_indices = @transform_4, window_bounds = array<i64: 2000, 128>}]} {
    %get3A = arith.constant 0 : index
    %get3A_0 = arith.constant 0 : index
    %get3A_1 = vector.load %arg1[%get3A, %get3A_0] : memref<2000x1xf32, #tpu.memory_space<vmem>>, vector<2000x1xf32>
    %get3A_2 = arith.constant 0 : index
    %get3A_3 = arith.constant 0 : index
    %get3A_4 = vector.load %arg2[%get3A_2, %get3A_3] : memref<2000x1xf32, #tpu.memory_space<vmem>>, vector<2000x1xf32>
    %add3A = arith.addf %get3A_1, %get3A_4 : vector<2000x1xf32>
    %add3A_5 = arith.constant 1.000000e+00 : f32
    %add3A_6 = vector.broadcast %add3A_5 : f32 to vector<2000x1xf32>
    %add3A_7 = arith.addf %add3A, %add3A_6 : vector<2000x1xf32>
    %rsqrt3A = math.rsqrt %add3A_7 : vector<2000x1xf32>
    %get3A_8 = arith.constant 0 : index
    %get3A_9 = arith.constant 0 : index
    %get3A_10 = vector.load %arg3[%get3A_8, %get3A_9] : memref<2000x128xf32, #tpu.memory_space<vmem>>, vector<2000x128xf32>
    %get3A_11 = arith.constant 0 : index
    %get3A_12 = arith.constant 0 : index
    %get3A_13 = vector.load %arg4[%get3A_11, %get3A_12] : memref<128x128xf32, #tpu.memory_space<vmem>>, vector<128x128xf32>
    %dot_general3A = arith.constant dense<0.000000e+00> : vector<2000x128xf32>
    %dot_general3A_14 = tpu.matmul %get3A_10, %get3A_13, %dot_general3A {dimension_numbers = #tpu.dot_dimension_numbers<[1], [0], [0], [1], [0, 0, 1, 1], [], []>, transpose_lhs_hint = false} : vector<2000x128xf32>, vector<128x128xf32>, vector<2000x128xf32> -> vector<2000x128xf32>
    %mul3A = vector.broadcast %rsqrt3A : vector<2000x1xf32> to vector<2000x128xf32>
    %mul3A_15 = arith.mulf %dot_general3A_14, %mul3A : vector<2000x128xf32>
    %swap3A = arith.constant 0 : index
    %swap3A_16 = arith.constant 0 : index
    %swap3A_17 = vector.load %arg5[%swap3A, %swap3A_16] : memref<2000x128xf32, #tpu.memory_space<vmem>>, vector<2000x128xf32>
    tpu.vector_store %arg5[%swap3A, %swap3A_16], %mul3A_15 {strides = array<i32>} : memref<2000x128xf32, #tpu.memory_space<vmem>>, vector<2000x128xf32>,
    return
  }
  func.func @transform_0(%arg0: i32) -> (i32, i32) {
    %c0_i32 = arith.constant 0 : i32
    %c0_i32_0 = arith.constant 0 : i32
    return %arg0, %c0_i32 : i32, i32
  }
  func.func @transform_1(%arg0: i32) -> (i32, i32) {
    %c0_i32 = arith.constant 0 : i32
    %c0_i32_0 = arith.constant 0 : i32
    return %arg0, %c0_i32 : i32, i32
  }
  func.func @transform_2(%arg0: i32) -> (i32, i32) {
    %c0_i32 = arith.constant 0 : i32
    %c0_i32_0 = arith.constant 0 : i32
    return %arg0, %c0_i32 : i32, i32
  }
  func.func @transform_3(%arg0: i32) -> (i32, i32) {
    %c0_i32 = arith.constant 0 : i32
    %c0_i32_0 = arith.constant 0 : i32
    %c0_i32_1 = arith.constant 0 : i32
    return %c0_i32, %c0_i32_0 : i32, i32
  }
  func.func @transform_4(%arg0: i32) -> (i32, i32) {
    %c0_i32 = arith.constant 0 : i32
    %c0_i32_0 = arith.constant 0 : i32
    return %arg0, %c0_i32 : i32, i32
  }
}

module attributes {stable_mosaic.version = 14 : i64} {
  func.func @_mid_body(%arg0: i32, %arg1: memref<2000x1xf32, #tpu.memory_space<vmem>>, %arg2: memref<2000x1xf32, #tpu.memory_space<vmem>>, %arg3: memref<1x2000x128xf32, #tpu.memory_space<vmem>>, %arg4: memref<1x2000x128xf32, #tpu.memory_space<vmem>>, %arg5: memref<2000x128xf32, #tpu.memory_space<vmem>>, %arg6: memref<1x128xf32, #tpu.memory_space<vmem>>, %arg7: memref<128x128xf32, #tpu.memory_space<vmem>>, %arg8: memref<2000x128xf32, #tpu.memory_space<vmem>>) attributes {dimension_semantics = [#tpu.dimension_semantics<arbitrary>], iteration_bounds = array<i64: 5>, scalar_prefetch = 0 : i64, scratch_operands = 0 : i64, tpu.core_type = #tpu.core_type<tc>, window_params = [{transform_indices = @transform_0, window_bounds = array<i64: 2000, 1>}, {transform_indices = @transform_1, window_bounds = array<i64: 2000, 1>}, {transform_indices = @transform_2, window_bounds = array<i64: 1, 2000, 128>}, {transform_indices = @transform_3, window_bounds = array<i64: 1, 2000, 128>}, {transform_indices = @transform_4, window_bounds = array<i64: 2000, 128>}, {pipeline_mode = #tpu.pipeline_mode<synchronous>, transform_indices = @transform_5, window_bounds = array<i64: 1, 128>}, {pipeline_mode = #tpu.pipeline_mode<synchronous>, transform_indices = @transform_6, window_bounds = array<i64: 128, 128>}, {transform_indices = @transform_7, window_bounds = array<i64: 2000, 128>}]} {
    %get3A = arith.constant 0 : index
    %get3A_0 = arith.constant 0 : index
    %get3A_1 = vector.load %arg1[%get3A, %get3A_0] : memref<2000x1xf32, #tpu.memory_space<vmem>>, vector<2000x1xf32>
    %get3A_2 = arith.constant 0 : index
    %get3A_3 = arith.constant 0 : index
    %get3A_4 = vector.load %arg2[%get3A_2, %get3A_3] : memref<2000x1xf32, #tpu.memory_space<vmem>>, vector<2000x1xf32>
    %add3A = arith.addf %get3A_1, %get3A_4 : vector<2000x1xf32>
    %add3A_5 = arith.constant 1.000000e+00 : f32
    %add3A_6 = vector.broadcast %add3A_5 : f32 to vector<2000x1xf32>
    %add3A_7 = arith.addf %add3A, %add3A_6 : vector<2000x1xf32>
    %rsqrt3A = math.rsqrt %add3A_7 : vector<2000x1xf32>
    %get3A_8 = arith.constant 0 : index
    %get3A_9 = arith.constant 0 : index
    %get3A_10 = arith.constant 0 : index
    %get3A_11 = vector.load %arg3[%get3A_8, %get3A_9, %get3A_10] : memref<1x2000x128xf32, #tpu.memory_space<vmem>>, vector<1x2000x128xf32>
    %get3A_12 = vector.shape_cast %get3A_11 : vector<1x2000x128xf32> to vector<2000x128xf32>
    %get3A_13 = arith.constant 0 : index
    %get3A_14 = arith.constant 0 : index
    %get3A_15 = arith.constant 0 : index
    %get3A_16 = vector.load %arg4[%get3A_13, %get3A_14, %get3A_15] : memref<1x2000x128xf32, #tpu.memory_space<vmem>>, vector<1x2000x128xf32>
    %get3A_17 = vector.shape_cast %get3A_16 : vector<1x2000x128xf32> to vector<2000x128xf32>
    %add3A_18 = arith.addf %get3A_12, %get3A_17 : vector<2000x128xf32>
    %get3A_19 = arith.constant 0 : index
    %get3A_20 = arith.constant 0 : index
    %get3A_21 = vector.load %arg5[%get3A_19, %get3A_20] : memref<2000x128xf32, #tpu.memory_space<vmem>>, vector<2000x128xf32>
    %add3A_22 = arith.addf %add3A_18, %get3A_21 : vector<2000x128xf32>
    %mul3A = vector.broadcast %rsqrt3A : vector<2000x1xf32> to vector<2000x128xf32>
    %mul3A_23 = arith.mulf %mul3A, %add3A_22 : vector<2000x128xf32>
    %get3A_24 = arith.constant 0 : index
    %get3A_25 = arith.constant 0 : index
    %get3A_26 = vector.load %arg6[%get3A_24, %get3A_25] : memref<1x128xf32, #tpu.memory_space<vmem>>, vector<1x128xf32>
    %add3A_27 = vector.broadcast %get3A_26 : vector<1x128xf32> to vector<2000x128xf32>
    %add3A_28 = arith.addf %mul3A_23, %add3A_27 : vector<2000x128xf32>
    %max3A = arith.constant 0.000000e+00 : f32
    %max3A_29 = vector.broadcast %max3A : f32 to vector<2000x128xf32>
    %max3A_30 = arith.maximumf %add3A_28, %max3A_29 : vector<2000x128xf32>
    %get3A_31 = arith.constant 0 : index
    %get3A_32 = arith.constant 0 : index
    %get3A_33 = vector.load %arg7[%get3A_31, %get3A_32] : memref<128x128xf32, #tpu.memory_space<vmem>>, vector<128x128xf32>
    %dot_general3A = arith.constant dense<0.000000e+00> : vector<2000x128xf32>
    %dot_general3A_34 = tpu.matmul %max3A_30, %get3A_33, %dot_general3A {dimension_numbers = #tpu.dot_dimension_numbers<[1], [0], [0], [1], [0, 0, 1, 1], [], []>, transpose_lhs_hint = false} : vector<2000x128xf32>, vector<128x128xf32>, vector<2000x128xf32> -> vector<2000x128xf32>
    %mul3A_35 = vector.broadcast %rsqrt3A : vector<2000x1xf32> to vector<2000x128xf32>
    %mul3A_36 = arith.mulf %dot_general3A_34, %mul3A_35 : vector<2000x128xf32>
    %swap3A = arith.constant 0 : index
    %swap3A_37 = arith.constant 0 : index
    %swap3A_38 = vector.load %arg8[%swap3A, %swap3A_37] : memref<2000x128xf32, #tpu.memory_space<vmem>>, vector<2000x128xf32>
    tpu.vector_store %arg8[%swap3A, %swap3A_37], %mul3A_36 {strides = array<i32>} : memref<2000x128xf32, #tpu.memory_space<vmem>>, vector<2000x128xf32>,
    return
  }
  func.func @transform_0(%arg0: i32) -> (i32, i32) {
    %c0_i32 = arith.constant 0 : i32
    %c0_i32_0 = arith.constant 0 : i32
    return %arg0, %c0_i32 : i32, i32
  }
  func.func @transform_1(%arg0: i32) -> (i32, i32) {
    %c0_i32 = arith.constant 0 : i32
    %c0_i32_0 = arith.constant 0 : i32
    return %arg0, %c0_i32 : i32, i32
  }
  func.func @transform_2(%arg0: i32) -> (i32, i32, i32) {
    %c0_i32 = arith.constant 0 : i32
    %c0_i32_0 = arith.constant 0 : i32
    %c0_i32_1 = arith.constant 0 : i32
    return %c0_i32, %arg0, %c0_i32_0 : i32, i32, i32
  }
  func.func @transform_3(%arg0: i32) -> (i32, i32, i32) {
    %c1_i32 = arith.constant 1 : i32
    %c0_i32 = arith.constant 0 : i32
    %c0_i32_0 = arith.constant 0 : i32
    return %c1_i32, %arg0, %c0_i32 : i32, i32, i32
  }
  func.func @transform_4(%arg0: i32) -> (i32, i32) {
    %c0_i32 = arith.constant 0 : i32
    %c0_i32_0 = arith.constant 0 : i32
    return %arg0, %c0_i32 : i32, i32
  }
  func.func @transform_5(%arg0: i32) -> (i32, i32) {
    %c0_i32 = arith.constant 0 : i32
    %c0_i32_0 = arith.constant 0 : i32
    %c0_i32_1 = arith.constant 0 : i32
    return %c0_i32, %c0_i32_0 : i32, i32
  }
  func.func @transform_6(%arg0: i32) -> (i32, i32) {
    %c0_i32 = arith.constant 0 : i32
    %c0_i32_0 = arith.constant 0 : i32
    %c0_i32_1 = arith.constant 0 : i32
    return %c0_i32, %c0_i32_0 : i32, i32
  }
  func.func @transform_7(%arg0: i32) -> (i32, i32) {
    %c0_i32 = arith.constant 0 : i32
    %c0_i32_0 = arith.constant 0 : i32
    return %arg0, %c0_i32 : i32, i32
  }
}

</mosaic_0001>

<sc_bundles>
// kernel: kernel.11.cloned.1.call-start
scs
__scs_entry_jumppad:
0x0: {  	(pc) =	sbr.rel $0x88, $3  }
0x1: {  	(tag) =	ssettag $0x0;
	lr =	simm.s32 $0x1  }
0x2: {  	[smem:$0x3F9B] =	sst lr;
	_ =	strace $0xD0000000  }
0x3: {  	_ = 	snop  }
0x4: {  	_ = 	snop  }
0x5: {  	_ = 	snop  }
0x6: {  	_ = 	snop  }
0x7: {  	_ = 	snop  }
__scs_overlays_trampoline_lowered:
0x8: {  	[smem:$0x3FAA] =	sst s0  }
0x9: {  	[smem:$0x3FAB] =	sst s1  }
0xa: {  	[smem:$0x3FAC] =	sst s2  }
0xb: {  	[smem:$0x3FAD] =	sst s3  }
0xc: {  	[smem:$0x3FAE] =	sst s4  }
0xd: {  	[smem:$0x3FAF] =	sst s5  }
0xe: {  	[smem:$0x3FB0] =	sst s6  }
0xf: {  	[smem:$0x3FB1] =	sst s7  }
0x10: {  	[smem:$0x3FB2] =	sst s8  }
0x11: {  	[smem:$0x3FB3] =	sst s9;
	s0 =	simm.s32 @!p0 $0x0  }
0x12: {  	s1 =	sld [smem:$0x3F99];
	s0 =	simm.s32 @p0 $0x1  }
0x13: {  	[smem:$0x3FB4] =	sst s0;
	s0 =	simm.s32 @!p1 $0x0  }
0x14: {  	s2 =	sld [smem:$0x3F98];
	s0 =	simm.s32 @p1 $0x1  }
0x15: {  	[smem:$0x3FB5] =	sst s0;
	s0 =	simm.s32 @!p2 $0x0  }
0x16: {  	s3 =	sld [smem:$0x3FDB];
	s0 =	simm.s32 @p2 $0x1  }
0x17: {  	s4 =	simm.s32 $0x1BF5;
	[smem:$0x3FB7] =	sst s0  }
0x18: {  	s0 =	sld [smem:$0x3F9A];
	_ =	swait.ge [sflag:s4], $0x0  }
0x19: {  	s7 =	sld [smem:$0x3F9B]  }
0x1a: {  	s8 =	sadd.s32 $0xFFFFE003, lr  }
0x1b: {  	s9 =	sadd.s32 $0xFFFFFEF7, lr;
	s5 =	simm.s32 $0xFFFFFFFF;
	p2 =	slt.u32 s8, $0xFFFFF086  }
0x1c: {  	p1 =	slt.u32 s9, $0xF7A;
	s5 =	simm.s32 @!p2 $0x0  }
0x1d: {  	s5 =	simm.s32 @p1 $0x1;
	p0 =	seq.s32 s7, s2  }
0x1e: {  	s7 =	smul.u32 @!p0 $0xF7A, s2;
	p2 =	seq.s32 @!p0 s5, $0x0  }
0x1f: {  	s9 =	smul.u32 $0xF7A, s1;
	s8 =	simm.s32 @!p0 $0x1BF5;
	p2 =	por !p2, p0  }
0x20: {  	[sflag:s8] =	ssyncset.s32 @!p0 $0xFFFFF086;
	s6 =	sadd.s32 @!p0 s3, s7;
	s7 =	simm.s32 @!p0 $0x108  }
0x21: {  	s3 =	sadd.s32 s3, s9;
	s6 =	sadd.s32 @!p0 $0x88, s6;
	s7 =	simm.s32 @p2 $0x1082  }
0x22: {  	[simem:s7], [sflag:s8] =	dma.local @!p0 [hbm:s6], $0xF7A  }
0x23: {  	s9 =	sor.u32 $0xD0000000, s2;
	s6 =	simm.s32 $0x108;
	_ =	swait.ge @!p0 [sflag:s8], $0x0  }
0x24: {  	s3 =	sadd.s32 $0x88, s3;
	s6 =	simm.s32 @!p1 $0x1082;
	[sflag:s4] =	ssyncset.s32 $0xFFFFF086  }
0x25: {  	[simem:s6], [sflag:s4] =	dma.local [hbm:s3], $0xF7A  }
0x26: {  	[smem:$0x3F9B] =	sst s1;
	(tag) =	ssettag s2;
	_ =	strace s9  }
0x27: {  	s1 =	sld [smem:$0x3FAB]  }
0x28: {  	s2 =	sld [smem:$0x3FAC]  }
0x29: {  	s4 =	sld [smem:$0x3FAE]  }
0x2a: {  	p0 =	seq.s32 s5, $0x0;
	s5 =	sld [smem:$0x3FAF]  }
0x2b: {  	s6 =	sld [smem:$0x3FB0]  }
0x2c: {  	s7 =	sld [smem:$0x3FB1]  }
0x2d: {  	s3 =	simm.s32 $0x108;
	s8 =	sld [smem:$0x3FB2]  }
0x2e: {  	s3 =	simm.s32 @!p0 $0x1082;
	s9 =	sld [smem:$0x3FB3]  }
0x2f: {  	lr =	sadd.s32 s0, s3;
	s0 =	sld [smem:$0x3FAA]  }
0x30: {  	s3 =	sld [smem:$0x3FAD]  }
0x31: {  	[smem:$0x3FB6] =	sst s10  }
0x32: {  	s10 =	sld [smem:$0x3FB4];
	_ =	sdelay $0x3  }
0x33: {  	p0 =	seq.s32 s10, $0x1;
	s10 =	sld [smem:$0x3FB6];
	_ =	sdelay $0x3  }
0x34: {  	[smem:$0x3FB6] =	sst s10  }
0x35: {  	s10 =	sld [smem:$0x3FB5];
	_ =	sdelay $0x3  }
0x36: {  	p1 =	seq.s32 s10, $0x1;
	s10 =	sld [smem:$0x3FB6];
	_ =	sdelay $0x3  }
0x37: {  	[smem:$0x3FB6] =	sst s10  }
0x38: {  	s10 =	sld [smem:$0x3FB7]  }
0x39: {  	_ = 	snop;
	(pc) =	sbr.ind lr, $3  }
0x3a: {  	_ = 	snop  }
0x3b: {  	_ = 	snop  }
0x3c: {  	p2 =	seq.s32 s10, $0x1;
	s10 =	sld [smem:$0x3FB6]  }
0x3d: {  	_ =	shalt  }
0x3e: {  	_ =	shalt  }
0x3f: {  	_ =	shalt  }
0x40: {  	_ =	shalt  }
0x41: {  	_ =	shalt  }
0x42: {  	_ =	shalt  }
0x43: {  	_ =	shalt  }
0x44: {  	_ =	shalt  }
0x45: {  	_ =	shalt  }
0x46: {  	_ =	shalt  }
0x47: {  	_ =	shalt  }
0x48: {  	_ =	shalt  }
0x49: {  	_ =	shalt  }
0x4a: {  	_ =	shalt  }
0x4b: {  	_ =	shalt  }
0x4c: {  	_ =	shalt  }
0x4d: {  	_ =	shalt  }
0x4e: {  	_ =	shalt  }
0x4f: {  	_ =	shalt  }
0x50: {  	_ =	shalt  }
0x51: {  	_ =	shalt  }
0x52: {  	_ =	shalt  }
0x53: {  	_ =	shalt  }
0x54: {  	_ =	shalt  }
0x55: {  	_ =	shalt  }
0x56: {  	_ =	shalt  }
0x57: {  	_ =	shalt  }
0x58: {  	_ =	shalt  }
0x59: {  	_ =	shalt  }
0x5a: {  	_ =	shalt  }
0x5b: {  	_ =	shalt  }
0x5c: {  	_ =	shalt  }
0x5d: {  	_ =	shalt  }
0x5e: {  	_ =	shalt  }
0x5f: {  	_ =	shalt  }
0x60: {  	_ =	shalt  }
0x61: {  	_ =	shalt  }
0x62: {  	_ =	shalt  }
0x63: {  	_ =	shalt  }
0x64: {  	_ =	shalt  }
0x65: {  	_ =	shalt  }
0x66: {  	_ =	shalt  }
0x67: {  	_ =	shalt  }
0x68: {  	_ =	shalt  }
0x69: {  	_ =	shalt  }
0x6a: {  	_ =	shalt  }
0x6b: {  	_ =	shalt  }
0x6c: {  	_ =	shalt  }
0x6d: {  	_ =	shalt  }
0x6e: {  	_ =	shalt  }
0x6f: {  	_ =	shalt  }
0x70: {  	_ =	shalt  }
0x71: {  	_ =	shalt  }
0x72: {  	_ =	shalt  }
0x73: {  	_ =	shalt  }
0x74: {  	_ =	shalt  }
0x75: {  	_ =	shalt  }
0x76: {  	_ =	shalt  }
0x77: {  	_ =	shalt  }
0x78: {  	_ =	shalt  }
0x79: {  	_ =	shalt  }
0x7a: {  	_ =	shalt  }
0x7b: {  	_ =	shalt  }
0x7c: {  	_ =	shalt  }
0x7d: {  	_ =	shalt  }
0x7e: {  	_ =	shalt  }
0x7f: {  	_ =	shalt  }
0x80: {  	_ =	shalt  }
0x81: {  	_ =	shalt  }
0x82: {  	_ =	shalt  }
0x83: {  	_ =	shalt  }
0x84: {  	_ =	shalt  }
0x85: {  	_ =	shalt  }
0x86: {  	_ =	shalt  }
0x87: {  	_ =	shalt  }
.Lfunc_end0:
.L_simem_size_0:
called_computation.1_lowered:
.L_overlay_start_0:
0x88: {  	s2 =	sld [smem:$0x3FD9]  }
0x89: {  	s3 =	sld [smem:$0x3FFE];
	_ =	sdelay $0x1  }
0x8a: {  	s1 =	srdreg.scid  }
0x8b: {  	s0 =	sand.u32 $0x1, s1  }
0x8c: {  	s17 =	sshll.u32 s0, $0xA;
	s2 =	sadd.s32 s3, s2  }
0x8d: {  	s2 =	sadd.s32 s2, s17  }
0x8e: {  	[smem:$0x3FC2] =	sst s2  }
0x8f: {  	_ = 	snop  }
0x90: {  	s2 =	sld [smem:$0x3FC8]  }
0x91: {  	s18 =	sld [smem:$0x3FD0];
	(tm) =	ssettm $0x1  }
0x92: {  	s4 =	sld [smem:$0x3FFB];
	_ =	sdelay $0x3  }
0x93: {  	_ =	strace s4  }
0x94: {  	s4 =	sld [smem:$0x3FFC];
	_ =	sdelay $0x3  }
0x95: {  	_ =	strace s4  }
0x96: {  	s4 =	sld [smem:$0x3FFD];
	_ =	sdelay $0x3  }
0x97: {  	_ =	strace s4  }
0x98: {  	_ =	strace $0x8FFFFFFF  }
0x99: {  	s19 =	sld [smem:$0x3FDB];
	_ =	sdelay $0x1  }
0x9a: {  	s5 =	simm.s32 $_scs_section_size  }
0x9b: {  	s6 =	simm.s32 $_size__tile_overlayer_lowered;
	s7 =	simm.s32 $_tile_overlayer_lowered  }
0x9c: {  	s22 =	simm.s32 $0x1BFF;
	s21 =	sshll.u32 s7, $0x1;
	s4 =	sadd.s32 s5, s19  }
0x9d: {  	s8 =	simm.s32 $0x0;
	s20 =	sshll.u32 s6, $0x1;
	s6 =	sadd.s32 s21, s4  }
0x9e: {  	[timem:s8], [sflag:s22] =	dma.local [hbm:s6], s20  }
0x9f: {  	_ =	swait.ge [sflag:s22], s20  }
0xa0: {  	s5 =	ssub.s32 $0x0, s20;
	[sflag:s22] =	ssyncset.done $0x0  }
0xa1: {  	[sflag:s22] =	ssyncadd.s32 s5;
	_ =	sdelay $0x1  }
0xa2: {  	s23 =	simm.s32 $0x1B8B  }
0xa3: {  	_ =	swait.ge [sflag:s23], $0x1  }
0xa4: {  	[sflag:s23] =	ssyncset.done $0x0  }
0xa5: {  	s25 =	simm.s32 $0x1B8E;
	s24 =	sld [smem:$0x3FFE];
	[sflag:s23] =	ssyncadd.s32 $0xFFFFFFFF  }
0xa6: {  	s26 =	simm.s32 $execute0_lowered;
	[smem:$0x3FD2] =	sst s25  }
0xa7: {  	s6 =	sshll.u32 s26, $0x1;
	_ =	strace $0x80000049;
	[dreg:$0x1] =	wrdreg $0xFFFFFFFF  }
0xa8: {  	s28 =	simm.s32 $_size_execute0_lowered;
	s4 =	sadd.s32 s4, s6;
	[dreg:$0x0] =	wrdreg $0x0  }
0xa9: {  	s6 =	sshll.u32 s28, $0x1;
	[dreg:$0x2] =	wrdreg s4  }
0xaa: {  	[dreg:$0x3] =	wrdreg s6  }
0xab: {  	[dreg:$0x4] =	wrdreg $0xC0  }
0xac: {  	_ =	task [dreg:s8], $0x5FFFF  }
0xad: {  	[dreg:$0x1] =	wrdreg $0xFFFFFFFF  }
0xae: {  	[dreg:$0x0] =	wrdreg $0x60  }
0xaf: {  	[dreg:$0x2] =	wrdreg s2  }
0xb0: {  	[dreg:$0x3] =	wrdreg s18  }
0xb1: {  	[dreg:$0x4] =	wrdreg s24  }
0xb2: {  	[dreg:$0x5] =	wrdreg $0x83000  }
0xb3: {  	[dreg:$0x6] =	wrdreg $0x9  }
0xb4: {  	_ =	task.clear_ibuf [dreg:s8], $0x7FFFF;
	_ =	strace $0x90000049  }
0xb5: {  	s29 =	simm.s32 $0x9;
	_ =	strace $0x8000004B  }
0xb6: {  	_ =	swait.ge [sflag:s29], $0x1  }
0xb7: {  	[sflag:s29] =	ssyncadd.s32 $0xFFFFFFFF  }
0xb8: {  	_ =	strace $0x9000004B  }
0xb9: {  	_ =	sfence  }
0xba: {  	s30 =	sld [smem:$0x0];
	_ =	sdelay $0x2  }
0xbb: {  	s31 =	sshll.u32 s1, $0xD;
	s1 =	sshrl.u32 s1, $0x2  }
0xbc: {  	s3 =	sand.u32 $0x4000, s31;
	s1 =	sadd.s32 s1, s30  }
0xbd: {  	s0 =	sor.u32 s3, s0;
	s1 =	sshll.u32 s1, $0x11  }
0xbe: {  	s0 =	sor.u32 s1, s0  }
0xbf: {  	s0 =	sadd.s32 $0x8F2B, s0  }
0xc0: {  	[sflag:s0] =	ssyncadd.remote.s32 $0x1  }
0xc1: {  	_ =	sfence.sel $0xFFFF  }
0xc2: {  	[dreg:$0x0] =	wrdreg $0xFFFFFFFF;
	(pc) =	sbr.abs _section_cstart, $3  }
0xc3: {  	[dreg:$0x1] =	wrdreg $0xFFFFFFFF  }
0xc4: {  	_ =	task.clear_ibuf [dreg:s8], $0x2FFFF;
	_ =	strace $0x9FFFFFFF  }
0xc5: {  	(tm) =	ssettm $0x7FFFFFFF  }
tec
execute0_lowered:
.L_overlay_start_1:
0x0: {  	(tag) =	ssettag $0x1  }
0x1: {  	s0 =	rddreg [dreg:$0x0]  }
0x2: {  	s1 =	rddreg [dreg:$0x1];
	s2 =	srdreg.scid  }
0x3: {  	s5 =	rddreg [dreg:$0x2];
	s11 =	stileid.u32  }
0x4: {  	s3 =	rddreg [dreg:$0x3];
	s4 =	simm.s32 $0x0;
	s14 =	simm.s32 $0x5  }
0x5: {  	s15 =	simm.s32 $0x100;
	s16 =	simm.s32 $0x80;
	s17 =	simm.s32 $0x300  }
0x6: {  	s20 =	simm.s32 $0x1;
	s21 =	simm.s32 $0x200;
	s29 =	simm.s32 $0x0  }
0x7: {  	s2 =	sand.u32 $0x1, s2;
	s7 =	smul.u32 $0x14000, s11;
	[smem:$0x7FF] =	sst s4  }
0x8: {  	s22 =	sadd.s32 $0x2600, s5;
	s23 =	sshll.u32 s11, $0x6;
	s9 =	smul.u32 $0x50000, s11  }
0x9: {  	p0 =	sgt.u32 s11, $0x1;
	s6 =	smul.u32 $0x140000, s2;
	_ =	strace $0x8000004A  }
0xa: {  	[dreg:$0x5] =	wrdreg s22;
	s8 =	sshll.u32 s2, $0x5;
	s2 =	ssub.s32 $0x2, s2  }
0xb: {  	s18 =	sor.u32 $0x1C05, s23;
	s22 =	simm.s32 $0x4300;
	s6 =	sadd.s32 s7, s6  }
0xc: {  	s24 =	sor.u32 s8, s23;
	s10 =	sshrl.u32 s2, $0x1;
	s6 =	sshrl.u32 s6, $0x3  }
0xd: {  	s9 =	sshrl.u32 s9, $0x2;
	s5 =	sadd.s32 s6, s5;
	s6 =	sadd.s32 s0, s24  }
0xe: {  	s2 =	ssub.s32 s2, s10;
	s9 =	sadd.s32 s9, s3;
	s25 =	sadd.s32 $0x400, s6  }
0xf: {  	s12 =	smax.u32 s2, $0x1;
	s26 =	sadd.s32 $0x800, s6;
	[dreg:$0x6] =	wrdreg s25  }
0x10: {  	s19 =	sshrl.u32 s9, $0x3;
	s30 =	sadd.s32 $0xC00, s6;
	[dreg:$0x7] =	wrdreg s26  }
0x11: {  	s0 =	sadd.s32 s23, s0;
	s31 =	sadd.s32 $0x13800, s6;
	[dreg:$0x8] =	wrdreg s30  }
0x12: {  	s23 =	simm.s32 $0x180;
	s5 =	sadd.s32 $0x4E00, s5;
	[dreg:$0x9] =	wrdreg s31  }
0x13: {  	s24 =	simm.s32 $0x2;
	s0 =	sadd.s32 s8, s0;
	[dreg:$0xa] =	wrdreg s5  }
0x14: {  	s28 =	sadd.s32 $0x1400, s0;
	s25 =	simm.s32 $0x3;
	s26 =	simm.s32 $0x4  }
.LBB2_1:
0x15: {  	[tilespmem:s4], [sflag:$0x5] =	stream.linear.gather [hbm4b:s6+s4], $0x100, $0x38;
	[tilespmem:$0x1C300] =	vst v63  }
0x16: {  	_ =	swait.ge [sflag:s14], $0x100  }
0x17: {  	[sflag:s14] =	ssyncset.done $0x0  }
0x18: {  	s0 =	rddreg [dreg:$0x6];
	[sflag:s14] =	ssyncadd.s32 $0xFFFFFF00  }
0x19: {  	[tilespmem:s15], [sflag:$0x4] =	stream.linear.gather [hbm4b:s0+s4], $0x100, $0x38;
	[tilespmem:$0x1C300] =	vst v63  }
0x1a: {  	s5 =	rddreg [dreg:$0x5]  }
0x1b: {  	[tilespmem:s17], [sflag:$0x1] =	stream.indirect.gather [hbm4b:s1+s16], $0x80, s4, s16, $0xb8;
	[tilespmem:$0x1C300] =	vst v63  }
0x1c: {  	[spmem:s19], [sflag:s18] =	dma.local [hbm:s5], $0x2800  }
0x1d: {  	_ =	swait.ge [sflag:s14], $0x2800  }
0x1e: {  	[sflag:s14] =	ssyncset.done $0x0  }
0x1f: {  	[sflag:s14] =	ssyncadd.s32 $0xFFFFD800  }
0x20: {  	[bflag:$0x0] =	sbarrier.arrive $0xFFFF  }
0x21: {  	_ =	swait.ge [sflag:s20], $0x4000  }
0x22: {  	[sflag:s20] =	ssyncset.done $0x0  }
0x23: {  	[sflag:s20] =	ssyncadd.s32 $0xFFFFC000  }
0x24: {  	[spmem:s3] =	stream.indirect.scatter.add.f32 [tilespmem:s17], [sflag:$0x2], $0x80, s16, s16, $0xb8;
	[tilespmem:$0x1C300] =	vst v63  }
0x25: {  	_ =	swait.ge [sflag:s26], $0x100  }
0x26: {  	[sflag:s26] =	ssyncset.done $0x0  }
0x27: {  	s7 =	rddreg [dreg:$0x7];
	[sflag:s26] =	ssyncadd.s32 $0xFFFFFF00  }
0x28: {  	[tilespmem:s21], [sflag:$0x4] =	stream.linear.gather [hbm4b:s7+s4], $0x100, $0x38;
	[tilespmem:$0x1C300] =	vst v63  }
0x29: {  	_ = 	snop  }
0x2a: {  	[tilespmem:s22], [sflag:$0x1] =	stream.indirect.gather [hbm4b:s1+s16], $0x80, s15, s16, $0xb8;
	[tilespmem:$0x1C300] =	vst v63  }
0x2b: {  	_ =	swait.ge [sflag:s20], $0x4000  }
0x2c: {  	[sflag:s20] =	ssyncset.done $0x0  }
0x2d: {  	[sflag:s20] =	ssyncadd.s32 $0xFFFFC000  }
0x2e: {  	[spmem:s3] =	stream.indirect.scatter.add.f32 [tilespmem:s22], [sflag:$0x3], $0x80, s23, s16, $0xb8;
	[tilespmem:$0x1C300] =	vst v63  }
0x2f: {  	_ =	swait.ge [sflag:s24], $0x4000  }
0x30: {  	[sflag:s24] =	ssyncset.done $0x0  }
0x31: {  	[sflag:s24] =	ssyncadd.s32 $0xFFFFC000  }
0x32: {  	s8 =	smul.u32 $0xAB, s26;
	_ =	swait.ge [sflag:s26], $0x100  }
0x33: {  	[sflag:s26] =	ssyncset.done $0x0  }
0x34: {  	s9 =	sadd.s32 $0xFFFFFEAA, s8;
	s2 =	rddreg [dreg:$0x8];
	[sflag:s26] =	ssyncadd.s32 $0xFFFFFF00  }
0x35: {  	[tilespmem:s4], [sflag:$0x4] =	stream.linear.gather [hbm4b:s2+s4], $0x100, $0x38;
	[tilespmem:$0x1C300] =	vst v63  }
0x36: {  	s2 =	sshrl.u32 s9, $0x9  }
0x37: {  	s2 =	sand.u32 $0x7F, s2  }
0x38: {  	s31 =	simm.s32 $0x6;
	s0 =	sshrl.u32 s8, $0x9;
	s2 =	smul.u32 $0x3, s2  }
0x39: {  	[tilespmem:s17], [sflag:$0x1] =	stream.indirect.gather [hbm4b:s1+s16], $0x80, s21, s16, $0xb8;
	[tilespmem:$0x1C300] =	vst v63  }
0x3a: {  	s30 =	sadd.s32 $0x800, s28;
	s0 =	sand.u32 $0x7F, s0;
	s2 =	ssub.s32 $0x4, s2  }
0x3b: {  	s0 =	smul.u32 $0x3, s0;
	s5 =	simm.s32 $0x3;
	s2 =	sadd.s32 $0xFFFFFFFE, s2  }
0x3c: {  	s5 =	sand.u32 $0xFF, s5;
	_ =	swait.ge [sflag:s20], $0x4000;
	s2 =	sand.u32 $0xFF, s2  }
0x3d: {  	s0 =	ssub.s32 $0x4, s0;
	[sflag:s20] =	ssyncset.done $0x0;
	s2 =	sshll.u32 s2, $0x8  }
0x3e: {  	s5 =	smul.u32 $0xAB, s5;
	[sflag:s20] =	ssyncadd.s32 $0xFFFFC000;
	s7 =	sor.u32 $0x80, s2  }
0x3f: {  	[spmem:s3] =	stream.indirect.scatter.add.f32 [tilespmem:s17], [sflag:$0x2], $0x80, s7, s16, $0xb8;
	[tilespmem:$0x1C300] =	vst v63  }
0x40: {  	s8 =	sadd.s32 $0xFFFFFC00, s28;
	s0 =	sand.u32 $0xFF, s0;
	_ =	swait.ge [sflag:s25], $0x4000  }
0x41: {  	s5 =	sshrl.u32 s5, $0x9;
	s9 =	smul.u32 $0xAB, s31;
	[sflag:s25] =	ssyncset.done $0x0  }
0x42: {  	s0 =	sshll.u32 s0, $0x8;
	s10 =	smul.u32 $0x3, s5;
	[sflag:s25] =	ssyncadd.s32 $0xFFFFC000  }
0x43: {  	s5 =	simm.s32 $0x8;
	s13 =	sadd.s32 $0xFFFFFEAA, s9;
	_ =	swait.ge [sflag:s26], $0x100  }
0x44: {  	s9 =	sshrl.u32 s9, $0x9;
	s7 =	ssub.s32 $0x3, s10;
	[sflag:s26] =	ssyncset.done $0x0  }
0x45: {  	s9 =	sand.u32 $0x7F, s9;
	s7 =	sand.u32 $0xFF, s7;
	[sflag:s26] =	ssyncadd.s32 $0xFFFFFF00  }
0x46: {  	[tilespmem:s0], [sflag:$0x4] =	stream.linear.gather [hbm4b:s8+s4], $0x100, $0x38;
	[tilespmem:$0x1C300] =	vst v63  }
0x47: {  	s11 =	sshll.u32 s7, $0x8;
	s7 =	sshrl.u32 s13, $0x9;
	s13 =	smov.u32 s28  }
0x48: {  	[tilespmem:s22], [sflag:$0x1] =	stream.indirect.gather [hbm4b:s1+s16], $0x80, s11, s16, $0xb8;
	[tilespmem:$0x1C300] =	vst v63  }
0x49: {  	s10 =	sand.u32 $0x7F, s7;
	s7 =	smul.u32 $0x3, s9;
	_ =	swait.ge [sflag:s20], $0x4000  }
0x4a: {  	s9 =	smul.u32 $0x3, s10;
	s10 =	sor.u32 $0x80, s11;
	[sflag:s20] =	ssyncset.done $0x0  }
.LBB2_2:
0x4b: {  	s7 =	ssub.s32 s31, s7  }
0x4c: {  	[sflag:s20] =	ssyncadd.s32 $0xFFFFC000;
	s11 =	smov.u32 s5;
	s8 =	sadd.s32 $0x2, s5  }
0x4d: {  	[spmem:s3] =	stream.indirect.scatter.add.f32 [tilespmem:s22], [sflag:$0x3], $0x80, s10, s16, $0xb8;
	[tilespmem:$0x1C300] =	vst v63  }
0x4e: {  	p1 =	sne.s32 s5, $0x4C;
	s5 =	ssub.s32 s31, s9;
	_ =	swait.ge [sflag:s24], $0x4000  }
0x4f: {  	s5 =	sadd.s32 $0xFFFFFFFE, s5;
	[sflag:s24] =	ssyncset.done $0x0  }
0x50: {  	s5 =	sand.u32 $0xFF, s5;
	[sflag:s24] =	ssyncadd.s32 $0xFFFFC000  }
0x51: {  	_ =	swait.ge [sflag:s26], $0x100  }
0x52: {  	s9 =	sadd.s32 $0xFFFFFFFF, s31;
	s31 =	smov.u32 s11;
	[sflag:s26] =	ssyncset.done $0x0  }
0x53: {  	s10 =	sand.u32 $0xFF, s9;
	[sflag:s26] =	ssyncadd.s32 $0xFFFFFF00  }
0x54: {  	[tilespmem:s2], [sflag:$0x4] =	stream.linear.gather [hbm4b:s13+s4], $0x100, $0x38;
	[tilespmem:$0x1C300] =	vst v63  }
0x55: {  	s2 =	smul.u32 $0xAB, s10;
	s13 =	smov.u32 s30  }
0x56: {  	[tilespmem:s17], [sflag:$0x1] =	stream.indirect.gather [hbm4b:s1+s16], $0x80, s0, s16, $0xb8;
	[tilespmem:$0x1C300] =	vst v63  }
0x57: {  	s0 =	sshrl.u32 s2, $0x9;
	_ =	swait.ge [sflag:s20], $0x4000  }
0x58: {  	s2 =	sshll.u32 s5, $0x8;
	[sflag:s20] =	ssyncset.done $0x0  }
0x59: {  	s5 =	sor.u32 $0x80, s2;
	s0 =	smul.u32 $0x3, s0;
	[sflag:s20] =	ssyncadd.s32 $0xFFFFC000  }
0x5a: {  	[spmem:s3] =	stream.indirect.scatter.add.f32 [tilespmem:s17], [sflag:$0x2], $0x80, s5, s16, $0xb8;
	[tilespmem:$0x1C300] =	vst v63  }
0x5b: {  	s0 =	ssub.s32 s9, s0;
	_ =	swait.ge [sflag:s25], $0x4000  }
0x5c: {  	s5 =	sand.u32 $0xFF, s0;
	[sflag:s25] =	ssyncset.done $0x0  }
0x5d: {  	s0 =	sand.u32 $0xFF, s7;
	[sflag:s25] =	ssyncadd.s32 $0xFFFFC000  }
0x5e: {  	s0 =	sshll.u32 s0, $0x8;
	_ =	swait.ge [sflag:s26], $0x100  }
0x5f: {  	s7 =	sadd.s32 $0xFFFFFC00, s30;
	[sflag:s26] =	ssyncset.done $0x0  }
0x60: {  	s9 =	smul.u32 $0xAB, s31;
	s5 =	sshll.u32 s5, $0x8;
	[sflag:s26] =	ssyncadd.s32 $0xFFFFFF00  }
0x61: {  	[tilespmem:s0], [sflag:$0x4] =	stream.linear.gather [hbm4b:s7+s4], $0x100, $0x38;
	[tilespmem:$0x1C300] =	vst v63  }
0x62: {  	s7 =	sadd.s32 $0xFFFFFEAA, s9;
	s9 =	sshrl.u32 s9, $0x9  }
.Ltmp0:
0x63: {  	s7 =	sshrl.u32 s7, $0x9;
	s9 =	sand.u32 $0x7F, s9;
	(pc) =	sbr.rel @p1 .LBB2_2-.Ltmp0, $4  }
0x64: {  	s30 =	sadd.s32 $0x800, s30;
	s10 =	sand.u32 $0x7F, s7;
	s7 =	smul.u32 $0x3, s9  }
0x65: {  	[tilespmem:s22], [sflag:$0x1] =	stream.indirect.gather [hbm4b:s1+s16], $0x80, s5, s16, $0xb8;
	[tilespmem:$0x1C300] =	vst v63  }
0x66: {  	s9 =	smul.u32 $0x3, s10;
	_ =	swait.ge [sflag:s20], $0x4000  }
0x67: {  	s10 =	sor.u32 $0x80, s5;
	s5 =	smov.u32 s8;
	[sflag:s20] =	ssyncset.done $0x0  }
0x68: {  	[sflag:s20] =	ssyncadd.s32 $0xFFFFC000  }
0x69: {  	[spmem:s3] =	stream.indirect.scatter.add.f32 [tilespmem:s22], [sflag:$0x3], $0x80, s10, s16, $0xb8;
	[tilespmem:$0x1C300] =	vst v63  }
0x6a: {  	_ =	swait.ge [sflag:s24], $0x4000  }
0x6b: {  	[sflag:s24] =	ssyncset.done $0x0  }
0x6c: {  	[sflag:s24] =	ssyncadd.s32 $0xFFFFC000  }
0x6d: {  	_ =	swait.ge [sflag:s26], $0x100  }
0x6e: {  	[sflag:s26] =	ssyncset.done $0x0  }
0x6f: {  	s5 =	ssub.s32 s31, s9;
	[sflag:s26] =	ssyncadd.s32 $0xFFFFFF00  }
0x70: {  	[tilespmem:s2], [sflag:$0x4] =	stream.linear.gather [hbm4b:s13+s4], $0x100, $0x38;
	[tilespmem:$0x1C300] =	vst v63  }
0x71: {  	s2 =	sadd.s32 $0xFFFFFFFE, s5  }
0x72: {  	[tilespmem:s17], [sflag:$0x1] =	stream.indirect.gather [hbm4b:s1+s16], $0x80, s0, s16, $0xb8;
	[tilespmem:$0x1C300] =	vst v63  }
0x73: {  	s8 =	sand.u32 $0xFF, s2;
	_ =	swait.ge [sflag:s20], $0x4000  }
0x74: {  	s9 =	sadd.s32 $0xFFFFFFFF, s31;
	s0 =	sshll.u32 s8, $0x8;
	[sflag:s20] =	ssyncset.done $0x0  }
0x75: {  	s10 =	sand.u32 $0xFF, s9;
	s5 =	sor.u32 $0x80, s0;
	[sflag:s20] =	ssyncadd.s32 $0xFFFFC000  }
0x76: {  	[spmem:s3] =	stream.indirect.scatter.add.f32 [tilespmem:s17], [sflag:$0x2], $0x80, s5, s16, $0xb8;
	[tilespmem:$0x1C300] =	vst v63  }
0x77: {  	s5 =	smul.u32 $0xAB, s10  }
0x78: {  	_ =	swait.ge [sflag:s25], $0x4000  }
0x79: {  	s5 =	sshrl.u32 s5, $0x9;
	[sflag:s25] =	ssyncset.done $0x0  }
0x7a: {  	s7 =	ssub.s32 s31, s7;
	s5 =	smul.u32 $0x3, s5;
	[sflag:s25] =	ssyncadd.s32 $0xFFFFC000  }
0x7b: {  	s11 =	sand.u32 $0xFF, s7;
	_ =	swait.ge [sflag:s26], $0x100  }
0x7c: {  	s13 =	sadd.s32 $0xFFFFFC00, s30;
	s2 =	ssub.s32 s9, s5;
	[sflag:s26] =	ssyncset.done $0x0  }
0x7d: {  	s5 =	sshll.u32 s11, $0x8;
	[sflag:s26] =	ssyncadd.s32 $0xFFFFFF00;
	s2 =	sand.u32 $0xFF, s2  }
0x7e: {  	[tilespmem:s5], [sflag:$0x4] =	stream.linear.gather [hbm4b:s13+s4], $0x100, $0x38;
	[tilespmem:$0x1C300] =	vst v63  }
0x7f: {  	s2 =	sshll.u32 s2, $0x8  }
0x80: {  	[tilespmem:s22], [sflag:$0x1] =	stream.indirect.gather [hbm4b:s1+s16], $0x80, s2, s16, $0xb8;
	[tilespmem:$0x1C300] =	vst v63  }
0x81: {  	_ =	swait.ge [sflag:s20], $0x4000  }
0x82: {  	[sflag:s20] =	ssyncset.done $0x0  }
0x83: {  	s2 =	sor.u32 $0x80, s2;
	[sflag:s20] =	ssyncadd.s32 $0xFFFFC000  }
0x84: {  	[spmem:s3] =	stream.indirect.scatter.add.f32 [tilespmem:s22], [sflag:$0x3], $0x80, s2, s16, $0xb8;
	[tilespmem:$0x1C300] =	vst v63  }
0x85: {  	_ =	swait.ge [sflag:s24], $0x4000  }
0x86: {  	[sflag:s24] =	ssyncset.done $0x0  }
0x87: {  	[sflag:s24] =	ssyncadd.s32 $0xFFFFC000  }
0x88: {  	_ =	swait.ge [sflag:s26], $0x100  }
0x89: {  	[sflag:s26] =	ssyncset.done $0x0  }
0x8a: {  	[sflag:s26] =	ssyncadd.s32 $0xFFFFFF00  }
0x8b: {  	[tilespmem:s0], [sflag:$0x4] =	stream.linear.gather [hbm4b:s30+s4], $0x100, $0x38;
	[tilespmem:$0x1C300] =	vst v63  }
0x8c: {  	_ = 	snop  }
0x8d: {  	[tilespmem:s17], [sflag:$0x1] =	stream.indirect.gather [hbm4b:s1+s16], $0x80, s5, s16, $0xb8;
	[tilespmem:$0x1C300] =	vst v63  }
0x8e: {  	_ =	swait.ge [sflag:s20], $0x4000  }
0x8f: {  	[sflag:s20] =	ssyncset.done $0x0  }
0x90: {  	[sflag:s20] =	ssyncadd.s32 $0xFFFFC000  }
0x91: {  	[spmem:s3] =	stream.indirect.scatter.add.f32 [tilespmem:s17], [sflag:$0x2], $0x80, s23, s16, $0xb8;
	[tilespmem:$0x1C300] =	vst v63  }
0x92: {  	_ =	swait.ge [sflag:s25], $0x4000  }
0x93: {  	[sflag:s25] =	ssyncset.done $0x0  }
0x94: {  	[sflag:s25] =	ssyncadd.s32 $0xFFFFC000  }
0x95: {  	_ =	swait.ge [sflag:s26], $0x100  }
0x96: {  	[sflag:s26] =	ssyncset.done $0x0  }
0x97: {  	[sflag:s26] =	ssyncadd.s32 $0xFFFFFF00  }
0x98: {  	[tilespmem:s22], [sflag:$0x1] =	stream.indirect.gather [hbm4b:s1+s16], $0x80, s21, s16, $0xb8;
	[tilespmem:$0x1C300] =	vst v63  }
0x99: {  	_ =	swait.ge [sflag:s20], $0x4000  }
0x9a: {  	[sflag:s20] =	ssyncset.done $0x0  }
0x9b: {  	s30 =	simm.s32 $0x280;
	[sflag:s20] =	ssyncadd.s32 $0xFFFFC000  }
0x9c: {  	[spmem:s3] =	stream.indirect.scatter.add.f32 [tilespmem:s22], [sflag:$0x3], $0x80, s30, s16, $0xb8;
	[tilespmem:$0x1C300] =	vst v63  }
0x9d: {  	_ =	swait.ge [sflag:s24], $0x4000  }
0x9e: {  	[sflag:s24] =	ssyncset.done $0x0  }
0x9f: {  	[sflag:s24] =	ssyncadd.s32 $0xFFFFC000  }
0xa0: {  	_ =	swait.ge [sflag:s25], $0x4000  }
0xa1: {  	[sflag:s25] =	ssyncset.done $0x0  }
0xa2: {  	s0 =	simm.s32 @!p0 $0x0;
	s2 =	rddreg [dreg:$0x9];
	[sflag:s25] =	ssyncadd.s32 $0xFFFFC000  }
0xa3: {  	[tilespmem:s0], [sflag:$0x5] =	stream.linear.gather @!p0 [hbm4b:s2+s0], $0x100, $0x38;
	[tilespmem:$0x1C300] =	vst v63  }
0xa4: {  	s2 =	simm.s32 @!p0 $0x5  }
0xa5: {  	_ =	swait.ge @!p0 [sflag:s2], $0x100  }
0xa6: {  	[sflag:s2] =	ssyncset.done @!p0 $0x0  }
0xa7: {  	s7 =	simm.s32 @!p0 $0x300;
	s5 =	simm.s32 @!p0 $0x80;
	[sflag:s2] =	ssyncadd.s32 @!p0 $0xFFFFFF00  }
0xa8: {  	[tilespmem:s7], [sflag:$0x1] =	stream.indirect.gather @!p0 [hbm4b:s1+s5], $0x80, s0, s5, $0xb8;
	[tilespmem:$0x1C300] =	vst v63  }
0xa9: {  	s0 =	simm.s32 @!p0 $0x1  }
0xaa: {  	_ =	swait.ge @!p0 [sflag:s0], $0x4000  }
0xab: {  	[sflag:s0] =	ssyncset.done @!p0 $0x0  }
0xac: {  	[sflag:s0] =	ssyncadd.s32 @!p0 $0xFFFFC000  }
0xad: {  	[spmem:s3] =	stream.indirect.scatter.add.f32 @!p0 [tilespmem:s7], [sflag:$0x5], $0x80, s5, s5, $0xb8;
	[tilespmem:$0x1C300] =	vst v63  }
0xae: {  	_ =	swait.ge @!p0 [sflag:s2], $0x4000  }
0xaf: {  	[sflag:s2] =	ssyncset.done @!p0 $0x0  }
0xb0: {  	s29 =	sadd.s32 $0x1, s29;
	[sflag:s2] =	ssyncadd.s32 @!p0 $0xFFFFC000  }
0xb1: {  	p1 =	sne.s32 s29, s12;
	[bflag:$0x0] =	sbarrier.arrive $0xFFFF  }
.Ltmp1:
0xb2: {  	s31 =	rddreg [dreg:$0xa];
	(pc) =	sbr.rel @p1 .LBB2_1-.Ltmp1, $4  }
0xb3: {  	[hbm:s31], [sflag:s18] =	dma.local [spmem:s19], $0x2800  }
0xb4: {  	_ =	swait.ge [sflag:s14], $0x2800  }
0xb5: {  	[sflag:s14] =	ssyncset.done $0x0  }
0xb6: {  	[sflag:s14] =	ssyncadd.s32 $0xFFFFD800  }
0xb7: {  	_ =	sfence.sel $0x180000  }
0xb8: {  	[bflag:$0x0] =	sbarrier.arrive $0xFFFF  }
0xb9: {  	_ =	strace $0x9000004A  }
0xba: {  	s0 =	stileid.u32;
	[bflag:$0x2] =	sbarrier.arrive $0xFFFF  }
0xbb: {  	p0 =	sne.s32 s0, $0x0;
	s0 =	rddreg [dreg:$0x4]  }
0xbc: {  	s0 =	sadd.s32 @!p0 $0x100000, s0  }
0xbd: {  	[sflag:s0] =	ssyncadd.tile.s32 @!p0 $0x1;
	_ =	shalt  }
.Lfunc_end2:
_tile_overlayer_lowered:
.L_overlay_start_2:
0xbe: {  	(tag) =	ssettag $0x2  }
0xbf: {  	s0 =	rddreg [dreg:$0x0];
	s2 =	stileid.u32  }
0xc0: {  	s1 =	rddreg [dreg:$0x1];
	p0 =	sne.s32 s2, $0x0  }
0xc1: {  	s3 =	rddreg [dreg:$0x2];
	[bflag:$0x3] =	sbarrier.arrive $0xFFFF;
	s2 =	simm.s32 @!p0 $0x1C05  }
0xc2: {  	[timem:s3], [sflag:s2] =	dma.local @!p0 [hbm:s0], s1  }
0xc3: {  	s0 =	simm.s32 @!p0 $0x5  }
0xc4: {  	_ =	swait.ge @!p0 [sflag:s0], s1  }
0xc5: {  	s1 =	ssub.s32 @!p0 $0x0, s1;
	[sflag:s0] =	ssyncset.done @!p0 $0x0  }
0xc6: {  	[sflag:s0] =	ssyncadd.s32 @!p0 s1  }
0xc7: {  	[bflag:$0x3] =	sbarrier.arrive $0xFFFF  }
0xc8: {  	_ =	shalt  }

// kernel: kernel.14.cloned.1.call-start
scs
__scs_entry_jumppad:
0x0: {  	(pc) =	sbr.rel $0x88, $3  }
0x1: {  	(tag) =	ssettag $0x0;
	lr =	simm.s32 $0x1  }
0x2: {  	[smem:$0x3F9B] =	sst lr;
	_ =	strace $0xD0000000  }
0x3: {  	_ = 	snop  }
0x4: {  	_ = 	snop  }
0x5: {  	_ = 	snop  }
0x6: {  	_ = 	snop  }
0x7: {  	_ = 	snop  }
__scs_overlays_trampoline_lowered:
0x8: {  	[smem:$0x3FAA] =	sst s0  }
0x9: {  	[smem:$0x3FAB] =	sst s1  }
0xa: {  	[smem:$0x3FAC] =	sst s2  }
0xb: {  	[smem:$0x3FAD] =	sst s3  }
0xc: {  	[smem:$0x3FAE] =	sst s4  }
0xd: {  	[smem:$0x3FAF] =	sst s5  }
0xe: {  	[smem:$0x3FB0] =	sst s6  }
0xf: {  	[smem:$0x3FB1] =	sst s7  }
0x10: {  	[smem:$0x3FB2] =	sst s8  }
0x11: {  	[smem:$0x3FB3] =	sst s9;
	s0 =	simm.s32 @!p0 $0x0  }
0x12: {  	s1 =	sld [smem:$0x3F99];
	s0 =	simm.s32 @p0 $0x1  }
0x13: {  	[smem:$0x3FB4] =	sst s0;
	s0 =	simm.s32 @!p1 $0x0  }
0x14: {  	s2 =	sld [smem:$0x3F98];
	s0 =	simm.s32 @p1 $0x1  }
0x15: {  	[smem:$0x3FB5] =	sst s0;
	s0 =	simm.s32 @!p2 $0x0  }
0x16: {  	s3 =	sld [smem:$0x3FDB];
	s0 =	simm.s32 @p2 $0x1  }
0x17: {  	s4 =	simm.s32 $0x1BF5;
	[smem:$0x3FB7] =	sst s0  }
0x18: {  	s0 =	sld [smem:$0x3F9A];
	_ =	swait.ge [sflag:s4], $0x0  }
0x19: {  	s7 =	sld [smem:$0x3F9B]  }
0x1a: {  	s8 =	sadd.s32 $0xFFFFE003, lr  }
0x1b: {  	s9 =	sadd.s32 $0xFFFFFEF7, lr;
	s5 =	simm.s32 $0xFFFFFFFF;
	p2 =	slt.u32 s8, $0xFFFFF086  }
0x1c: {  	p1 =	slt.u32 s9, $0xF7A;
	s5 =	simm.s32 @!p2 $0x0  }
0x1d: {  	s5 =	simm.s32 @p1 $0x1;
	p0 =	seq.s32 s7, s2  }
0x1e: {  	s7 =	smul.u32 @!p0 $0xF7A, s2;
	p2 =	seq.s32 @!p0 s5, $0x0  }
0x1f: {  	s9 =	smul.u32 $0xF7A, s1;
	s8 =	simm.s32 @!p0 $0x1BF5;
	p2 =	por !p2, p0  }
0x20: {  	[sflag:s8] =	ssyncset.s32 @!p0 $0xFFFFF086;
	s6 =	sadd.s32 @!p0 s3, s7;
	s7 =	simm.s32 @!p0 $0x108  }
0x21: {  	s3 =	sadd.s32 s3, s9;
	s6 =	sadd.s32 @!p0 $0x88, s6;
	s7 =	simm.s32 @p2 $0x1082  }
0x22: {  	[simem:s7], [sflag:s8] =	dma.local @!p0 [hbm:s6], $0xF7A  }
0x23: {  	s9 =	sor.u32 $0xD0000000, s2;
	s6 =	simm.s32 $0x108;
	_ =	swait.ge @!p0 [sflag:s8], $0x0  }
0x24: {  	s3 =	sadd.s32 $0x88, s3;
	s6 =	simm.s32 @!p1 $0x1082;
	[sflag:s4] =	ssyncset.s32 $0xFFFFF086  }
0x25: {  	[simem:s6], [sflag:s4] =	dma.local [hbm:s3], $0xF7A  }
0x26: {  	[smem:$0x3F9B] =	sst s1;
	(tag) =	ssettag s2;
	_ =	strace s9  }
0x27: {  	s1 =	sld [smem:$0x3FAB]  }
0x28: {  	s2 =	sld [smem:$0x3FAC]  }
0x29: {  	s4 =	sld [smem:$0x3FAE]  }
0x2a: {  	p0 =	seq.s32 s5, $0x0;
	s5 =	sld [smem:$0x3FAF]  }
0x2b: {  	s6 =	sld [smem:$0x3FB0]  }
0x2c: {  	s7 =	sld [smem:$0x3FB1]  }
0x2d: {  	s3 =	simm.s32 $0x108;
	s8 =	sld [smem:$0x3FB2]  }
0x2e: {  	s3 =	simm.s32 @!p0 $0x1082;
	s9 =	sld [smem:$0x3FB3]  }
0x2f: {  	lr =	sadd.s32 s0, s3;
	s0 =	sld [smem:$0x3FAA]  }
0x30: {  	s3 =	sld [smem:$0x3FAD]  }
0x31: {  	[smem:$0x3FB6] =	sst s10  }
0x32: {  	s10 =	sld [smem:$0x3FB4];
	_ =	sdelay $0x3  }
0x33: {  	p0 =	seq.s32 s10, $0x1;
	s10 =	sld [smem:$0x3FB6];
	_ =	sdelay $0x3  }
0x34: {  	[smem:$0x3FB6] =	sst s10  }
0x35: {  	s10 =	sld [smem:$0x3FB5];
	_ =	sdelay $0x3  }
0x36: {  	p1 =	seq.s32 s10, $0x1;
	s10 =	sld [smem:$0x3FB6];
	_ =	sdelay $0x3  }
0x37: {  	[smem:$0x3FB6] =	sst s10  }
0x38: {  	s10 =	sld [smem:$0x3FB7]  }
0x39: {  	_ = 	snop;
	(pc) =	sbr.ind lr, $3  }
0x3a: {  	_ = 	snop  }
0x3b: {  	_ = 	snop  }
0x3c: {  	p2 =	seq.s32 s10, $0x1;
	s10 =	sld [smem:$0x3FB6]  }
0x3d: {  	_ =	shalt  }
0x3e: {  	_ =	shalt  }
0x3f: {  	_ =	shalt  }
0x40: {  	_ =	shalt  }
0x41: {  	_ =	shalt  }
0x42: {  	_ =	shalt  }
0x43: {  	_ =	shalt  }
0x44: {  	_ =	shalt  }
0x45: {  	_ =	shalt  }
0x46: {  	_ =	shalt  }
0x47: {  	_ =	shalt  }
0x48: {  	_ =	shalt  }
0x49: {  	_ =	shalt  }
0x4a: {  	_ =	shalt  }
0x4b: {  	_ =	shalt  }
0x4c: {  	_ =	shalt  }
0x4d: {  	_ =	shalt  }
0x4e: {  	_ =	shalt  }
0x4f: {  	_ =	shalt  }
0x50: {  	_ =	shalt  }
0x51: {  	_ =	shalt  }
0x52: {  	_ =	shalt  }
0x53: {  	_ =	shalt  }
0x54: {  	_ =	shalt  }
0x55: {  	_ =	shalt  }
0x56: {  	_ =	shalt  }
0x57: {  	_ =	shalt  }
0x58: {  	_ =	shalt  }
0x59: {  	_ =	shalt  }
0x5a: {  	_ =	shalt  }
0x5b: {  	_ =	shalt  }
0x5c: {  	_ =	shalt  }
0x5d: {  	_ =	shalt  }
0x5e: {  	_ =	shalt  }
0x5f: {  	_ =	shalt  }
0x60: {  	_ =	shalt  }
0x61: {  	_ =	shalt  }
0x62: {  	_ =	shalt  }
0x63: {  	_ =	shalt  }
0x64: {  	_ =	shalt  }
0x65: {  	_ =	shalt  }
0x66: {  	_ =	shalt  }
0x67: {  	_ =	shalt  }
0x68: {  	_ =	shalt  }
0x69: {  	_ =	shalt  }
0x6a: {  	_ =	shalt  }
0x6b: {  	_ =	shalt  }
0x6c: {  	_ =	shalt  }
0x6d: {  	_ =	shalt  }
0x6e: {  	_ =	shalt  }
0x6f: {  	_ =	shalt  }
0x70: {  	_ =	shalt  }
0x71: {  	_ =	shalt  }
0x72: {  	_ =	shalt  }
0x73: {  	_ =	shalt  }
0x74: {  	_ =	shalt  }
0x75: {  	_ =	shalt  }
0x76: {  	_ =	shalt  }
0x77: {  	_ =	shalt  }
0x78: {  	_ =	shalt  }
0x79: {  	_ =	shalt  }
0x7a: {  	_ =	shalt  }
0x7b: {  	_ =	shalt  }
0x7c: {  	_ =	shalt  }
0x7d: {  	_ =	shalt  }
0x7e: {  	_ =	shalt  }
0x7f: {  	_ =	shalt  }
0x80: {  	_ =	shalt  }
0x81: {  	_ =	shalt  }
0x82: {  	_ =	shalt  }
0x83: {  	_ =	shalt  }
0x84: {  	_ =	shalt  }
0x85: {  	_ =	shalt  }
0x86: {  	_ =	shalt  }
0x87: {  	_ =	shalt  }
.Lfunc_end0:
.L_simem_size_0:
called_computation.2_lowered:
.L_overlay_start_0:
0x88: {  	s2 =	sld [smem:$0x3FD9]  }
0x89: {  	s3 =	sld [smem:$0x3FFE];
	_ =	sdelay $0x1  }
0x8a: {  	s1 =	srdreg.scid  }
0x8b: {  	s0 =	sand.u32 $0x1, s1  }
0x8c: {  	s17 =	sshll.u32 s0, $0xA;
	s2 =	sadd.s32 s3, s2  }
0x8d: {  	s2 =	sadd.s32 s2, s17  }
0x8e: {  	[smem:$0x3FC2] =	sst s2  }
0x8f: {  	_ = 	snop  }
0x90: {  	s2 =	sld [smem:$0x3FC8]  }
0x91: {  	s18 =	sld [smem:$0x3FD0];
	(tm) =	ssettm $0x1  }
0x92: {  	s4 =	sld [smem:$0x3FFB];
	_ =	sdelay $0x3  }
0x93: {  	_ =	strace s4  }
0x94: {  	s4 =	sld [smem:$0x3FFC];
	_ =	sdelay $0x3  }
0x95: {  	_ =	strace s4  }
0x96: {  	s4 =	sld [smem:$0x3FFD];
	_ =	sdelay $0x3  }
0x97: {  	_ =	strace s4  }
0x98: {  	_ =	strace $0x8FFFFFFF  }
0x99: {  	s19 =	sld [smem:$0x3FDB];
	_ =	sdelay $0x1  }
0x9a: {  	s5 =	simm.s32 $_scs_section_size  }
0x9b: {  	s6 =	simm.s32 $_size__tile_overlayer_lowered;
	s7 =	simm.s32 $_tile_overlayer_lowered  }
0x9c: {  	s22 =	simm.s32 $0x1BFF;
	s21 =	sshll.u32 s7, $0x1;
	s4 =	sadd.s32 s5, s19  }
0x9d: {  	s8 =	simm.s32 $0x0;
	s20 =	sshll.u32 s6, $0x1;
	s6 =	sadd.s32 s21, s4  }
0x9e: {  	[timem:s8], [sflag:s22] =	dma.local [hbm:s6], s20  }
0x9f: {  	_ =	swait.ge [sflag:s22], s20  }
0xa0: {  	s5 =	ssub.s32 $0x0, s20;
	[sflag:s22] =	ssyncset.done $0x0  }
0xa1: {  	[sflag:s22] =	ssyncadd.s32 s5;
	_ =	sdelay $0x1  }
0xa2: {  	s23 =	simm.s32 $0x1B8B  }
0xa3: {  	_ =	swait.ge [sflag:s23], $0x1  }
0xa4: {  	[sflag:s23] =	ssyncset.done $0x0  }
0xa5: {  	s25 =	simm.s32 $0x1B8E;
	s24 =	sld [smem:$0x3FFE];
	[sflag:s23] =	ssyncadd.s32 $0xFFFFFFFF  }
0xa6: {  	s26 =	simm.s32 $execute0_lowered;
	[smem:$0x3FD2] =	sst s25  }
0xa7: {  	s6 =	sshll.u32 s26, $0x1;
	_ =	strace $0x8000004C;
	[dreg:$0x1] =	wrdreg $0xFFFFFFFF  }
0xa8: {  	s28 =	simm.s32 $_size_execute0_lowered;
	s4 =	sadd.s32 s4, s6;
	[dreg:$0x0] =	wrdreg $0x0  }
0xa9: {  	s6 =	sshll.u32 s28, $0x1;
	[dreg:$0x2] =	wrdreg s4  }
0xaa: {  	[dreg:$0x3] =	wrdreg s6  }
0xab: {  	[dreg:$0x4] =	wrdreg $0xC0  }
0xac: {  	_ =	task [dreg:s8], $0x5FFFF  }
0xad: {  	[dreg:$0x1] =	wrdreg $0xFFFFFFFF  }
0xae: {  	[dreg:$0x0] =	wrdreg $0x60  }
0xaf: {  	[dreg:$0x2] =	wrdreg s2  }
0xb0: {  	[dreg:$0x3] =	wrdreg s18  }
0xb1: {  	[dreg:$0x4] =	wrdreg s24  }
0xb2: {  	[dreg:$0x5] =	wrdreg $0x83000  }
0xb3: {  	[dreg:$0x6] =	wrdreg $0x9  }
0xb4: {  	_ =	task.clear_ibuf [dreg:s8], $0x7FFFF;
	_ =	strace $0x9000004C  }
0xb5: {  	s29 =	simm.s32 $0x9;
	_ =	strace $0x8000004E  }
0xb6: {  	_ =	swait.ge [sflag:s29], $0x1  }
0xb7: {  	[sflag:s29] =	ssyncadd.s32 $0xFFFFFFFF  }
0xb8: {  	_ =	strace $0x9000004E  }
0xb9: {  	_ =	sfence  }
0xba: {  	s30 =	sld [smem:$0x0];
	_ =	sdelay $0x2  }
0xbb: {  	s31 =	sshll.u32 s1, $0xD;
	s1 =	sshrl.u32 s1, $0x2  }
0xbc: {  	s3 =	sand.u32 $0x4000, s31;
	s1 =	sadd.s32 s1, s30  }
0xbd: {  	s0 =	sor.u32 s3, s0;
	s1 =	sshll.u32 s1, $0x11  }
0xbe: {  	s0 =	sor.u32 s1, s0  }
0xbf: {  	s0 =	sadd.s32 $0x8F2B, s0  }
0xc0: {  	[sflag:s0] =	ssyncadd.remote.s32 $0x1  }
0xc1: {  	_ =	sfence.sel $0xFFFF  }
0xc2: {  	[dreg:$0x0] =	wrdreg $0xFFFFFFFF;
	(pc) =	sbr.abs _section_cstart, $3  }
0xc3: {  	[dreg:$0x1] =	wrdreg $0xFFFFFFFF  }
0xc4: {  	_ =	task.clear_ibuf [dreg:s8], $0x2FFFF;
	_ =	strace $0x9FFFFFFF  }
0xc5: {  	(tm) =	ssettm $0x7FFFFFFF  }
tec
execute0_lowered:
.L_overlay_start_1:
0x0: {  	(tag) =	ssettag $0x1  }
0x1: {  	s0 =	rddreg [dreg:$0x0]  }
0x2: {  	s1 =	rddreg [dreg:$0x1];
	s2 =	srdreg.scid  }
0x3: {  	s5 =	rddreg [dreg:$0x2];
	s11 =	stileid.u32  }
0x4: {  	s3 =	rddreg [dreg:$0x3];
	s4 =	simm.s32 $0x0;
	s14 =	simm.s32 $0x5  }
0x5: {  	s15 =	simm.s32 $0x100;
	s16 =	simm.s32 $0x80;
	s17 =	simm.s32 $0x300  }
0x6: {  	s20 =	simm.s32 $0x1;
	s21 =	simm.s32 $0x200;
	s29 =	simm.s32 $0x0  }
0x7: {  	s2 =	sand.u32 $0x1, s2;
	s7 =	smul.u32 $0x14000, s11;
	[smem:$0x7FF] =	sst s4  }
0x8: {  	s22 =	sadd.s32 $0x2600, s5;
	s23 =	sshll.u32 s11, $0x6;
	s9 =	smul.u32 $0x50000, s11  }
0x9: {  	p0 =	sgt.u32 s11, $0x1;
	s6 =	smul.u32 $0x140000, s2;
	_ =	strace $0x8000004D  }
0xa: {  	[dreg:$0x5] =	wrdreg s22;
	s8 =	sshll.u32 s2, $0x5;
	s2 =	ssub.s32 $0x2, s2  }
0xb: {  	s18 =	sor.u32 $0x1C05, s23;
	s22 =	simm.s32 $0x4300;
	s6 =	sadd.s32 s7, s6  }
0xc: {  	s24 =	sor.u32 s8, s23;
	s10 =	sshrl.u32 s2, $0x1;
	s6 =	sshrl.u32 s6, $0x3  }
0xd: {  	s9 =	sshrl.u32 s9, $0x2;
	s5 =	sadd.s32 s6, s5;
	s6 =	sadd.s32 s0, s24  }
0xe: {  	s2 =	ssub.s32 s2, s10;
	s9 =	sadd.s32 s9, s3;
	s25 =	sadd.s32 $0x400, s6  }
0xf: {  	s12 =	smax.u32 s2, $0x1;
	s26 =	sadd.s32 $0x800, s6;
	[dreg:$0x6] =	wrdreg s25  }
0x10: {  	s19 =	sshrl.u32 s9, $0x3;
	s30 =	sadd.s32 $0xC00, s6;
	[dreg:$0x7] =	wrdreg s26  }
0x11: {  	s0 =	sadd.s32 s23, s0;
	s31 =	sadd.s32 $0x13800, s6;
	[dreg:$0x8] =	wrdreg s30  }
0x12: {  	s23 =	simm.s32 $0x180;
	s5 =	sadd.s32 $0x4E00, s5;
	[dreg:$0x9] =	wrdreg s31  }
0x13: {  	s24 =	simm.s32 $0x2;
	s0 =	sadd.s32 s8, s0;
	[dreg:$0xa] =	wrdreg s5  }
0x14: {  	s28 =	sadd.s32 $0x1400, s0;
	s25 =	simm.s32 $0x3;
	s26 =	simm.s32 $0x4  }
.LBB2_1:
0x15: {  	[tilespmem:s4], [sflag:$0x5] =	stream.linear.gather [hbm4b:s6+s4], $0x100, $0x38;
	[tilespmem:$0x1C300] =	vst v63  }
0x16: {  	_ =	swait.ge [sflag:s14], $0x100  }
0x17: {  	[sflag:s14] =	ssyncset.done $0x0  }
0x18: {  	s0 =	rddreg [dreg:$0x6];
	[sflag:s14] =	ssyncadd.s32 $0xFFFFFF00  }
0x19: {  	[tilespmem:s15], [sflag:$0x4] =	stream.linear.gather [hbm4b:s0+s4], $0x100, $0x38;
	[tilespmem:$0x1C300] =	vst v63  }
0x1a: {  	s5 =	rddreg [dreg:$0x5]  }
0x1b: {  	[tilespmem:s17], [sflag:$0x1] =	stream.indirect.gather [hbm4b:s1+s16], $0x80, s4, s16, $0xb8;
	[tilespmem:$0x1C300] =	vst v63  }
0x1c: {  	[spmem:s19], [sflag:s18] =	dma.local [hbm:s5], $0x2800  }
0x1d: {  	_ =	swait.ge [sflag:s14], $0x2800  }
0x1e: {  	[sflag:s14] =	ssyncset.done $0x0  }
0x1f: {  	[sflag:s14] =	ssyncadd.s32 $0xFFFFD800  }
0x20: {  	[bflag:$0x0] =	sbarrier.arrive $0xFFFF  }
0x21: {  	_ =	swait.ge [sflag:s20], $0x4000  }
0x22: {  	[sflag:s20] =	ssyncset.done $0x0  }
0x23: {  	[sflag:s20] =	ssyncadd.s32 $0xFFFFC000  }
0x24: {  	[spmem:s3] =	stream.indirect.scatter.add.f32 [tilespmem:s17], [sflag:$0x2], $0x80, s16, s16, $0xb8;
	[tilespmem:$0x1C300] =	vst v63  }
0x25: {  	_ =	swait.ge [sflag:s26], $0x100  }
0x26: {  	[sflag:s26] =	ssyncset.done $0x0  }
0x27: {  	s7 =	rddreg [dreg:$0x7];
	[sflag:s26] =	ssyncadd.s32 $0xFFFFFF00  }
0x28: {  	[tilespmem:s21], [sflag:$0x4] =	stream.linear.gather [hbm4b:s7+s4], $0x100, $0x38;
	[tilespmem:$0x1C300] =	vst v63  }
0x29: {  	_ = 	snop  }
0x2a: {  	[tilespmem:s22], [sflag:$0x1] =	stream.indirect.gather [hbm4b:s1+s16], $0x80, s15, s16, $0xb8;
	[tilespmem:$0x1C300] =	vst v63  }
0x2b: {  	_ =	swait.ge [sflag:s20], $0x4000  }
0x2c: {  	[sflag:s20] =	ssyncset.done $0x0  }
0x2d: {  	[sflag:s20] =	ssyncadd.s32 $0xFFFFC000  }
0x2e: {  	[spmem:s3] =	stream.indirect.scatter.add.f32 [tilespmem:s22], [sflag:$0x3], $0x80, s23, s16, $0xb8;
	[tilespmem:$0x1C300] =	vst v63  }
0x2f: {  	_ =	swait.ge [sflag:s24], $0x4000  }
0x30: {  	[sflag:s24] =	ssyncset.done $0x0  }
0x31: {  	[sflag:s24] =	ssyncadd.s32 $0xFFFFC000  }
0x32: {  	s8 =	smul.u32 $0xAB, s26;
	_ =	swait.ge [sflag:s26], $0x100  }
0x33: {  	[sflag:s26] =	ssyncset.done $0x0  }
0x34: {  	s9 =	sadd.s32 $0xFFFFFEAA, s8;
	s2 =	rddreg [dreg:$0x8];
	[sflag:s26] =	ssyncadd.s32 $0xFFFFFF00  }
0x35: {  	[tilespmem:s4], [sflag:$0x4] =	stream.linear.gather [hbm4b:s2+s4], $0x100, $0x38;
	[tilespmem:$0x1C300] =	vst v63  }
0x36: {  	s2 =	sshrl.u32 s9, $0x9  }
0x37: {  	s2 =	sand.u32 $0x7F, s2  }
0x38: {  	s31 =	simm.s32 $0x6;
	s0 =	sshrl.u32 s8, $0x9;
	s2 =	smul.u32 $0x3, s2  }
0x39: {  	[tilespmem:s17], [sflag:$0x1] =	stream.indirect.gather [hbm4b:s1+s16], $0x80, s21, s16, $0xb8;
	[tilespmem:$0x1C300] =	vst v63  }
0x3a: {  	s30 =	sadd.s32 $0x800, s28;
	s0 =	sand.u32 $0x7F, s0;
	s2 =	ssub.s32 $0x4, s2  }
0x3b: {  	s0 =	smul.u32 $0x3, s0;
	s5 =	simm.s32 $0x3;
	s2 =	sadd.s32 $0xFFFFFFFE, s2  }
0x3c: {  	s5 =	sand.u32 $0xFF, s5;
	_ =	swait.ge [sflag:s20], $0x4000;
	s2 =	sand.u32 $0xFF, s2  }
0x3d: {  	s0 =	ssub.s32 $0x4, s0;
	[sflag:s20] =	ssyncset.done $0x0;
	s2 =	sshll.u32 s2, $0x8  }
0x3e: {  	s5 =	smul.u32 $0xAB, s5;
	[sflag:s20] =	ssyncadd.s32 $0xFFFFC000;
	s7 =	sor.u32 $0x80, s2  }
0x3f: {  	[spmem:s3] =	stream.indirect.scatter.add.f32 [tilespmem:s17], [sflag:$0x2], $0x80, s7, s16, $0xb8;
	[tilespmem:$0x1C300] =	vst v63  }
0x40: {  	s8 =	sadd.s32 $0xFFFFFC00, s28;
	s0 =	sand.u32 $0xFF, s0;
	_ =	swait.ge [sflag:s25], $0x4000  }
0x41: {  	s5 =	sshrl.u32 s5, $0x9;
	s9 =	smul.u32 $0xAB, s31;
	[sflag:s25] =	ssyncset.done $0x0  }
0x42: {  	s0 =	sshll.u32 s0, $0x8;
	s10 =	smul.u32 $0x3, s5;
	[sflag:s25] =	ssyncadd.s32 $0xFFFFC000  }
0x43: {  	s5 =	simm.s32 $0x8;
	s13 =	sadd.s32 $0xFFFFFEAA, s9;
	_ =	swait.ge [sflag:s26], $0x100  }
0x44: {  	s9 =	sshrl.u32 s9, $0x9;
	s7 =	ssub.s32 $0x3, s10;
	[sflag:s26] =	ssyncset.done $0x0  }
0x45: {  	s9 =	sand.u32 $0x7F, s9;
	s7 =	sand.u32 $0xFF, s7;
	[sflag:s26] =	ssyncadd.s32 $0xFFFFFF00  }
0x46: {  	[tilespmem:s0], [sflag:$0x4] =	stream.linear.gather [hbm4b:s8+s4], $0x100, $0x38;
	[tilespmem:$0x1C300] =	vst v63  }
0x47: {  	s11 =	sshll.u32 s7, $0x8;
	s7 =	sshrl.u32 s13, $0x9;
	s13 =	smov.u32 s28  }
0x48: {  	[tilespmem:s22], [sflag:$0x1] =	stream.indirect.gather [hbm4b:s1+s16], $0x80, s11, s16, $0xb8;
	[tilespmem:$0x1C300] =	vst v63  }
0x49: {  	s10 =	sand.u32 $0x7F, s7;
	s7 =	smul.u32 $0x3, s9;
	_ =	swait.ge [sflag:s20], $0x4000  }
0x4a: {  	s9 =	smul.u32 $0x3, s10;
	s10 =	sor.u32 $0x80, s11;
	[sflag:s20] =	ssyncset.done $0x0  }
.LBB2_2:
0x4b: {  	s7 =	ssub.s32 s31, s7  }
0x4c: {  	[sflag:s20] =	ssyncadd.s32 $0xFFFFC000;
	s11 =	smov.u32 s5;
	s8 =	sadd.s32 $0x2, s5  }
0x4d: {  	[spmem:s3] =	stream.indirect.scatter.add.f32 [tilespmem:s22], [sflag:$0x3], $0x80, s10, s16, $0xb8;
	[tilespmem:$0x1C300] =	vst v63  }
0x4e: {  	p1 =	sne.s32 s5, $0x4C;
	s5 =	ssub.s32 s31, s9;
	_ =	swait.ge [sflag:s24], $0x4000  }
0x4f: {  	s5 =	sadd.s32 $0xFFFFFFFE, s5;
	[sflag:s24] =	ssyncset.done $0x0  }
0x50: {  	s5 =	sand.u32 $0xFF, s5;
	[sflag:s24] =	ssyncadd.s32 $0xFFFFC000  }
0x51: {  	_ =	swait.ge [sflag:s26], $0x100  }
0x52: {  	s9 =	sadd.s32 $0xFFFFFFFF, s31;
	s31 =	smov.u32 s11;
	[sflag:s26] =	ssyncset.done $0x0  }
0x53: {  	s10 =	sand.u32 $0xFF, s9;
	[sflag:s26] =	ssyncadd.s32 $0xFFFFFF00  }
0x54: {  	[tilespmem:s2], [sflag:$0x4] =	stream.linear.gather [hbm4b:s13+s4], $0x100, $0x38;
	[tilespmem:$0x1C300] =	vst v63  }
0x55: {  	s2 =	smul.u32 $0xAB, s10;
	s13 =	smov.u32 s30  }
0x56: {  	[tilespmem:s17], [sflag:$0x1] =	stream.indirect.gather [hbm4b:s1+s16], $0x80, s0, s16, $0xb8;
	[tilespmem:$0x1C300] =	vst v63  }
0x57: {  	s0 =	sshrl.u32 s2, $0x9;
	_ =	swait.ge [sflag:s20], $0x4000  }
0x58: {  	s2 =	sshll.u32 s5, $0x8;
	[sflag:s20] =	ssyncset.done $0x0  }
0x59: {  	s5 =	sor.u32 $0x80, s2;
	s0 =	smul.u32 $0x3, s0;
	[sflag:s20] =	ssyncadd.s32 $0xFFFFC000  }
0x5a: {  	[spmem:s3] =	stream.indirect.scatter.add.f32 [tilespmem:s17], [sflag:$0x2], $0x80, s5, s16, $0xb8;
	[tilespmem:$0x1C300] =	vst v63  }
0x5b: {  	s0 =	ssub.s32 s9, s0;
	_ =	swait.ge [sflag:s25], $0x4000  }
0x5c: {  	s5 =	sand.u32 $0xFF, s0;
	[sflag:s25] =	ssyncset.done $0x0  }
0x5d: {  	s0 =	sand.u32 $0xFF, s7;
	[sflag:s25] =	ssyncadd.s32 $0xFFFFC000  }
0x5e: {  	s0 =	sshll.u32 s0, $0x8;
	_ =	swait.ge [sflag:s26], $0x100  }
0x5f: {  	s7 =	sadd.s32 $0xFFFFFC00, s30;
	[sflag:s26] =	ssyncset.done $0x0  }
0x60: {  	s9 =	smul.u32 $0xAB, s31;
	s5 =	sshll.u32 s5, $0x8;
	[sflag:s26] =	ssyncadd.s32 $0xFFFFFF00  }
0x61: {  	[tilespmem:s0], [sflag:$0x4] =	stream.linear.gather [hbm4b:s7+s4], $0x100, $0x38;
	[tilespmem:$0x1C300] =	vst v63  }
0x62: {  	s7 =	sadd.s32 $0xFFFFFEAA, s9;
	s9 =	sshrl.u32 s9, $0x9  }
.Ltmp0:
0x63: {  	s7 =	sshrl.u32 s7, $0x9;
	s9 =	sand.u32 $0x7F, s9;
	(pc) =	sbr.rel @p1 .LBB2_2-.Ltmp0, $4  }
0x64: {  	s30 =	sadd.s32 $0x800, s30;
	s10 =	sand.u32 $0x7F, s7;
	s7 =	smul.u32 $0x3, s9  }
0x65: {  	[tilespmem:s22], [sflag:$0x1] =	stream.indirect.gather [hbm4b:s1+s16], $0x80, s5, s16, $0xb8;
	[tilespmem:$0x1C300] =	vst v63  }
0x66: {  	s9 =	smul.u32 $0x3, s10;
	_ =	swait.ge [sflag:s20], $0x4000  }
0x67: {  	s10 =	sor.u32 $0x80, s5;
	s5 =	smov.u32 s8;
	[sflag:s20] =	ssyncset.done $0x0  }
0x68: {  	[sflag:s20] =	ssyncadd.s32 $0xFFFFC000  }
0x69: {  	[spmem:s3] =	stream.indirect.scatter.add.f32 [tilespmem:s22], [sflag:$0x3], $0x80, s10, s16, $0xb8;
	[tilespmem:$0x1C300] =	vst v63  }
0x6a: {  	_ =	swait.ge [sflag:s24], $0x4000  }
0x6b: {  	[sflag:s24] =	ssyncset.done $0x0  }
0x6c: {  	[sflag:s24] =	ssyncadd.s32 $0xFFFFC000  }
0x6d: {  	_ =	swait.ge [sflag:s26], $0x100  }
0x6e: {  	[sflag:s26] =	ssyncset.done $0x0  }
0x6f: {  	s5 =	ssub.s32 s31, s9;
	[sflag:s26] =	ssyncadd.s32 $0xFFFFFF00  }
0x70: {  	[tilespmem:s2], [sflag:$0x4] =	stream.linear.gather [hbm4b:s13+s4], $0x100, $0x38;
	[tilespmem:$0x1C300] =	vst v63  }
0x71: {  	s2 =	sadd.s32 $0xFFFFFFFE, s5  }
0x72: {  	[tilespmem:s17], [sflag:$0x1] =	stream.indirect.gather [hbm4b:s1+s16], $0x80, s0, s16, $0xb8;
	[tilespmem:$0x1C300] =	vst v63  }
0x73: {  	s8 =	sand.u32 $0xFF, s2;
	_ =	swait.ge [sflag:s20], $0x4000  }
0x74: {  	s9 =	sadd.s32 $0xFFFFFFFF, s31;
	s0 =	sshll.u32 s8, $0x8;
	[sflag:s20] =	ssyncset.done $0x0  }
0x75: {  	s10 =	sand.u32 $0xFF, s9;
	s5 =	sor.u32 $0x80, s0;
	[sflag:s20] =	ssyncadd.s32 $0xFFFFC000  }
0x76: {  	[spmem:s3] =	stream.indirect.scatter.add.f32 [tilespmem:s17], [sflag:$0x2], $0x80, s5, s16, $0xb8;
	[tilespmem:$0x1C300] =	vst v63  }
0x77: {  	s5 =	smul.u32 $0xAB, s10  }
0x78: {  	_ =	swait.ge [sflag:s25], $0x4000  }
0x79: {  	s5 =	sshrl.u32 s5, $0x9;
	[sflag:s25] =	ssyncset.done $0x0  }
0x7a: {  	s7 =	ssub.s32 s31, s7;
	s5 =	smul.u32 $0x3, s5;
	[sflag:s25] =	ssyncadd.s32 $0xFFFFC000  }
0x7b: {  	s11 =	sand.u32 $0xFF, s7;
	_ =	swait.ge [sflag:s26], $0x100  }
0x7c: {  	s13 =	sadd.s32 $0xFFFFFC00, s30;
	s2 =	ssub.s32 s9, s5;
	[sflag:s26] =	ssyncset.done $0x0  }
0x7d: {  	s5 =	sshll.u32 s11, $0x8;
	[sflag:s26] =	ssyncadd.s32 $0xFFFFFF00;
	s2 =	sand.u32 $0xFF, s2  }
0x7e: {  	[tilespmem:s5], [sflag:$0x4] =	stream.linear.gather [hbm4b:s13+s4], $0x100, $0x38;
	[tilespmem:$0x1C300] =	vst v63  }
0x7f: {  	s2 =	sshll.u32 s2, $0x8  }
0x80: {  	[tilespmem:s22], [sflag:$0x1] =	stream.indirect.gather [hbm4b:s1+s16], $0x80, s2, s16, $0xb8;
	[tilespmem:$0x1C300] =	vst v63  }
0x81: {  	_ =	swait.ge [sflag:s20], $0x4000  }
0x82: {  	[sflag:s20] =	ssyncset.done $0x0  }
0x83: {  	s2 =	sor.u32 $0x80, s2;
	[sflag:s20] =	ssyncadd.s32 $0xFFFFC000  }
0x84: {  	[spmem:s3] =	stream.indirect.scatter.add.f32 [tilespmem:s22], [sflag:$0x3], $0x80, s2, s16, $0xb8;
	[tilespmem:$0x1C300] =	vst v63  }
0x85: {  	_ =	swait.ge [sflag:s24], $0x4000  }
0x86: {  	[sflag:s24] =	ssyncset.done $0x0  }
0x87: {  	[sflag:s24] =	ssyncadd.s32 $0xFFFFC000  }
0x88: {  	_ =	swait.ge [sflag:s26], $0x100  }
0x89: {  	[sflag:s26] =	ssyncset.done $0x0  }
0x8a: {  	[sflag:s26] =	ssyncadd.s32 $0xFFFFFF00  }
0x8b: {  	[tilespmem:s0], [sflag:$0x4] =	stream.linear.gather [hbm4b:s30+s4], $0x100, $0x38;
	[tilespmem:$0x1C300] =	vst v63  }
0x8c: {  	_ = 	snop  }
0x8d: {  	[tilespmem:s17], [sflag:$0x1] =	stream.indirect.gather [hbm4b:s1+s16], $0x80, s5, s16, $0xb8;
	[tilespmem:$0x1C300] =	vst v63  }
0x8e: {  	_ =	swait.ge [sflag:s20], $0x4000  }
0x8f: {  	[sflag:s20] =	ssyncset.done $0x0  }
0x90: {  	[sflag:s20] =	ssyncadd.s32 $0xFFFFC000  }
0x91: {  	[spmem:s3] =	stream.indirect.scatter.add.f32 [tilespmem:s17], [sflag:$0x2], $0x80, s23, s16, $0xb8;
	[tilespmem:$0x1C300] =	vst v63  }
0x92: {  	_ =	swait.ge [sflag:s25], $0x4000  }
0x93: {  	[sflag:s25] =	ssyncset.done $0x0  }
0x94: {  	[sflag:s25] =	ssyncadd.s32 $0xFFFFC000  }
0x95: {  	_ =	swait.ge [sflag:s26], $0x100  }
0x96: {  	[sflag:s26] =	ssyncset.done $0x0  }
0x97: {  	[sflag:s26] =	ssyncadd.s32 $0xFFFFFF00  }
0x98: {  	[tilespmem:s22], [sflag:$0x1] =	stream.indirect.gather [hbm4b:s1+s16], $0x80, s21, s16, $0xb8;
	[tilespmem:$0x1C300] =	vst v63  }
0x99: {  	_ =	swait.ge [sflag:s20], $0x4000  }
0x9a: {  	[sflag:s20] =	ssyncset.done $0x0  }
0x9b: {  	s30 =	simm.s32 $0x280;
	[sflag:s20] =	ssyncadd.s32 $0xFFFFC000  }
0x9c: {  	[spmem:s3] =	stream.indirect.scatter.add.f32 [tilespmem:s22], [sflag:$0x3], $0x80, s30, s16, $0xb8;
	[tilespmem:$0x1C300] =	vst v63  }
0x9d: {  	_ =	swait.ge [sflag:s24], $0x4000  }
0x9e: {  	[sflag:s24] =	ssyncset.done $0x0  }
0x9f: {  	[sflag:s24] =	ssyncadd.s32 $0xFFFFC000  }
0xa0: {  	_ =	swait.ge [sflag:s25], $0x4000  }
0xa1: {  	[sflag:s25] =	ssyncset.done $0x0  }
0xa2: {  	s0 =	simm.s32 @!p0 $0x0;
	s2 =	rddreg [dreg:$0x9];
	[sflag:s25] =	ssyncadd.s32 $0xFFFFC000  }
0xa3: {  	[tilespmem:s0], [sflag:$0x5] =	stream.linear.gather @!p0 [hbm4b:s2+s0], $0x100, $0x38;
	[tilespmem:$0x1C300] =	vst v63  }
0xa4: {  	s2 =	simm.s32 @!p0 $0x5  }
0xa5: {  	_ =	swait.ge @!p0 [sflag:s2], $0x100  }
0xa6: {  	[sflag:s2] =	ssyncset.done @!p0 $0x0  }
0xa7: {  	s7 =	simm.s32 @!p0 $0x300;
	s5 =	simm.s32 @!p0 $0x80;
	[sflag:s2] =	ssyncadd.s32 @!p0 $0xFFFFFF00  }
0xa8: {  	[tilespmem:s7], [sflag:$0x1] =	stream.indirect.gather @!p0 [hbm4b:s1+s5], $0x80, s0, s5, $0xb8;
	[tilespmem:$0x1C300] =	vst v63  }
0xa9: {  	s0 =	simm.s32 @!p0 $0x1  }
0xaa: {  	_ =	swait.ge @!p0 [sflag:s0], $0x4000  }
0xab: {  	[sflag:s0] =	ssyncset.done @!p0 $0x0  }
0xac: {  	[sflag:s0] =	ssyncadd.s32 @!p0 $0xFFFFC000  }
0xad: {  	[spmem:s3] =	stream.indirect.scatter.add.f32 @!p0 [tilespmem:s7], [sflag:$0x5], $0x80, s5, s5, $0xb8;
	[tilespmem:$0x1C300] =	vst v63  }
0xae: {  	_ =	swait.ge @!p0 [sflag:s2], $0x4000  }
0xaf: {  	[sflag:s2] =	ssyncset.done @!p0 $0x0  }
0xb0: {  	s29 =	sadd.s32 $0x1, s29;
	[sflag:s2] =	ssyncadd.s32 @!p0 $0xFFFFC000  }
0xb1: {  	p1 =	sne.s32 s29, s12;
	[bflag:$0x0] =	sbarrier.arrive $0xFFFF  }
.Ltmp1:
0xb2: {  	s31 =	rddreg [dreg:$0xa];
	(pc) =	sbr.rel @p1 .LBB2_1-.Ltmp1, $4  }
0xb3: {  	[hbm:s31], [sflag:s18] =	dma.local [spmem:s19], $0x2800  }
0xb4: {  	_ =	swait.ge [sflag:s14], $0x2800  }
0xb5: {  	[sflag:s14] =	ssyncset.done $0x0  }
0xb6: {  	[sflag:s14] =	ssyncadd.s32 $0xFFFFD800  }
0xb7: {  	_ =	sfence.sel $0x180000  }
0xb8: {  	[bflag:$0x0] =	sbarrier.arrive $0xFFFF  }
0xb9: {  	_ =	strace $0x9000004D  }
0xba: {  	s0 =	stileid.u32;
	[bflag:$0x2] =	sbarrier.arrive $0xFFFF  }
0xbb: {  	p0 =	sne.s32 s0, $0x0;
	s0 =	rddreg [dreg:$0x4]  }
0xbc: {  	s0 =	sadd.s32 @!p0 $0x100000, s0  }
0xbd: {  	[sflag:s0] =	ssyncadd.tile.s32 @!p0 $0x1;
	_ =	shalt  }
.Lfunc_end2:
_tile_overlayer_lowered:
.L_overlay_start_2:
0xbe: {  	(tag) =	ssettag $0x2  }
0xbf: {  	s0 =	rddreg [dreg:$0x0];
	s2 =	stileid.u32  }
0xc0: {  	s1 =	rddreg [dreg:$0x1];
	p0 =	sne.s32 s2, $0x0  }
0xc1: {  	s3 =	rddreg [dreg:$0x2];
	[bflag:$0x3] =	sbarrier.arrive $0xFFFF;
	s2 =	simm.s32 @!p0 $0x1C05  }
0xc2: {  	[timem:s3], [sflag:s2] =	dma.local @!p0 [hbm:s0], s1  }
0xc3: {  	s0 =	simm.s32 @!p0 $0x5  }
0xc4: {  	_ =	swait.ge @!p0 [sflag:s0], s1  }
0xc5: {  	s1 =	ssub.s32 @!p0 $0x0, s1;
	[sflag:s0] =	ssyncset.done @!p0 $0x0  }
0xc6: {  	[sflag:s0] =	ssyncadd.s32 @!p0 s1  }
0xc7: {  	[bflag:$0x3] =	sbarrier.arrive $0xFFFF  }
0xc8: {  	_ =	shalt  }

// kernel: kernel.8.cloned.1.call-start
scs
__scs_entry_jumppad:
0x0: {  	(pc) =	sbr.rel $0x88, $3  }
0x1: {  	(tag) =	ssettag $0x0;
	lr =	simm.s32 $0x1  }
0x2: {  	[smem:$0x3F9B] =	sst lr;
	_ =	strace $0xD0000000  }
0x3: {  	_ = 	snop  }
0x4: {  	_ = 	snop  }
0x5: {  	_ = 	snop  }
0x6: {  	_ = 	snop  }
0x7: {  	_ = 	snop  }
__scs_overlays_trampoline_lowered:
0x8: {  	[smem:$0x3FAA] =	sst s0  }
0x9: {  	[smem:$0x3FAB] =	sst s1  }
0xa: {  	[smem:$0x3FAC] =	sst s2  }
0xb: {  	[smem:$0x3FAD] =	sst s3  }
0xc: {  	[smem:$0x3FAE] =	sst s4  }
0xd: {  	[smem:$0x3FAF] =	sst s5  }
0xe: {  	[smem:$0x3FB0] =	sst s6  }
0xf: {  	[smem:$0x3FB1] =	sst s7  }
0x10: {  	[smem:$0x3FB2] =	sst s8  }
0x11: {  	[smem:$0x3FB3] =	sst s9;
	s0 =	simm.s32 @!p0 $0x0  }
0x12: {  	s1 =	sld [smem:$0x3F99];
	s0 =	simm.s32 @p0 $0x1  }
0x13: {  	[smem:$0x3FB4] =	sst s0;
	s0 =	simm.s32 @!p1 $0x0  }
0x14: {  	s2 =	sld [smem:$0x3F98];
	s0 =	simm.s32 @p1 $0x1  }
0x15: {  	[smem:$0x3FB5] =	sst s0;
	s0 =	simm.s32 @!p2 $0x0  }
0x16: {  	s3 =	sld [smem:$0x3FDB];
	s0 =	simm.s32 @p2 $0x1  }
0x17: {  	s4 =	simm.s32 $0x1BF5;
	[smem:$0x3FB7] =	sst s0  }
0x18: {  	s0 =	sld [smem:$0x3F9A];
	_ =	swait.ge [sflag:s4], $0x0  }
0x19: {  	s7 =	sld [smem:$0x3F9B]  }
0x1a: {  	s8 =	sadd.s32 $0xFFFFE003, lr  }
0x1b: {  	s9 =	sadd.s32 $0xFFFFFEF7, lr;
	s5 =	simm.s32 $0xFFFFFFFF;
	p2 =	slt.u32 s8, $0xFFFFF086  }
0x1c: {  	p1 =	slt.u32 s9, $0xF7A;
	s5 =	simm.s32 @!p2 $0x0  }
0x1d: {  	s5 =	simm.s32 @p1 $0x1;
	p0 =	seq.s32 s7, s2  }
0x1e: {  	s7 =	smul.u32 @!p0 $0xF7A, s2;
	p2 =	seq.s32 @!p0 s5, $0x0  }
0x1f: {  	s9 =	smul.u32 $0xF7A, s1;
	s8 =	simm.s32 @!p0 $0x1BF5;
	p2 =	por !p2, p0  }
0x20: {  	[sflag:s8] =	ssyncset.s32 @!p0 $0xFFFFF086;
	s6 =	sadd.s32 @!p0 s3, s7;
	s7 =	simm.s32 @!p0 $0x108  }
0x21: {  	s3 =	sadd.s32 s3, s9;
	s6 =	sadd.s32 @!p0 $0x88, s6;
	s7 =	simm.s32 @p2 $0x1082  }
0x22: {  	[simem:s7], [sflag:s8] =	dma.local @!p0 [hbm:s6], $0xF7A  }
0x23: {  	s9 =	sor.u32 $0xD0000000, s2;
	s6 =	simm.s32 $0x108;
	_ =	swait.ge @!p0 [sflag:s8], $0x0  }
0x24: {  	s3 =	sadd.s32 $0x88, s3;
	s6 =	simm.s32 @!p1 $0x1082;
	[sflag:s4] =	ssyncset.s32 $0xFFFFF086  }
0x25: {  	[simem:s6], [sflag:s4] =	dma.local [hbm:s3], $0xF7A  }
0x26: {  	[smem:$0x3F9B] =	sst s1;
	(tag) =	ssettag s2;
	_ =	strace s9  }
0x27: {  	s1 =	sld [smem:$0x3FAB]  }
0x28: {  	s2 =	sld [smem:$0x3FAC]  }
0x29: {  	s4 =	sld [smem:$0x3FAE]  }
0x2a: {  	p0 =	seq.s32 s5, $0x0;
	s5 =	sld [smem:$0x3FAF]  }
0x2b: {  	s6 =	sld [smem:$0x3FB0]  }
0x2c: {  	s7 =	sld [smem:$0x3FB1]  }
0x2d: {  	s3 =	simm.s32 $0x108;
	s8 =	sld [smem:$0x3FB2]  }
0x2e: {  	s3 =	simm.s32 @!p0 $0x1082;
	s9 =	sld [smem:$0x3FB3]  }
0x2f: {  	lr =	sadd.s32 s0, s3;
	s0 =	sld [smem:$0x3FAA]  }
0x30: {  	s3 =	sld [smem:$0x3FAD]  }
0x31: {  	[smem:$0x3FB6] =	sst s10  }
0x32: {  	s10 =	sld [smem:$0x3FB4];
	_ =	sdelay $0x3  }
0x33: {  	p0 =	seq.s32 s10, $0x1;
	s10 =	sld [smem:$0x3FB6];
	_ =	sdelay $0x3  }
0x34: {  	[smem:$0x3FB6] =	sst s10  }
0x35: {  	s10 =	sld [smem:$0x3FB5];
	_ =	sdelay $0x3  }
0x36: {  	p1 =	seq.s32 s10, $0x1;
	s10 =	sld [smem:$0x3FB6];
	_ =	sdelay $0x3  }
0x37: {  	[smem:$0x3FB6] =	sst s10  }
0x38: {  	s10 =	sld [smem:$0x3FB7]  }
0x39: {  	_ = 	snop;
	(pc) =	sbr.ind lr, $3  }
0x3a: {  	_ = 	snop  }
0x3b: {  	_ = 	snop  }
0x3c: {  	p2 =	seq.s32 s10, $0x1;
	s10 =	sld [smem:$0x3FB6]  }
0x3d: {  	_ =	shalt  }
0x3e: {  	_ =	shalt  }
0x3f: {  	_ =	shalt  }
0x40: {  	_ =	shalt  }
0x41: {  	_ =	shalt  }
0x42: {  	_ =	shalt  }
0x43: {  	_ =	shalt  }
0x44: {  	_ =	shalt  }
0x45: {  	_ =	shalt  }
0x46: {  	_ =	shalt  }
0x47: {  	_ =	shalt  }
0x48: {  	_ =	shalt  }
0x49: {  	_ =	shalt  }
0x4a: {  	_ =	shalt  }
0x4b: {  	_ =	shalt  }
0x4c: {  	_ =	shalt  }
0x4d: {  	_ =	shalt  }
0x4e: {  	_ =	shalt  }
0x4f: {  	_ =	shalt  }
0x50: {  	_ =	shalt  }
0x51: {  	_ =	shalt  }
0x52: {  	_ =	shalt  }
0x53: {  	_ =	shalt  }
0x54: {  	_ =	shalt  }
0x55: {  	_ =	shalt  }
0x56: {  	_ =	shalt  }
0x57: {  	_ =	shalt  }
0x58: {  	_ =	shalt  }
0x59: {  	_ =	shalt  }
0x5a: {  	_ =	shalt  }
0x5b: {  	_ =	shalt  }
0x5c: {  	_ =	shalt  }
0x5d: {  	_ =	shalt  }
0x5e: {  	_ =	shalt  }
0x5f: {  	_ =	shalt  }
0x60: {  	_ =	shalt  }
0x61: {  	_ =	shalt  }
0x62: {  	_ =	shalt  }
0x63: {  	_ =	shalt  }
0x64: {  	_ =	shalt  }
0x65: {  	_ =	shalt  }
0x66: {  	_ =	shalt  }
0x67: {  	_ =	shalt  }
0x68: {  	_ =	shalt  }
0x69: {  	_ =	shalt  }
0x6a: {  	_ =	shalt  }
0x6b: {  	_ =	shalt  }
0x6c: {  	_ =	shalt  }
0x6d: {  	_ =	shalt  }
0x6e: {  	_ =	shalt  }
0x6f: {  	_ =	shalt  }
0x70: {  	_ =	shalt  }
0x71: {  	_ =	shalt  }
0x72: {  	_ =	shalt  }
0x73: {  	_ =	shalt  }
0x74: {  	_ =	shalt  }
0x75: {  	_ =	shalt  }
0x76: {  	_ =	shalt  }
0x77: {  	_ =	shalt  }
0x78: {  	_ =	shalt  }
0x79: {  	_ =	shalt  }
0x7a: {  	_ =	shalt  }
0x7b: {  	_ =	shalt  }
0x7c: {  	_ =	shalt  }
0x7d: {  	_ =	shalt  }
0x7e: {  	_ =	shalt  }
0x7f: {  	_ =	shalt  }
0x80: {  	_ =	shalt  }
0x81: {  	_ =	shalt  }
0x82: {  	_ =	shalt  }
0x83: {  	_ =	shalt  }
0x84: {  	_ =	shalt  }
0x85: {  	_ =	shalt  }
0x86: {  	_ =	shalt  }
0x87: {  	_ =	shalt  }
.Lfunc_end0:
.L_simem_size_0:
called_computation_lowered:
.L_overlay_start_0:
0x88: {  	s2 =	sld [smem:$0x3FD9]  }
0x89: {  	s3 =	sld [smem:$0x3FFE];
	_ =	sdelay $0x1  }
0x8a: {  	s1 =	srdreg.scid  }
0x8b: {  	s0 =	sand.u32 $0x1, s1  }
0x8c: {  	s18 =	sshll.u32 s0, $0xA;
	s2 =	sadd.s32 s3, s2  }
0x8d: {  	s2 =	sadd.s32 s2, s18  }
0x8e: {  	[smem:$0x3FC2] =	sst s2  }
0x8f: {  	_ = 	snop  }
0x90: {  	s2 =	sld [smem:$0x3FC8]  }
0x91: {  	s19 =	sld [smem:$0x3FD0];
	(tm) =	ssettm $0x1  }
0x92: {  	s4 =	sld [smem:$0x3FFB];
	_ =	sdelay $0x3  }
0x93: {  	_ =	strace s4  }
0x94: {  	s4 =	sld [smem:$0x3FFC];
	_ =	sdelay $0x3  }
0x95: {  	_ =	strace s4  }
0x96: {  	s4 =	sld [smem:$0x3FFD];
	_ =	sdelay $0x3  }
0x97: {  	_ =	strace s4  }
0x98: {  	_ =	strace $0x8FFFFFFF  }
0x99: {  	s20 =	sld [smem:$0x3FDB];
	_ =	sdelay $0x1  }
0x9a: {  	s5 =	simm.s32 $_scs_section_size  }
0x9b: {  	s6 =	simm.s32 $_size__tile_overlayer_lowered;
	s7 =	simm.s32 $_tile_overlayer_lowered  }
0x9c: {  	s23 =	simm.s32 $0x1BFF;
	s22 =	sshll.u32 s7, $0x1;
	s4 =	sadd.s32 s5, s20  }
0x9d: {  	s8 =	simm.s32 $0x0;
	s21 =	sshll.u32 s6, $0x1;
	s6 =	sadd.s32 s22, s4  }
0x9e: {  	[timem:s8], [sflag:s23] =	dma.local [hbm:s6], s21  }
0x9f: {  	_ =	swait.ge [sflag:s23], s21  }
0xa0: {  	s5 =	ssub.s32 $0x0, s21;
	[sflag:s23] =	ssyncset.done $0x0  }
0xa1: {  	[sflag:s23] =	ssyncadd.s32 s5;
	_ =	sdelay $0x1  }
0xa2: {  	s24 =	simm.s32 $0x1B8B  }
0xa3: {  	_ =	swait.ge [sflag:s24], $0x1  }
0xa4: {  	[sflag:s24] =	ssyncset.done $0x0  }
0xa5: {  	s25 =	simm.s32 $0x1B8E;
	[sflag:s24] =	ssyncadd.s32 $0xFFFFFFFF  }
0xa6: {  	s26 =	simm.s32 $execute0_lowered;
	[smem:$0x3FD2] =	sst s25  }
0xa7: {  	s5 =	sshll.u32 s26, $0x1;
	_ =	strace $0x80000046;
	[dreg:$0x1] =	wrdreg $0xFFFFFFFF  }
0xa8: {  	s28 =	simm.s32 $_size_execute0_lowered;
	s4 =	sadd.s32 s4, s5;
	[dreg:$0x0] =	wrdreg $0x0  }
0xa9: {  	s5 =	sshll.u32 s28, $0x1;
	[dreg:$0x2] =	wrdreg s4  }
0xaa: {  	[dreg:$0x3] =	wrdreg s5  }
0xab: {  	[dreg:$0x4] =	wrdreg $0xC0  }
0xac: {  	_ =	task [dreg:s8], $0x5FFFF  }
0xad: {  	[dreg:$0x1] =	wrdreg $0xFFFFFFFF  }
0xae: {  	[dreg:$0x0] =	wrdreg $0x60  }
0xaf: {  	[dreg:$0x2] =	wrdreg s2  }
0xb0: {  	[dreg:$0x3] =	wrdreg s19  }
0xb1: {  	[dreg:$0x4] =	wrdreg $0xA1800  }
0xb2: {  	[dreg:$0x5] =	wrdreg $0x9  }
0xb3: {  	_ =	task.clear_ibuf [dreg:s8], $0x6FFFF;
	_ =	strace $0x90000046  }
0xb4: {  	s29 =	simm.s32 $0x9;
	_ =	strace $0x80000048  }
0xb5: {  	_ =	swait.ge [sflag:s29], $0x1  }
0xb6: {  	[sflag:s29] =	ssyncadd.s32 $0xFFFFFFFF  }
0xb7: {  	_ =	strace $0x90000048  }
0xb8: {  	_ =	sfence  }
0xb9: {  	s30 =	sld [smem:$0x0];
	_ =	sdelay $0x2  }
0xba: {  	s31 =	sshll.u32 s1, $0xD;
	s1 =	sshrl.u32 s1, $0x2  }
0xbb: {  	s3 =	sand.u32 $0x4000, s31;
	s1 =	sadd.s32 s1, s30  }
0xbc: {  	s0 =	sor.u32 s3, s0;
	s1 =	sshll.u32 s1, $0x11  }
0xbd: {  	s0 =	sor.u32 s1, s0  }
0xbe: {  	s0 =	sadd.s32 $0x8F2B, s0  }
0xbf: {  	[sflag:s0] =	ssyncadd.remote.s32 $0x1  }
0xc0: {  	_ =	sfence.sel $0xFFFF  }
0xc1: {  	[dreg:$0x0] =	wrdreg $0xFFFFFFFF;
	(pc) =	sbr.abs _section_cstart, $3  }
0xc2: {  	[dreg:$0x1] =	wrdreg $0xFFFFFFFF  }
0xc3: {  	_ =	task.clear_ibuf [dreg:s8], $0x2FFFF;
	_ =	strace $0x9FFFFFFF  }
0xc4: {  	(tm) =	ssettm $0x7FFFFFFF  }
0xc5: {  	_ =	shalt  }
tec
execute0_lowered:
.L_overlay_start_1:
0x0: {  	(tag) =	ssettag $0x1  }
0x1: {  	s8 =	rddreg [dreg:$0x0]  }
0x2: {  	s6 =	rddreg [dreg:$0x1]  }
0x3: {  	s5 =	rddreg [dreg:$0x2]  }
0x4: {  	s0 =	rddreg [dreg:$0x3];
	s1 =	simm.s32 $0x0  }
0x5: {  	s2 =	srdreg.scid;
	s15 =	simm.s32 $0x14000;
	s16 =	simm.s32 $0x7700  }
0x6: {  	s17 =	simm.s32 $0x100;
	s18 =	simm.s32 $0x9F00;
	[smem:$0x7FF] =	sst s1  }
0x7: {  	s4 =	sand.u32 $0x1, s2;
	s2 =	stileid.u32;
	_ =	strace $0x80000047  }
0x8: {  	s3 =	ssub.s32 $0x2, s4;
	s9 =	sshll.u32 s2, $0x6;
	s10 =	sshll.u32 s4, $0x5  }
0x9: {  	s7 =	sshrl.u32 s2, $0x3;
	s30 =	smul.u32 $0x5000, s2;
	s13 =	sshll.u32 s2, $0x7  }
0xa: {  	s14 =	smul.u32 $0x500, s2;
	s4 =	sshll.u32 s4, $0x7;
	p0 =	sgt.u32 s2, $0x1  }
0xb: {  	s11 =	sshrl.u32 s3, $0x1;
	s12 =	sor.u32 s10, s9;
	s7 =	smul.u32 $0x50000, s7  }
0xc: {  	s13 =	sand.u32 $0x380, s13;
	s11 =	ssub.s32 s3, s11;
	s29 =	sadd.s32 s12, s8  }
0xd: {  	s12 =	sshrl.u32 s30, $0x2;
	s14 =	sor.u32 s4, s14;
	s8 =	sadd.s32 s9, s8  }
0xe: {  	s9 =	simm.s32 $0x1;
	s3 =	sadd.s32 $0x13800, s29;
	s7 =	sshrl.u32 s7, $0x2  }
0xf: {  	s31 =	sshrl.u32 s14, $0x3;
	s8 =	sadd.s32 s10, s8;
	s10 =	simm.s32 $0x4F00  }
0x10: {  	s14 =	simm.s32 $0x1400;
	s7 =	sadd.s32 s7, s5;
	s5 =	sadd.s32 s12, s5  }
0x11: {  	s6 =	sadd.s32 s6, s31;
	s12 =	simm.s32 $0x400;
	s4 =	sadd.s32 s13, s7  }
0x12: {  	v0 =	vimm.f32 $0.0e+00;
	v1 =	vimm.f32 $1.000000000e+00;
	s7 =	smax.u32 s11, $0x1;
	s11 =	simm.s32 $0x80;
	s13 =	simm.s32 $0x2  }
.LBB2_1:
0x13: {  	s19 =	simm.s32 $0x400  }
0x14: {  	s21 =	simm.s32 $0x0;
	s22 =	sadd.s32 $0x0, s8;
	s20 =	simm.s32 $0x0  }
.LBB2_2:
0x15: {  	[tilespmem:s21], [sflag:$0x1] =	stream.linear.gather [hbm4b:s22+s20], $0x100, $0x38;
	[tilespmem:$0xC980] =	vst v63  }
0x16: {  	s20 =	smov.u32 s19;
	p1 =	sne.s32 s19, $0x13400  }
.Ltmp0:
0x17: {  	s19 =	sadd.s32 $0x400, s19;
	(pc) =	sbr.rel @p1 .LBB2_2-.Ltmp0, $2  }
0x18: {  	_ =	sdelay $0x2  }
0x19: {  	s21 =	sshra.s32 s20, $0x2;
	s22 =	sadd.s32 s20, s8;
	s20 =	simm.s32 $0x0  }
0x1a: {  	[tilespmem:s21], [sflag:$0x1] =	stream.linear.gather [hbm4b:s22+s20], $0x100, $0x38;
	[tilespmem:$0xC980] =	vst v63  }
.LBB2_4:
0x1b: {  	p1 =	sne.s32 s20, $0x9FC0  }
.Ltmp1:
0x1c: {  	_ = 	snop;
	(pc) =	sbr.rel @p1 .LBB2_4-.Ltmp1, $3  }
0x1d: {  	_ =	sdelay $0x1  }
0x1e: {  	s19 =	sshra.s32 s20, $0x2  }
0x1f: {  	s20 =	sadd.s32 $0x40, s20;
	[tilespmem:s19+$0x4F00] =	vst v0  }
0x20: {  	s19 =	simm.s32 $0x4E  }
.LBB2_6:
0x21: {  	p1 =	sne.s32 s19, $0x1  }
.Ltmp2:
0x22: {  	_ = 	snop;
	(pc) =	sbr.rel @p1 .LBB2_6-.Ltmp2, $4  }
0x23: {  	_ = 	snop  }
0x24: {  	_ =	swait.ge [sflag:s9], $0x100  }
0x25: {  	[sflag:s9] =	ssyncset.done $0x0  }
0x26: {  	s19 =	sadd.s32 $0xFFFFFFFF, s19;
	[sflag:s9] =	ssyncadd.s32 $0xFFFFFF00  }
0x27: {  	s19 =	simm.s32 $0x0  }
0x28: {  	s20 =	sand.u32 $0x70, s19;
	s19 =	sand.u32 $0x7F00, s19  }
0x29: {  	s20 =	sor.u32 s20, s19  }
0x2a: {  	v2 =	vld [tilespmem:s20+$0x80];
	_ =	sdelay $0x5  }
0x2b: {  	s21 =	simm.s32 $0x10;
	s19 =	simm.s32 $0x20  }
0x2c: {  	s21 =	sand.u32 $0x70, s21;
	s22 =	sand.u32 $0x7F00, s19;
	s20 =	simm.s32 $0x20  }
.LBB2_8:
0x2d: {  	p1 =	sne.s32 s20, $0x26F0;
	s21 =	sor.u32 s21, s22;
	[tilespmem:v2+s10+$0x0] =	vst.idx.add.f32.msk $0xffff, v1  }
0x2e: {  	v2 =	vld [tilespmem:s21+$0x80];
	_ =	sdelay $0x2  }
.Ltmp3:
0x2f: {  	(pc) =	sbr.rel @p1 .LBB2_8-.Ltmp3, $3  }
0x30: {  	_ =	sdelay $0x1  }
0x31: {  	s19 =	sadd.s32 $0x20, s19  }
0x32: {  	s21 =	sand.u32 $0x70, s20;
	s22 =	sand.u32 $0x7F00, s19;
	s20 =	sadd.s32 $0x10, s20  }
0x33: {  	_ =	sdelay $0x3  }
0x34: {  	s19 =	sor.u32 s21, s22;
	[tilespmem:v2+s10+$0x0] =	vst.idx.add.f32.msk $0xffff, v1  }
0x35: {  	v2 =	vld [tilespmem:s19+$0x80];
	_ =	sdelay $0x7  }
0x36: {  	s20 =	simm.s32 @!p0 $0x4E00;
	s19 =	simm.s32 @!p0 $0x0;
	[tilespmem:v2+s10+$0x0] =	vst.idx.add.f32.msk $0xffff, v1  }
0x37: {  	[tilespmem:s20], [sflag:$0x2] =	stream.linear.gather @!p0 [hbm4b:s3+s19], $0x100, $0x38;
	[tilespmem:$0xC980] =	vst v63  }
0x38: {  	s19 =	simm.s32 @!p0 $0x2  }
0x39: {  	_ =	swait.ge @!p0 [sflag:s19], $0x100  }
0x3a: {  	[sflag:s19] =	ssyncset.done @!p0 $0x0  }
0x3b: {  	[sflag:s19] =	ssyncadd.s32 @!p0 $0xFFFFFF00  }
0x3c: {  	v2 =	vld @!p0 [tilespmem:$0x4E80];
	_ =	sdelay $0x6  }
0x3d: {  	v3 =	vimm.f32 @!p0 $1.000000000e+00;
	s19 =	simm.s32 @!p0 $0x4F00  }
0x3e: {  	[tilespmem:v2+s19+$0x0] =	vst.idx.add.f32.msk @!p0 $0xffff, v3  }
0x3f: {  	v2 =	vld @!p0 [tilespmem:$0x4E90];
	_ =	sdelay $0x7  }
0x40: {  	[tilespmem:v2+s19+$0x0] =	vst.idx.add.f32.msk @!p0 $0xffff, v3  }
0x41: {  	v2 =	vld @!p0 [tilespmem:$0x4EA0];
	_ =	sdelay $0x7  }
0x42: {  	[tilespmem:v2+s19+$0x0] =	vst.idx.add.f32.msk @!p0 $0xffff, v3  }
0x43: {  	v2 =	vld @!p0 [tilespmem:$0x4EB0];
	_ =	sdelay $0x7  }
0x44: {  	[tilespmem:v2+s19+$0x0] =	vst.idx.add.f32.msk @!p0 $0xffff, v3  }
0x45: {  	v2 =	vld @!p0 [tilespmem:$0x4EC0];
	_ =	sdelay $0x7  }
0x46: {  	[tilespmem:v2+s19+$0x0] =	vst.idx.add.f32.msk @!p0 $0xffff, v3  }
0x47: {  	v2 =	vld @!p0 [tilespmem:$0x4ED0];
	_ =	sdelay $0x7  }
0x48: {  	[tilespmem:v2+s19+$0x0] =	vst.idx.add.f32.msk @!p0 $0xffff, v3  }
0x49: {  	v2 =	vld @!p0 [tilespmem:$0x4EE0];
	_ =	sdelay $0x7  }
0x4a: {  	[tilespmem:v2+s19+$0x0] =	vst.idx.add.f32.msk @!p0 $0xffff, v3  }
0x4b: {  	v2 =	vld @!p0 [tilespmem:$0x4EF0];
	_ =	sdelay $0x7  }
0x4c: {  	[tilespmem:v2+s19+$0x0] =	vst.idx.add.f32.msk @!p0 $0xffff, v3  }
0x4d: {  	[spmem:s4] =	stream.strided.scatter [tilespmem:s10], [sflag:$0x2], $0x2800, s12, s11, $0x38;
	[tilespmem:$0xC980] =	vst v63  }
0x4e: {  	_ =	swait.ge [sflag:s13], $0x2800  }
0x4f: {  	[sflag:s13] =	ssyncset.done $0x0  }
0x50: {  	[sflag:s13] =	ssyncadd.s32 $0xFFFFD800  }
0x51: {  	[bflag:$0x0] =	sbarrier.arrive $0xFFFF  }
0x52: {  	[tilespmem:s16], [sflag:$0x2] =	stream.strided.gather [spmem:s5], $0x2800, s15, s14, $0x38;
	[tilespmem:$0xC980] =	vst v63  }
0x53: {  	s28 =	simm.s32 $0x0;
	_ =	swait.ge [sflag:s13], $0x2800  }
0x54: {  	s29 =	sand.u32 $0x70, s28;
	s19 =	sand.u32 $0x1C00, s28;
	[sflag:s13] =	ssyncset.done $0x0  }
0x55: {  	s19 =	sor.u32 s29, s19;
	[sflag:s13] =	ssyncadd.s32 $0xFFFFD800  }
0x56: {  	v2 =	vld [tilespmem:s19+$0x7780]  }
0x57: {  	v3 =	vld [tilespmem:s19+$0x7700];
	_ =	sdelay $0x1  }
0x58: {  	v4 =	vld [tilespmem:s19+$0x7800];
	_ =	sdelay $0x1  }
0x59: {  	v5 =	vld [tilespmem:s19+$0x7880]  }
0x5a: {  	v2 =	vadd.f32 v2, v3  }
0x5b: {  	v3 =	vld [tilespmem:s19+$0x7900]  }
0x5c: {  	v2 =	vadd.f32 v4, v2  }
0x5d: {  	v56 =	vld [tilespmem:s19+$0x7980]  }
0x5e: {  	v2 =	vadd.f32 v5, v2  }
0x5f: {  	v57 =	vld [tilespmem:s19+$0x7A00]  }
0x60: {  	v2 =	vadd.f32 v3, v2  }
0x61: {  	v3 =	vld [tilespmem:s19+$0x7A80]  }
0x62: {  	v2 =	vadd.f32 v56, v2  }
0x63: {  	v58 =	vld [tilespmem:s19+$0x8B00]  }
0x64: {  	v2 =	vadd.f32 v57, v2  }
0x65: {  	v59 =	vld [tilespmem:s19+$0x8B80]  }
0x66: {  	v2 =	vadd.f32 v3, v2  }
0x67: {  	v3 =	vld [tilespmem:s19+$0x8C00]  }
0x68: {  	v2 =	vadd.f32 v58, v2  }
0x69: {  	v60 =	vld [tilespmem:s19+$0x8C80]  }
0x6a: {  	v2 =	vadd.f32 v59, v2  }
0x6b: {  	v61 =	vld [tilespmem:s19+$0x8D00]  }
0x6c: {  	v2 =	vadd.f32 v3, v2  }
0x6d: {  	v3 =	vld [tilespmem:s19+$0x8D80]  }
0x6e: {  	v2 =	vadd.f32 v60, v2  }
0x6f: {  	v62 =	vld [tilespmem:s19+$0x8E00]  }
0x70: {  	v2 =	vadd.f32 v61, v2  }
0x71: {  	v63 =	vld [tilespmem:s19+$0x8E80]  }
0x72: {  	v2 =	vadd.f32 v3, v2;
	_ =	sdelay $0x1  }
0x73: {  	v2 =	vadd.f32 v62, v2;
	_ =	sdelay $0x1  }
0x74: {  	s30 =	simm.s32 $0x10;
	s21 =	simm.s32 $0x80;
	v2 =	vadd.f32 v63, v2  }
0x75: {  	s31 =	sand.u32 $0x1C00, s21;
	s20 =	sand.u32 $0x70, s30;
	s19 =	simm.s32 $0x9F00  }
0x76: {  	s22 =	simm.s32 $0x20;
	s20 =	sor.u32 s20, s31;
	[tilespmem:s19+$0x0] =	vst v2  }
.LBB2_10:
0x77: {  	p1 =	sne.s32 s22, $0x270;
	v2 =	vld [tilespmem:s20+$0x7780]  }
0x78: {  	v3 =	vld [tilespmem:s20+$0x7700];
	_ =	sdelay $0x1  }
0x79: {  	v4 =	vld [tilespmem:s20+$0x7800];
	_ =	sdelay $0x1  }
0x7a: {  	v5 =	vld [tilespmem:s20+$0x7880]  }
0x7b: {  	v2 =	vadd.f32 v2, v3  }
0x7c: {  	v3 =	vld [tilespmem:s20+$0x7900]  }
0x7d: {  	v2 =	vadd.f32 v4, v2  }
0x7e: {  	v4 =	vld [tilespmem:s20+$0x7980]  }
0x7f: {  	v2 =	vadd.f32 v5, v2  }
0x80: {  	v5 =	vld [tilespmem:s20+$0x7A00]  }
0x81: {  	v2 =	vadd.f32 v3, v2  }
0x82: {  	v3 =	vld [tilespmem:s20+$0x7A80]  }
0x83: {  	v2 =	vadd.f32 v4, v2  }
0x84: {  	v4 =	vld [tilespmem:s20+$0x8B00]  }
0x85: {  	v2 =	vadd.f32 v5, v2  }
0x86: {  	v5 =	vld [tilespmem:s20+$0x8B80]  }
0x87: {  	v2 =	vadd.f32 v3, v2  }
0x88: {  	v3 =	vld [tilespmem:s20+$0x8C00]  }
0x89: {  	v2 =	vadd.f32 v4, v2  }
0x8a: {  	v4 =	vld [tilespmem:s20+$0x8C80]  }
0x8b: {  	v2 =	vadd.f32 v5, v2  }
0x8c: {  	v5 =	vld [tilespmem:s20+$0x8D00]  }
0x8d: {  	v2 =	vadd.f32 v3, v2  }
0x8e: {  	v3 =	vld [tilespmem:s20+$0x8D80]  }
0x8f: {  	v2 =	vadd.f32 v4, v2  }
0x90: {  	v4 =	vld [tilespmem:s20+$0x8E00]  }
0x91: {  	v2 =	vadd.f32 v5, v2  }
0x92: {  	v5 =	vld [tilespmem:s20+$0x8E80]  }
0x93: {  	v2 =	vadd.f32 v3, v2;
	_ =	sdelay $0x1  }
.Ltmp4:
0x94: {  	v2 =	vadd.f32 v4, v2;
	(pc) =	sbr.rel @p1 .LBB2_10-.Ltmp4, $4  }
0x95: {  	_ = 	snop  }
0x96: {  	s21 =	sadd.s32 $0x80, s21;
	v2 =	vadd.f32 v5, v2  }
0x97: {  	s19 =	sadd.s32 $0x10, s19;
	s23 =	sand.u32 $0x1C00, s21;
	s20 =	sand.u32 $0x70, s22  }
0x98: {  	s22 =	sadd.s32 $0x10, s22;
	s20 =	sor.u32 s20, s23;
	[tilespmem:s19+$0x0] =	vst v2  }
0x99: {  	v2 =	vld [tilespmem:s20+$0x7780]  }
0x9a: {  	v3 =	vld [tilespmem:s20+$0x7700];
	_ =	sdelay $0x1  }
0x9b: {  	v4 =	vld [tilespmem:s20+$0x7800];
	_ =	sdelay $0x1  }
0x9c: {  	v5 =	vld [tilespmem:s20+$0x7880]  }
0x9d: {  	v2 =	vadd.f32 v2, v3  }
0x9e: {  	v3 =	vld [tilespmem:s20+$0x7900]  }
0x9f: {  	v2 =	vadd.f32 v4, v2  }
0xa0: {  	v56 =	vld [tilespmem:s20+$0x7980]  }
0xa1: {  	v2 =	vadd.f32 v5, v2  }
0xa2: {  	v57 =	vld [tilespmem:s20+$0x7A00]  }
0xa3: {  	v2 =	vadd.f32 v3, v2  }
0xa4: {  	v3 =	vld [tilespmem:s20+$0x7A80]  }
0xa5: {  	v2 =	vadd.f32 v56, v2  }
0xa6: {  	v58 =	vld [tilespmem:s20+$0x8B00]  }
0xa7: {  	v2 =	vadd.f32 v57, v2  }
0xa8: {  	v59 =	vld [tilespmem:s20+$0x8B80]  }
0xa9: {  	v2 =	vadd.f32 v3, v2  }
0xaa: {  	v3 =	vld [tilespmem:s20+$0x8C00]  }
0xab: {  	v2 =	vadd.f32 v58, v2  }
0xac: {  	v60 =	vld [tilespmem:s20+$0x8C80]  }
0xad: {  	v2 =	vadd.f32 v59, v2  }
0xae: {  	v61 =	vld [tilespmem:s20+$0x8D00]  }
0xaf: {  	v2 =	vadd.f32 v3, v2  }
0xb0: {  	v3 =	vld [tilespmem:s20+$0x8D80]  }
0xb1: {  	v2 =	vadd.f32 v60, v2  }
0xb2: {  	v62 =	vld [tilespmem:s20+$0x8E00]  }
0xb3: {  	v2 =	vadd.f32 v61, v2  }
0xb4: {  	v63 =	vld [tilespmem:s20+$0x8E80]  }
0xb5: {  	v2 =	vadd.f32 v3, v2;
	_ =	sdelay $0x1  }
0xb6: {  	v2 =	vadd.f32 v62, v2;
	_ =	sdelay $0x1  }
0xb7: {  	s1 =	sadd.s32 $0x1, s1;
	v2 =	vadd.f32 v63, v2  }
0xb8: {  	s19 =	sadd.s32 $0x10, s19;
	p1 =	sne.s32 s1, s7  }
.Ltmp5:
0xb9: {  	[tilespmem:s19+$0x0] =	vst v2;
	(pc) =	sbr.rel @p1 .LBB2_1-.Ltmp5, $4  }
0xba: {  	[hbm4b:s6+s11] =	stream.strided.scatter [tilespmem:s18], [sflag:$0x2], $0x280, s17, s11, $0x38;
	[tilespmem:$0xC980] =	vst v63  }
0xbb: {  	_ =	swait.ge [sflag:s13], $0x280  }
0xbc: {  	[sflag:s13] =	ssyncset.done $0x0  }
0xbd: {  	[sflag:s13] =	ssyncadd.s32 $0xFFFFFD80  }
0xbe: {  	_ =	sfence.sel $0x180000  }
0xbf: {  	[bflag:$0x0] =	sbarrier.arrive $0xFFFF  }
0xc0: {  	p0 =	sne.s32 s2, $0x0;
	_ =	strace $0x90000047  }
0xc1: {  	s0 =	sadd.s32 @!p0 $0x100000, s0;
	[bflag:$0x2] =	sbarrier.arrive $0xFFFF  }
0xc2: {  	[sflag:s0] =	ssyncadd.tile.s32 @!p0 $0x1;
	_ =	shalt  }
.Lfunc_end2:
_tile_overlayer_lowered:
.L_overlay_start_2:
0xc3: {  	(tag) =	ssettag $0x2  }
0xc4: {  	s0 =	rddreg [dreg:$0x0];
	s2 =	stileid.u32  }
0xc5: {  	s1 =	rddreg [dreg:$0x1];
	p0 =	sne.s32 s2, $0x0  }
0xc6: {  	s3 =	rddreg [dreg:$0x2];
	[bflag:$0x3] =	sbarrier.arrive $0xFFFF;
	s2 =	simm.s32 @!p0 $0x1C02  }
0xc7: {  	[timem:s3], [sflag:s2] =	dma.local @!p0 [hbm:s0], s1  }
0xc8: {  	s0 =	simm.s32 @!p0 $0x2  }
0xc9: {  	_ =	swait.ge @!p0 [sflag:s0], s1  }
0xca: {  	s1 =	ssub.s32 @!p0 $0x0, s1;
	[sflag:s0] =	ssyncset.done @!p0 $0x0  }
0xcb: {  	[sflag:s0] =	ssyncadd.s32 @!p0 s1  }
0xcc: {  	[bflag:$0x3] =	sbarrier.arrive $0xFFFF  }
0xcd: {  	_ =	shalt  }

</sc_bundles>
